<compile_context>
chip_gen: v7x
topology: tpu7x:2x2x1
jax: 0.10.2.dev20260603
libtpu: 0.0.44.dev20260713+nightly
codegen_flags: <defaults>
</compile_context>

<pallas_src>
import functools

import jax
import jax.numpy as jnp
from jax import lax
from jax.experimental import pallas as pl
from jax.experimental.pallas import tpu as pltpu
from jax.experimental.pallas import tpu_sc as plsc

_N = 10000
_NPAD = 10240
_E = 320000
_D = 128
_NC = 2
_NS = 16
_NW = _NC * _NS
_K = 128
_G = 8
_B = 2
_LA = _B - 1
_NG = 10
_TOTCH = _NW * _NG * _G
_EPAD = _TOTCH * _K
_ZR = 8


def _make_sc_agg(with_deg):
  mesh = plsc.VectorSubcoreMesh(core_axis_name="c", subcore_axis_name="s")
  rows_per_tile = _NPAD // _NS

  out_type = [jax.ShapeDtypeStruct((_NC, _NPAD, _D), jnp.float32)]
  scratch = [
      pltpu.VMEM((2, _G, _K), jnp.int32),
      pltpu.VMEM((2, _G, _K), jnp.int32),
      pltpu.VMEM((_B, _K, _D), jnp.float32),
      pltpu.VMEM((_ZR, _D), jnp.float32),
      pltpu.VMEM_SHARED((_NPAD, _D), jnp.float32),
      pltpu.SemaphoreType.DMA,
      pltpu.SemaphoreType.DMA,
      pltpu.SemaphoreType.DMA,
      pltpu.SemaphoreType.DMA,
      pltpu.SemaphoreType.DMA,
      pltpu.SemaphoreType.DMA,
      pltpu.SemaphoreType.DMA,
      pltpu.SemaphoreType.DMA,
  ]
  if with_deg:
    out_type.append(jax.ShapeDtypeStruct((_NW, 1, _NPAD), jnp.float32))
    scratch.append(pltpu.VMEM((1, _NPAD), jnp.float32))

  @functools.partial(pl.kernel, mesh=mesh, out_type=out_type,
                     scratch_types=scratch,
                     compiler_params=pltpu.CompilerParams(
                         needs_layout_passes=False))
  def k(x_hbm, src_hbm, dst_hbm, out_hbm, *rest):
    if with_deg:
      (deg_hbm, src_v, dst_v, rows_v, zb_v, acc_sh, isem,
       g0, g1, g2, s0, s1, s2, zsem, hist_v) = rest
    else:
      (src_v, dst_v, rows_v, zb_v, acc_sh, isem,
       g0, g1, g2, s0, s1, s2, zsem) = rest
    gsems = [g0, g1, g2]
    ssems = [s0, s1, s2]
    cid = lax.axis_index("c")
    sid = lax.axis_index("s")
    wid = cid * _NS + sid
    cbase = wid * (_NG * _G)

    coff = pl.multiple_of(cbase, _G)
    pltpu.async_copy(src_hbm.at[pl.ds(coff, _G)], src_v.at[0], isem)
    pltpu.async_copy(dst_hbm.at[pl.ds(coff, _G)], dst_v.at[0], isem)

    def zrow(i, carry):
      for j in range(_D // 16):
        zb_v[i, pl.ds(j * 16, 16)] = jnp.zeros((16,), jnp.float32)
      return carry

    lax.fori_loop(0, _ZR, zrow, 0)

    def zslice(i, carry):
      pltpu.async_copy(zb_v,
                       acc_sh.at[pl.ds(sid * rows_per_tile + i * _ZR, _ZR)],
                       zsem)
      return carry

    lax.fori_loop(0, rows_per_tile // _ZR, zslice, 0)

    def zdrain(i, carry):
      pltpu.make_async_copy(
          zb_v, acc_sh.at[pl.ds(sid * rows_per_tile + i * _ZR, _ZR)],
          zsem).wait()
      return carry

    lax.fori_loop(0, rows_per_tile // _ZR, zdrain, 0)

    if with_deg:
      def zhist(i, carry):
        hist_v[0, pl.ds(i * 16, 16)] = jnp.zeros((16,), jnp.float32)
        return carry

      lax.fori_loop(0, _NPAD // 16, zhist, 0)

    plsc.subcore_barrier()

    ones16 = jnp.full((16,), 1.0, jnp.float32)
    zero16 = jnp.zeros((16,), jnp.int32)

    def group(g, carry):
      gb = g % 2
      goff = pl.multiple_of(cbase + g * _G, _G)
      pltpu.make_async_copy(src_hbm.at[pl.ds(goff, _G)], src_v.at[gb],
                            isem).wait()
      pltpu.make_async_copy(dst_hbm.at[pl.ds(goff, _G)], dst_v.at[gb],
                            isem).wait()

      @pl.when(g + 1 < _NG)
      def _():
        goff2 = pl.multiple_of(cbase + (g + 1) * _G, _G)
        pltpu.async_copy(src_hbm.at[pl.ds(goff2, _G)], src_v.at[1 - gb],
                         isem)
        pltpu.async_copy(dst_hbm.at[pl.ds(goff2, _G)], dst_v.at[1 - gb],
                         isem)

      def gather(i, b):
        return pltpu.async_copy(x_hbm.at[src_v.at[gb, i]], rows_v.at[b],
                                gsems[b])

      def scatter(i, b):
        return pltpu.async_copy(rows_v.at[b], acc_sh.at[dst_v.at[gb, i]],
                                ssems[b], add=True)

      cps = [None] * _B
      scs = [None] * _B
      for j in range(_LA):
        cps[j] = gather(j, j)
      for i in range(_G):
        b = i % _B
        nb = (i + _LA) % _B
        if i + _LA < _G:
          if scs[nb] is not None:
            scs[nb].wait()
          cps[nb] = gather(i + _LA, nb)
        cps[b].wait()
        scs[b] = scatter(i, b)
        if with_deg:
          for j in range(_K // 16):
            idxv = dst_v[gb, i, pl.ds(j * 16, 16)]
            plsc.addupdate_scatter(hist_v, [zero16, idxv], ones16)
      for i in range(_G - _B, _G):
        scs[i % _B].wait()
      return carry

    lax.fori_loop(0, _NG, group, 0)

    plsc.subcore_barrier()

    pltpu.sync_copy(acc_sh.at[pl.ds(sid * rows_per_tile, rows_per_tile)],
                    out_hbm.at[cid, pl.ds(sid * rows_per_tile, rows_per_tile)])
    if with_deg:
      pltpu.sync_copy(hist_v, deg_hbm.at[wid])

  return k


_sc_agg_deg = _make_sc_agg(True)
_sc_agg = _make_sc_agg(False)

_R = 1000


def _dense1_body(p_ref, dT_ref, x_ref, wl_ref, b_ref, wr_ref, h_ref, rdeg_ref):
  s = p_ref[0] + p_ref[1]
  deg = jnp.sum(dT_ref[...], axis=1, keepdims=True)
  rdeg = 1.0 / jnp.maximum(deg, 1.0)
  m = jnp.dot(s, wl_ref[...], preferred_element_type=jnp.float32) * rdeg
  m = m + b_ref[...] + jnp.dot(x_ref[...], wr_ref[...],
                               preferred_element_type=jnp.float32)
  h_ref[...] = jnp.maximum(m, 0.0)
  rdeg_ref[...] = rdeg


def _dense2_body(p_ref, h_ref, wl_ref, b_ref, wr_ref, rdeg_ref, o_ref):
  s = p_ref[0] + p_ref[1]
  m = jnp.dot(s, wl_ref[...], preferred_element_type=jnp.float32)
  m = m * rdeg_ref[...]
  o_ref[...] = m + b_ref[...] + jnp.dot(h_ref[...], wr_ref[...],
                                        preferred_element_type=jnp.float32)


def _dense1(p, dT, x, wlT, b, wrT):
  grid = (_N // _R,)
  return pl.pallas_call(
      _dense1_body,
      grid=grid,
      in_specs=[
          pl.BlockSpec((_NC, _R, _D), lambda i: (0, i, 0)),
          pl.BlockSpec((_R, _NW), lambda i: (i, 0)),
          pl.BlockSpec((_R, _D), lambda i: (i, 0)),
          pl.BlockSpec((_D, _D), lambda i: (0, 0)),
          pl.BlockSpec((1, _D), lambda i: (0, 0)),
          pl.BlockSpec((_D, _D), lambda i: (0, 0)),
      ],
      out_specs=[
          pl.BlockSpec((_R, _D), lambda i: (i, 0)),
          pl.BlockSpec((_R, 1), lambda i: (i, 0)),
      ],
      out_shape=[
          jax.ShapeDtypeStruct((_N, _D), jnp.float32),
          jax.ShapeDtypeStruct((_N, 1), jnp.float32),
      ],
  )(p, dT, x, wlT, b, wrT)


def _dense2(p, h, wlT, b, wrT, rdeg):
  grid = (_N // _R,)
  return pl.pallas_call(
      _dense2_body,
      grid=grid,
      in_specs=[
          pl.BlockSpec((_NC, _R, _D), lambda i: (0, i, 0)),
          pl.BlockSpec((_R, _D), lambda i: (i, 0)),
          pl.BlockSpec((_D, _D), lambda i: (0, 0)),
          pl.BlockSpec((1, _D), lambda i: (0, 0)),
          pl.BlockSpec((_D, _D), lambda i: (0, 0)),
          pl.BlockSpec((_R, 1), lambda i: (i, 0)),
      ],
      out_specs=pl.BlockSpec((_R, _D), lambda i: (i, 0)),
      out_shape=jax.ShapeDtypeStruct((_N, _D), jnp.float32),
  )(p, h, wlT, b, wrT, rdeg)


@jax.jit
def kernel(x, edge_index, W_l1, b_l1, W_r1, W_l2, b_l2, W_r2):
  npd = _EPAD - _E
  pad_src = jnp.arange(npd, dtype=jnp.int32) % _N
  pad_dst = _N + jnp.arange(npd, dtype=jnp.int32) % (_NPAD - _N)
  src = jnp.concatenate([edge_index[0].astype(jnp.int32), pad_src]
                        ).reshape(_TOTCH, _K)
  dst = jnp.concatenate([edge_index[1].astype(jnp.int32), pad_dst]
                        ).reshape(_TOTCH, _K)
  p1, deg_p = _sc_agg_deg(x, src, dst)
  dT = deg_p[:, 0, :].T
  h, rdeg = _dense1(p1, dT, x, W_l1.T, b_l1.reshape(1, -1), W_r1.T)
  p2 = _sc_agg(h, src, dst)
  if isinstance(p2, (list, tuple)):
    p2 = p2[0]
  return _dense2(p2, h, W_l2.T, b_l2.reshape(1, -1), W_r2.T, rdeg)

# --- scband reference (transcript-rebuilt; emitter-appended) ---
"""Pipeline reference for scband-graph-sagebackbone-68676527063444 (READ-ONLY COPY).

The authoritative reference and input builder live on the scoring server;
editing this copy changes nothing except your own understanding.
"""

import jax, jax.numpy as jnp
import numpy as np

N = 10000
E = 320000
D = 128
H = 128


def _glorot(key, shape):
    fan_in, fan_out = shape[1], shape[0]
    limit = np.sqrt(6.0 / (fan_in + fan_out))
    return jax.random.uniform(key, shape, dtype=jnp.float32, minval=-limit, maxval=limit)


def setup_inputs(seed: int = 0) -> dict:
    key = jax.random.key(seed)
    ks = jax.random.split(key, 8)
    x = jax.random.normal(ks[0], (N, D), dtype=jnp.float32)
    edge_index = jax.random.randint(ks[1], (2, E), 0, N)
    W_l1 = _glorot(ks[2], (H, D))
    b_l1 = jnp.zeros((H,), dtype=jnp.float32)
    W_r1 = _glorot(ks[3], (H, D))
    W_l2 = _glorot(ks[4], (H, H))
    b_l2 = jnp.zeros((H,), dtype=jnp.float32)
    W_r2 = _glorot(ks[5], (H, H))
    return {
        "x": x,
        "edge_index": edge_index,
        "W_l1": W_l1,
        "b_l1": b_l1,
        "W_r1": W_r1,
        "W_l2": W_l2,
        "b_l2": b_l2,
        "W_r2": W_r2,
    }


def _sage_conv(x, edge_index, W_l, b_l, W_r):
    # PyG-style SAGEConv with mean aggregation:
    # out = lin_l(mean_{j in N(i)} x_j) + lin_r(x_i)
    src = edge_index[0]
    dst = edge_index[1]
    msgs = jnp.take(x, src, axis=0)                      # gather: [E, d]
    agg = jax.ops.segment_sum(msgs, dst, num_segments=N)  # scatter-add: [N, d]
    deg = jax.ops.segment_sum(jnp.ones((E,), dtype=x.dtype), dst, num_segments=N)
    agg = agg / jnp.clip(deg, 1.0, None)[:, None]          # mean
    return agg @ W_l.T + b_l + x @ W_r.T


def reference(x, edge_index, W_l1, b_l1, W_r1, W_l2, b_l2, W_r2):
    h = _sage_conv(x, edge_index, W_l1, b_l1, W_r1)
    h = jax.nn.relu(h)
    out = _sage_conv(h, edge_index, W_l2, b_l2, W_r2)
    return out

if __name__ == "__main__":
    import jax
    _d = setup_inputs()
    print(jax.jit(kernel)(*tuple(_d.values())))

</pallas_src>

<mosaic_0001>
#map = affine_map<(d0, d1) -> (0, 0)>
#map1 = affine_map<(d0, d1) -> (0, 0, 0)>
module attributes {stable_mosaic.version = 14 : i64} {
  func.func @k(%arg0: i32, %arg1: i32, %arg2: memref<10000x128xf32, #tpu.memory_space<hbm>>, %arg3: memref<2560x128xi32, #tpu.memory_space<hbm>>, %arg4: memref<2560x128xi32, #tpu.memory_space<hbm>>, %arg5: memref<2x10240x128xf32, #tpu.memory_space<hbm>>, %arg6: memref<32x1x10240xf32, #tpu.memory_space<hbm>>, %arg7: memref<2x8x128xi32, #tpu.memory_space<vmem>>, %arg8: memref<2x8x128xi32, #tpu.memory_space<vmem>>, %arg9: memref<2x128x128xf32, #tpu.memory_space<vmem>>, %arg10: memref<8x128xf32, #tpu.memory_space<vmem>>, %arg11: memref<10240x128xf32, #tpu.memory_space<vmem_shared>>, %arg12: memref<!tpu.dma_semaphore, #tpu.memory_space<semaphore_mem>>, %arg13: memref<!tpu.dma_semaphore, #tpu.memory_space<semaphore_mem>>, %arg14: memref<!tpu.dma_semaphore, #tpu.memory_space<semaphore_mem>>, %arg15: memref<!tpu.dma_semaphore, #tpu.memory_space<semaphore_mem>>, %arg16: memref<!tpu.dma_semaphore, #tpu.memory_space<semaphore_mem>>, %arg17: memref<!tpu.dma_semaphore, #tpu.memory_space<semaphore_mem>>, %arg18: memref<!tpu.dma_semaphore, #tpu.memory_space<semaphore_mem>>, %arg19: memref<!tpu.dma_semaphore, #tpu.memory_space<semaphore_mem>>, %arg20: memref<1x10240xf32, #tpu.memory_space<vmem>>) attributes {dimension_semantics = [#tpu.dimension_semantics<core_parallel>, #tpu.dimension_semantics<subcore_parallel>], iteration_bounds = array<i64: 2, 16>, scalar_prefetch = 0 : i64, scratch_operands = 14 : i64, tpu.core_type = #tpu.core_type<sc_vector_subcore>, window_params = [{transform_indices = #map}, {transform_indices = #map}, {transform_indices = #map}, {transform_indices = #map1}, {transform_indices = #map1}]} {
    %mul3A = arith.constant 16 : i32
    %mul3A_0 = arith.muli %arg0, %mul3A : i32
    %add3A = arith.addi %mul3A_0, %arg1 : i32
    %mul3A_1 = arith.constant 80 : i32
    %mul3A_2 = arith.muli %add3A, %mul3A_1 : i32
    %multiple_of3A = tpu.assume_multiple %mul3A_2, 8 : i32
    %dma_start3A = arith.constant 0 : i32
    %dma_start3A_3 = arith.constant 0 : i32
    %dma_start3A_4 = arith.constant 0 : i32
    %dma_start3A_5 = tpu.memref_slice %arg7[%dma_start3A, %dma_start3A_3, %dma_start3A_4] : memref<2x8x128xi32, #tpu.memory_space<vmem>> -> memref<1x8x128xi32, #tpu.memory_space<vmem>>
    %dma_start3A_6 = tpu.memref_squeeze %dma_start3A_5 : memref<1x8x128xi32, #tpu.memory_space<vmem>> -> memref<8x128xi32, #tpu.memory_space<vmem>>
    %dma_start3A_7 = arith.constant 0 : i32
    %dma_start3A_8 = tpu.memref_slice %arg3[%multiple_of3A, %dma_start3A_7] : memref<2560x128xi32, #tpu.memory_space<hbm>> -> memref<8x128xi32, #tpu.memory_space<hbm>>
    %dma_start3A_9 = arith.constant 0 : i32
    %dma_start3A_10 = arith.constant 0 : i32
    %dma_start3A_11 = tpu.memref_slice %arg7[%dma_start3A, %dma_start3A_9, %dma_start3A_10] : memref<2x8x128xi32, #tpu.memory_space<vmem>> -> memref<1x8x128xi32, #tpu.memory_space<vmem>>
    %dma_start3A_12 = tpu.memref_squeeze %dma_start3A_11 : memref<1x8x128xi32, #tpu.memory_space<vmem>> -> memref<8x128xi32, #tpu.memory_space<vmem>>
    %dma_start3A_13 = arith.constant 0 : i32
    %dma_start3A_14 = tpu.memref_slice %arg3[%multiple_of3A, %dma_start3A_13] : memref<2560x128xi32, #tpu.memory_space<hbm>> -> memref<8x128xi32, #tpu.memory_space<hbm>>
    tpu.enqueue_dma source(%dma_start3A_14 : memref<8x128xi32, #tpu.memory_space<hbm>>) target(%dma_start3A_12 : memref<8x128xi32, #tpu.memory_space<vmem>>) target_semaphore(%arg12 : memref<!tpu.dma_semaphore, #tpu.memory_space<semaphore_mem>>)
    %dma_start3A_15 = arith.constant 0 : i32
    %dma_start3A_16 = arith.constant 0 : i32
    %dma_start3A_17 = arith.constant 0 : i32
    %dma_start3A_18 = tpu.memref_slice %arg8[%dma_start3A_15, %dma_start3A_16, %dma_start3A_17] : memref<2x8x128xi32, #tpu.memory_space<vmem>> -> memref<1x8x128xi32, #tpu.memory_space<vmem>>
    %dma_start3A_19 = tpu.memref_squeeze %dma_start3A_18 : memref<1x8x128xi32, #tpu.memory_space<vmem>> -> memref<8x128xi32, #tpu.memory_space<vmem>>
    %dma_start3A_20 = arith.constant 0 : i32
    %dma_start3A_21 = tpu.memref_slice %arg4[%multiple_of3A, %dma_start3A_20] : memref<2560x128xi32, #tpu.memory_space<hbm>> -> memref<8x128xi32, #tpu.memory_space<hbm>>
    %dma_start3A_22 = arith.constant 0 : i32
    %dma_start3A_23 = arith.constant 0 : i32
    %dma_start3A_24 = tpu.memref_slice %arg8[%dma_start3A_15, %dma_start3A_22, %dma_start3A_23] : memref<2x8x128xi32, #tpu.memory_space<vmem>> -> memref<1x8x128xi32, #tpu.memory_space<vmem>>
    %dma_start3A_25 = tpu.memref_squeeze %dma_start3A_24 : memref<1x8x128xi32, #tpu.memory_space<vmem>> -> memref<8x128xi32, #tpu.memory_space<vmem>>
    %dma_start3A_26 = arith.constant 0 : i32
    %dma_start3A_27 = tpu.memref_slice %arg4[%multiple_of3A, %dma_start3A_26] : memref<2560x128xi32, #tpu.memory_space<hbm>> -> memref<8x128xi32, #tpu.memory_space<hbm>>
    tpu.enqueue_dma source(%dma_start3A_27 : memref<8x128xi32, #tpu.memory_space<hbm>>) target(%dma_start3A_25 : memref<8x128xi32, #tpu.memory_space<vmem>>) target_semaphore(%arg12 : memref<!tpu.dma_semaphore, #tpu.memory_space<semaphore_mem>>)
    %scan3A = arith.constant 0 : i32
    %scan3A_28 = arith.constant 0 : i32
    %scan3A_29 = arith.constant 8 : i32
    %scan3A_30 = arith.addi %scan3A_28, %scan3A_29 : i32
    %scan3A_31 = arith.constant 1 : i32
    scf.for %scan3A_65 = %scan3A_28 to %scan3A_30 step %scan3A_31  : i32 {
      %broadcast_in_dim3A_66 = arith.constant 0.000000e+00 : f32
      %broadcast_in_dim3A_67 = vector.broadcast %broadcast_in_dim3A_66 : f32 to vector<16xf32>
      %swap3A = arith.index_cast %scan3A_65 : i32 to index
      %swap3A_68 = arith.constant 0 : index
      %swap3A_69 = tpu.vector_load %arg10[%swap3A, %swap3A_68] {strides = array<i32>} : memref<8x128xf32, #tpu.memory_space<vmem>>, vector<16xf32>,
      tpu.vector_store %arg10[%swap3A, %swap3A_68], %broadcast_in_dim3A_67 {strides = array<i32>} : memref<8x128xf32, #tpu.memory_space<vmem>>, vector<16xf32>,
      %broadcast_in_dim3A_70 = arith.constant 0.000000e+00 : f32
      %broadcast_in_dim3A_71 = vector.broadcast %broadcast_in_dim3A_70 : f32 to vector<16xf32>
      %swap3A_72 = arith.index_cast %scan3A_65 : i32 to index
      %swap3A_73 = arith.constant 16 : index
      %swap3A_74 = tpu.vector_load %arg10[%swap3A_72, %swap3A_73] {strides = array<i32>} : memref<8x128xf32, #tpu.memory_space<vmem>>, vector<16xf32>,
      tpu.vector_store %arg10[%swap3A_72, %swap3A_73], %broadcast_in_dim3A_71 {strides = array<i32>} : memref<8x128xf32, #tpu.memory_space<vmem>>, vector<16xf32>,
      %broadcast_in_dim3A_75 = arith.constant 0.000000e+00 : f32
      %broadcast_in_dim3A_76 = vector.broadcast %broadcast_in_dim3A_75 : f32 to vector<16xf32>
      %swap3A_77 = arith.index_cast %scan3A_65 : i32 to index
      %swap3A_78 = arith.constant 32 : index
      %swap3A_79 = tpu.vector_load %arg10[%swap3A_77, %swap3A_78] {strides = array<i32>} : memref<8x128xf32, #tpu.memory_space<vmem>>, vector<16xf32>,
      tpu.vector_store %arg10[%swap3A_77, %swap3A_78], %broadcast_in_dim3A_76 {strides = array<i32>} : memref<8x128xf32, #tpu.memory_space<vmem>>, vector<16xf32>,
      %broadcast_in_dim3A_80 = arith.constant 0.000000e+00 : f32
      %broadcast_in_dim3A_81 = vector.broadcast %broadcast_in_dim3A_80 : f32 to vector<16xf32>
      %swap3A_82 = arith.index_cast %scan3A_65 : i32 to index
      %swap3A_83 = arith.constant 48 : index
      %swap3A_84 = tpu.vector_load %arg10[%swap3A_82, %swap3A_83] {strides = array<i32>} : memref<8x128xf32, #tpu.memory_space<vmem>>, vector<16xf32>,
      tpu.vector_store %arg10[%swap3A_82, %swap3A_83], %broadcast_in_dim3A_81 {strides = array<i32>} : memref<8x128xf32, #tpu.memory_space<vmem>>, vector<16xf32>,
      %broadcast_in_dim3A_85 = arith.constant 0.000000e+00 : f32
      %broadcast_in_dim3A_86 = vector.broadcast %broadcast_in_dim3A_85 : f32 to vector<16xf32>
      %swap3A_87 = arith.index_cast %scan3A_65 : i32 to index
      %swap3A_88 = arith.constant 64 : index
      %swap3A_89 = tpu.vector_load %arg10[%swap3A_87, %swap3A_88] {strides = array<i32>} : memref<8x128xf32, #tpu.memory_space<vmem>>, vector<16xf32>,
      tpu.vector_store %arg10[%swap3A_87, %swap3A_88], %broadcast_in_dim3A_86 {strides = array<i32>} : memref<8x128xf32, #tpu.memory_space<vmem>>, vector<16xf32>,
      %broadcast_in_dim3A_90 = arith.constant 0.000000e+00 : f32
      %broadcast_in_dim3A_91 = vector.broadcast %broadcast_in_dim3A_90 : f32 to vector<16xf32>
      %swap3A_92 = arith.index_cast %scan3A_65 : i32 to index
      %swap3A_93 = arith.constant 80 : index
      %swap3A_94 = tpu.vector_load %arg10[%swap3A_92, %swap3A_93] {strides = array<i32>} : memref<8x128xf32, #tpu.memory_space<vmem>>, vector<16xf32>,
      tpu.vector_store %arg10[%swap3A_92, %swap3A_93], %broadcast_in_dim3A_91 {strides = array<i32>} : memref<8x128xf32, #tpu.memory_space<vmem>>, vector<16xf32>,
      %broadcast_in_dim3A_95 = arith.constant 0.000000e+00 : f32
      %broadcast_in_dim3A_96 = vector.broadcast %broadcast_in_dim3A_95 : f32 to vector<16xf32>
      %swap3A_97 = arith.index_cast %scan3A_65 : i32 to index
      %swap3A_98 = arith.constant 96 : index
      %swap3A_99 = tpu.vector_load %arg10[%swap3A_97, %swap3A_98] {strides = array<i32>} : memref<8x128xf32, #tpu.memory_space<vmem>>, vector<16xf32>,
      tpu.vector_store %arg10[%swap3A_97, %swap3A_98], %broadcast_in_dim3A_96 {strides = array<i32>} : memref<8x128xf32, #tpu.memory_space<vmem>>, vector<16xf32>,
      %broadcast_in_dim3A_100 = arith.constant 0.000000e+00 : f32
      %broadcast_in_dim3A_101 = vector.broadcast %broadcast_in_dim3A_100 : f32 to vector<16xf32>
      %swap3A_102 = arith.index_cast %scan3A_65 : i32 to index
      %swap3A_103 = arith.constant 112 : index
      %swap3A_104 = tpu.vector_load %arg10[%swap3A_102, %swap3A_103] {strides = array<i32>} : memref<8x128xf32, #tpu.memory_space<vmem>>, vector<16xf32>,
      tpu.vector_store %arg10[%swap3A_102, %swap3A_103], %broadcast_in_dim3A_101 {strides = array<i32>} : memref<8x128xf32, #tpu.memory_space<vmem>>, vector<16xf32>,
    }
    %scan3A_32 = arith.constant 8 : i32
    %scan3A_33 = arith.constant 0 : i32
    %scan3A_34 = arith.constant 0 : i32
    %scan3A_35 = arith.constant 80 : i32
    %scan3A_36 = arith.addi %scan3A_34, %scan3A_35 : i32
    %scan3A_37 = arith.constant 1 : i32
    scf.for %scan3A_65 = %scan3A_34 to %scan3A_36 step %scan3A_37  : i32 {
      %mul3A_66 = arith.constant 640 : i32
      %mul3A_67 = arith.muli %arg1, %mul3A_66 : i32
      %mul3A_68 = arith.constant 8 : i32
      %mul3A_69 = arith.muli %scan3A_65, %mul3A_68 : i32
      %add3A_70 = arith.addi %mul3A_67, %mul3A_69 : i32
      %dma_start3A_71 = arith.constant 0 : i32
      %dma_start3A_72 = tpu.memref_slice %arg11[%add3A_70, %dma_start3A_71] : memref<10240x128xf32, #tpu.memory_space<vmem_shared>> -> memref<8x128xf32, #tpu.memory_space<vmem_shared>>
      %dma_start3A_73 = arith.constant 0 : i32
      %dma_start3A_74 = tpu.memref_slice %arg11[%add3A_70, %dma_start3A_73] : memref<10240x128xf32, #tpu.memory_space<vmem_shared>> -> memref<8x128xf32, #tpu.memory_space<vmem_shared>>
      tpu.enqueue_dma source(%arg10 : memref<8x128xf32, #tpu.memory_space<vmem>>) target(%dma_start3A_74 : memref<8x128xf32, #tpu.memory_space<vmem_shared>>) target_semaphore(%arg19 : memref<!tpu.dma_semaphore, #tpu.memory_space<semaphore_mem>>)
    }
    %scan3A_38 = arith.constant 80 : i32
    %scan3A_39 = arith.constant 0 : i32
    %scan3A_40 = arith.constant 0 : i32
    %scan3A_41 = arith.constant 80 : i32
    %scan3A_42 = arith.addi %scan3A_40, %scan3A_41 : i32
    %scan3A_43 = arith.constant 1 : i32
    scf.for %scan3A_65 = %scan3A_40 to %scan3A_42 step %scan3A_43  : i32 {
      %mul3A_66 = arith.constant 640 : i32
      %mul3A_67 = arith.muli %arg1, %mul3A_66 : i32
      %mul3A_68 = arith.constant 8 : i32
      %mul3A_69 = arith.muli %scan3A_65, %mul3A_68 : i32
      %add3A_70 = arith.addi %mul3A_67, %mul3A_69 : i32
      %dma_wait3A = arith.constant 0 : i32
      %dma_wait3A_71 = tpu.memref_slice %arg11[%add3A_70, %dma_wait3A] : memref<10240x128xf32, #tpu.memory_space<vmem_shared>> -> memref<8x128xf32, #tpu.memory_space<vmem_shared>>
      %dma_wait3A_72 = arith.constant 0 : i32
      %dma_wait3A_73 = tpu.memref_slice %arg11[%add3A_70, %dma_wait3A_72] : memref<10240x128xf32, #tpu.memory_space<vmem_shared>> -> memref<8x128xf32, #tpu.memory_space<vmem_shared>>
      tpu.wait_dma2 semaphore(%arg19 : memref<!tpu.dma_semaphore, #tpu.memory_space<semaphore_mem>>) src(%arg10 : memref<8x128xf32, #tpu.memory_space<vmem>>) dst(%dma_wait3A_73 : memref<8x128xf32, #tpu.memory_space<vmem_shared>>)
    }
    %scan3A_44 = arith.constant 80 : i32
    %scan3A_45 = arith.constant 0 : i32
    %scan3A_46 = arith.constant 0 : i32
    %scan3A_47 = arith.constant 640 : i32
    %scan3A_48 = arith.addi %scan3A_46, %scan3A_47 : i32
    %scan3A_49 = arith.constant 1 : i32
    scf.for %scan3A_65 = %scan3A_46 to %scan3A_48 step %scan3A_49  : i32 {
      %broadcast_in_dim3A_66 = arith.constant 0.000000e+00 : f32
      %broadcast_in_dim3A_67 = vector.broadcast %broadcast_in_dim3A_66 : f32 to vector<16xf32>
      %mul3A_68 = arith.constant 16 : i32
      %mul3A_69 = arith.muli %scan3A_65, %mul3A_68 : i32
      %swap3A = arith.constant 0 : i32
      %swap3A_70 = arith.index_cast %swap3A : i32 to index
      %swap3A_71 = arith.index_cast %mul3A_69 : i32 to index
      %swap3A_72 = tpu.vector_load %arg20[%swap3A_70, %swap3A_71] {strides = array<i32>} : memref<1x10240xf32, #tpu.memory_space<vmem>>, vector<16xf32>,
      tpu.vector_store %arg20[%swap3A_70, %swap3A_71], %broadcast_in_dim3A_67 {strides = array<i32>} : memref<1x10240xf32, #tpu.memory_space<vmem>>, vector<16xf32>,
    }
    %scan3A_50 = arith.constant 640 : i32
    %barrier3A = arith.constant 0 : index
    tpu.barrier barrier_id(%barrier3A)
    %broadcast_in_dim3A = arith.constant 1.000000e+00 : f32
    %broadcast_in_dim3A_51 = vector.broadcast %broadcast_in_dim3A : f32 to vector<16xf32>
    %broadcast_in_dim3A_52 = arith.constant 0 : i32
    %broadcast_in_dim3A_53 = vector.broadcast %broadcast_in_dim3A_52 : i32 to vector<16xi32>
    %scan3A_54 = arith.constant 0 : i32
    %scan3A_55 = arith.constant 0 : i32
    %scan3A_56 = arith.constant 10 : i32
    %scan3A_57 = arith.addi %scan3A_55, %scan3A_56 : i32
    %scan3A_58 = arith.constant 1 : i32
    scf.for %scan3A_65 = %scan3A_55 to %scan3A_57 step %scan3A_58  : i32 {
      %jit3A = arith.constant 2 : i32
      %eq3A = arith.constant 0 : i32
      %eq3A_66 = arith.cmpi eq, %jit3A, %eq3A : i32
      %jit3A_67 = arith.constant 1 : i32
      %select_n3A = arith.select %eq3A_66, %jit3A_67, %jit3A : i32
      %rem3A = arith.remsi %scan3A_65, %select_n3A : i32
      %ne3A = arith.constant 0 : i32
      %ne3A_68 = arith.cmpi ne, %rem3A, %ne3A : i32
      %lt3A = arith.constant 0 : i32
      %lt3A_69 = arith.cmpi slt, %rem3A, %lt3A : i32
      %lt3A_70 = arith.constant 0 : i32
      %lt3A_71 = arith.cmpi slt, %select_n3A, %lt3A_70 : i32
      %ne3A_72 = arith.xori %lt3A_69, %lt3A_71 : i1
      %and3A = arith.andi %ne3A_72, %ne3A_68 : i1
      %add3A_73 = arith.addi %rem3A, %select_n3A : i32
      %select_n3A_74 = arith.select %and3A, %add3A_73, %rem3A : i32
      %mul3A_75 = arith.constant 8 : i32
      %mul3A_76 = arith.muli %scan3A_65, %mul3A_75 : i32
      %add3A_77 = arith.addi %mul3A_2, %mul3A_76 : i32
      %multiple_of3A_78 = tpu.assume_multiple %add3A_77, 8 : i32
      %dma_wait3A = arith.constant 0 : i32
      %dma_wait3A_79 = arith.constant 0 : i32
      %dma_wait3A_80 = tpu.memref_slice %arg7[%select_n3A_74, %dma_wait3A, %dma_wait3A_79] : memref<2x8x128xi32, #tpu.memory_space<vmem>> -> memref<1x8x128xi32, #tpu.memory_space<vmem>>
      %dma_wait3A_81 = tpu.memref_squeeze %dma_wait3A_80 : memref<1x8x128xi32, #tpu.memory_space<vmem>> -> memref<8x128xi32, #tpu.memory_space<vmem>>
      %dma_wait3A_82 = arith.constant 0 : i32
      %dma_wait3A_83 = tpu.memref_slice %arg3[%multiple_of3A_78, %dma_wait3A_82] : memref<2560x128xi32, #tpu.memory_space<hbm>> -> memref<8x128xi32, #tpu.memory_space<hbm>>
      %dma_wait3A_84 = arith.constant 0 : i32
      %dma_wait3A_85 = arith.constant 0 : i32
      %dma_wait3A_86 = tpu.memref_slice %arg7[%select_n3A_74, %dma_wait3A_84, %dma_wait3A_85] : memref<2x8x128xi32, #tpu.memory_space<vmem>> -> memref<1x8x128xi32, #tpu.memory_space<vmem>>
      %dma_wait3A_87 = tpu.memref_squeeze %dma_wait3A_86 : memref<1x8x128xi32, #tpu.memory_space<vmem>> -> memref<8x128xi32, #tpu.memory_space<vmem>>
      %dma_wait3A_88 = arith.constant 0 : i32
      %dma_wait3A_89 = tpu.memref_slice %arg3[%multiple_of3A_78, %dma_wait3A_88] : memref<2560x128xi32, #tpu.memory_space<hbm>> -> memref<8x128xi32, #tpu.memory_space<hbm>>
      tpu.wait_dma2 semaphore(%arg12 : memref<!tpu.dma_semaphore, #tpu.memory_space<semaphore_mem>>) src(%dma_wait3A_89 : memref<8x128xi32, #tpu.memory_space<hbm>>) dst(%dma_wait3A_87 : memref<8x128xi32, #tpu.memory_space<vmem>>)
      %dma_wait3A_90 = arith.constant 0 : i32
      %dma_wait3A_91 = arith.constant 0 : i32
      %dma_wait3A_92 = tpu.memref_slice %arg8[%select_n3A_74, %dma_wait3A_90, %dma_wait3A_91] : memref<2x8x128xi32, #tpu.memory_space<vmem>> -> memref<1x8x128xi32, #tpu.memory_space<vmem>>
      %dma_wait3A_93 = tpu.memref_squeeze %dma_wait3A_92 : memref<1x8x128xi32, #tpu.memory_space<vmem>> -> memref<8x128xi32, #tpu.memory_space<vmem>>
      %dma_wait3A_94 = arith.constant 0 : i32
      %dma_wait3A_95 = tpu.memref_slice %arg4[%multiple_of3A_78, %dma_wait3A_94] : memref<2560x128xi32, #tpu.memory_space<hbm>> -> memref<8x128xi32, #tpu.memory_space<hbm>>
      %dma_wait3A_96 = arith.constant 0 : i32
      %dma_wait3A_97 = arith.constant 0 : i32
      %dma_wait3A_98 = tpu.memref_slice %arg8[%select_n3A_74, %dma_wait3A_96, %dma_wait3A_97] : memref<2x8x128xi32, #tpu.memory_space<vmem>> -> memref<1x8x128xi32, #tpu.memory_space<vmem>>
      %dma_wait3A_99 = tpu.memref_squeeze %dma_wait3A_98 : memref<1x8x128xi32, #tpu.memory_space<vmem>> -> memref<8x128xi32, #tpu.memory_space<vmem>>
      %dma_wait3A_100 = arith.constant 0 : i32
      %dma_wait3A_101 = tpu.memref_slice %arg4[%multiple_of3A_78, %dma_wait3A_100] : memref<2560x128xi32, #tpu.memory_space<hbm>> -> memref<8x128xi32, #tpu.memory_space<hbm>>
      tpu.wait_dma2 semaphore(%arg12 : memref<!tpu.dma_semaphore, #tpu.memory_space<semaphore_mem>>) src(%dma_wait3A_101 : memref<8x128xi32, #tpu.memory_space<hbm>>) dst(%dma_wait3A_99 : memref<8x128xi32, #tpu.memory_space<vmem>>)
      %add3A_102 = arith.constant 1 : i32
      %add3A_103 = arith.addi %scan3A_65, %add3A_102 : i32
      %lt3A_104 = arith.constant 10 : i32
      %lt3A_105 = arith.cmpi slt, %add3A_103, %lt3A_104 : i32
      %convert_element_type3A = arith.extui %lt3A_105 : i1 to i32
      %cond3A = arith.constant 0 : i32
      %cond3A_106 = arith.cmpi ne, %convert_element_type3A, %cond3A : i32
      scf.if %cond3A_106 {
        %add3A_810 = arith.constant 1 : i32
        %add3A_811 = arith.addi %scan3A_65, %add3A_810 : i32
        %mul3A_812 = arith.constant 8 : i32
        %mul3A_813 = arith.muli %add3A_811, %mul3A_812 : i32
        %add3A_814 = arith.addi %mul3A_2, %mul3A_813 : i32
        %multiple_of3A_815 = tpu.assume_multiple %add3A_814, 8 : i32
        %sub3A = arith.constant 1 : i32
        %sub3A_816 = arith.subi %sub3A, %select_n3A_74 : i32
        %dma_start3A_817 = arith.constant 0 : i32
        %dma_start3A_818 = arith.constant 0 : i32
        %dma_start3A_819 = tpu.memref_slice %arg7[%sub3A_816, %dma_start3A_817, %dma_start3A_818] : memref<2x8x128xi32, #tpu.memory_space<vmem>> -> memref<1x8x128xi32, #tpu.memory_space<vmem>>
        %dma_start3A_820 = tpu.memref_squeeze %dma_start3A_819 : memref<1x8x128xi32, #tpu.memory_space<vmem>> -> memref<8x128xi32, #tpu.memory_space<vmem>>
        %dma_start3A_821 = arith.constant 0 : i32
        %dma_start3A_822 = tpu.memref_slice %arg3[%multiple_of3A_815, %dma_start3A_821] : memref<2560x128xi32, #tpu.memory_space<hbm>> -> memref<8x128xi32, #tpu.memory_space<hbm>>
        %dma_start3A_823 = arith.constant 0 : i32
        %dma_start3A_824 = arith.constant 0 : i32
        %dma_start3A_825 = tpu.memref_slice %arg7[%sub3A_816, %dma_start3A_823, %dma_start3A_824] : memref<2x8x128xi32, #tpu.memory_space<vmem>> -> memref<1x8x128xi32, #tpu.memory_space<vmem>>
        %dma_start3A_826 = tpu.memref_squeeze %dma_start3A_825 : memref<1x8x128xi32, #tpu.memory_space<vmem>> -> memref<8x128xi32, #tpu.memory_space<vmem>>
        %dma_start3A_827 = arith.constant 0 : i32
        %dma_start3A_828 = tpu.memref_slice %arg3[%multiple_of3A_815, %dma_start3A_827] : memref<2560x128xi32, #tpu.memory_space<hbm>> -> memref<8x128xi32, #tpu.memory_space<hbm>>
        tpu.enqueue_dma source(%dma_start3A_828 : memref<8x128xi32, #tpu.memory_space<hbm>>) target(%dma_start3A_826 : memref<8x128xi32, #tpu.memory_space<vmem>>) target_semaphore(%arg12 : memref<!tpu.dma_semaphore, #tpu.memory_space<semaphore_mem>>)
        %sub3A_829 = arith.constant 1 : i32
        %sub3A_830 = arith.subi %sub3A_829, %select_n3A_74 : i32
        %dma_start3A_831 = arith.constant 0 : i32
        %dma_start3A_832 = arith.constant 0 : i32
        %dma_start3A_833 = tpu.memref_slice %arg8[%sub3A_830, %dma_start3A_831, %dma_start3A_832] : memref<2x8x128xi32, #tpu.memory_space<vmem>> -> memref<1x8x128xi32, #tpu.memory_space<vmem>>
        %dma_start3A_834 = tpu.memref_squeeze %dma_start3A_833 : memref<1x8x128xi32, #tpu.memory_space<vmem>> -> memref<8x128xi32, #tpu.memory_space<vmem>>
        %dma_start3A_835 = arith.constant 0 : i32
        %dma_start3A_836 = tpu.memref_slice %arg4[%multiple_of3A_815, %dma_start3A_835] : memref<2560x128xi32, #tpu.memory_space<hbm>> -> memref<8x128xi32, #tpu.memory_space<hbm>>
        %dma_start3A_837 = arith.constant 0 : i32
        %dma_start3A_838 = arith.constant 0 : i32
        %dma_start3A_839 = tpu.memref_slice %arg8[%sub3A_830, %dma_start3A_837, %dma_start3A_838] : memref<2x8x128xi32, #tpu.memory_space<vmem>> -> memref<1x8x128xi32, #tpu.memory_space<vmem>>
        %dma_start3A_840 = tpu.memref_squeeze %dma_start3A_839 : memref<1x8x128xi32, #tpu.memory_space<vmem>> -> memref<8x128xi32, #tpu.memory_space<vmem>>
        %dma_start3A_841 = arith.constant 0 : i32
        %dma_start3A_842 = tpu.memref_slice %arg4[%multiple_of3A_815, %dma_start3A_841] : memref<2560x128xi32, #tpu.memory_space<hbm>> -> memref<8x128xi32, #tpu.memory_space<hbm>>
        tpu.enqueue_dma source(%dma_start3A_842 : memref<8x128xi32, #tpu.memory_space<hbm>>) target(%dma_start3A_840 : memref<8x128xi32, #tpu.memory_space<vmem>>) target_semaphore(%arg12 : memref<!tpu.dma_semaphore, #tpu.memory_space<semaphore_mem>>)
      } else {
      }
      %dma_start3A_107 = arith.constant 0 : i32
      %dma_start3A_108 = arith.constant 0 : i32
      %dma_start3A_109 = arith.constant 0 : i32
      %dma_start3A_110 = arith.constant 0 : i32
      %dma_start3A_111 = tpu.memref_slice %arg9[%dma_start3A_108, %dma_start3A_109, %dma_start3A_110] : memref<2x128x128xf32, #tpu.memory_space<vmem>> -> memref<1x128x128xf32, #tpu.memory_space<vmem>>
      %dma_start3A_112 = tpu.memref_squeeze %dma_start3A_111 : memref<1x128x128xf32, #tpu.memory_space<vmem>> -> memref<128x128xf32, #tpu.memory_space<vmem>>
      %dma_start3A_113 = arith.constant 0 : i32
      %dma_start3A_114 = tpu.memref_slice %arg7[%select_n3A_74, %dma_start3A_107, %dma_start3A_113] : memref<2x8x128xi32, #tpu.memory_space<vmem>> -> memref<1x1x128xi32, #tpu.memory_space<vmem>>
      %dma_start3A_115 = tpu.memref_squeeze %dma_start3A_114 : memref<1x1x128xi32, #tpu.memory_space<vmem>> -> memref<128xi32, #tpu.memory_space<vmem>>
      %dma_start3A_116 = arith.constant 0 : i32
      %dma_start3A_117 = arith.constant 0 : i32
      %dma_start3A_118 = tpu.memref_slice %arg2[%dma_start3A_116, %dma_start3A_117] : memref<10000x128xf32, #tpu.memory_space<hbm>> -> memref<10000x128xf32, #tpu.memory_space<hbm>>
      tpu.enqueue_indirect_dma source(%dma_start3A_118 : memref<10000x128xf32, #tpu.memory_space<hbm>>) target(%dma_start3A_112 : memref<128x128xf32, #tpu.memory_space<vmem>>) offsets(%dma_start3A_115 : memref<128xi32, #tpu.memory_space<vmem>>) semaphore(%arg13 : memref<!tpu.dma_semaphore, #tpu.memory_space<semaphore_mem>>)
      %dma_start3A_119 = arith.constant 1 : i32
      %dma_start3A_120 = arith.constant 1 : i32
      %dma_start3A_121 = arith.constant 0 : i32
      %dma_start3A_122 = arith.constant 0 : i32
      %dma_start3A_123 = tpu.memref_slice %arg9[%dma_start3A_120, %dma_start3A_121, %dma_start3A_122] : memref<2x128x128xf32, #tpu.memory_space<vmem>> -> memref<1x128x128xf32, #tpu.memory_space<vmem>>
      %dma_start3A_124 = tpu.memref_squeeze %dma_start3A_123 : memref<1x128x128xf32, #tpu.memory_space<vmem>> -> memref<128x128xf32, #tpu.memory_space<vmem>>
      %dma_start3A_125 = arith.constant 0 : i32
      %dma_start3A_126 = tpu.memref_slice %arg7[%select_n3A_74, %dma_start3A_119, %dma_start3A_125] : memref<2x8x128xi32, #tpu.memory_space<vmem>> -> memref<1x1x128xi32, #tpu.memory_space<vmem>>
      %dma_start3A_127 = tpu.memref_squeeze %dma_start3A_126 : memref<1x1x128xi32, #tpu.memory_space<vmem>> -> memref<128xi32, #tpu.memory_space<vmem>>
      %dma_start3A_128 = arith.constant 0 : i32
      %dma_start3A_129 = arith.constant 0 : i32
      %dma_start3A_130 = tpu.memref_slice %arg2[%dma_start3A_128, %dma_start3A_129] : memref<10000x128xf32, #tpu.memory_space<hbm>> -> memref<10000x128xf32, #tpu.memory_space<hbm>>
      tpu.enqueue_indirect_dma source(%dma_start3A_130 : memref<10000x128xf32, #tpu.memory_space<hbm>>) target(%dma_start3A_124 : memref<128x128xf32, #tpu.memory_space<vmem>>) offsets(%dma_start3A_127 : memref<128xi32, #tpu.memory_space<vmem>>) semaphore(%arg14 : memref<!tpu.dma_semaphore, #tpu.memory_space<semaphore_mem>>)
      %dma_wait3A_131 = arith.constant 0 : i32
      %dma_wait3A_132 = arith.constant 0 : i32
      %dma_wait3A_133 = arith.constant 0 : i32
      %dma_wait3A_134 = arith.constant 0 : i32
      %dma_wait3A_135 = tpu.memref_slice %arg9[%dma_wait3A_132, %dma_wait3A_133, %dma_wait3A_134] : memref<2x128x128xf32, #tpu.memory_space<vmem>> -> memref<1x128x128xf32, #tpu.memory_space<vmem>>
      %dma_wait3A_136 = tpu.memref_squeeze %dma_wait3A_135 : memref<1x128x128xf32, #tpu.memory_space<vmem>> -> memref<128x128xf32, #tpu.memory_space<vmem>>
      %dma_wait3A_137 = arith.constant 0 : i32
      %dma_wait3A_138 = tpu.memref_slice %arg7[%select_n3A_74, %dma_wait3A_131, %dma_wait3A_137] : memref<2x8x128xi32, #tpu.memory_space<vmem>> -> memref<1x1x128xi32, #tpu.memory_space<vmem>>
      %dma_wait3A_139 = tpu.memref_squeeze %dma_wait3A_138 : memref<1x1x128xi32, #tpu.memory_space<vmem>> -> memref<128xi32, #tpu.memory_space<vmem>>
      %dma_wait3A_140 = arith.constant 0 : i32
      %dma_wait3A_141 = arith.constant 0 : i32
      %dma_wait3A_142 = tpu.memref_slice %arg2[%dma_wait3A_140, %dma_wait3A_141] : memref<10000x128xf32, #tpu.memory_space<hbm>> -> memref<10000x128xf32, #tpu.memory_space<hbm>>
      tpu.wait_indirect_dma semaphore(%arg13 : memref<!tpu.dma_semaphore, #tpu.memory_space<semaphore_mem>>) src(%dma_wait3A_142 : memref<10000x128xf32, #tpu.memory_space<hbm>>) dst(%dma_wait3A_136 : memref<128x128xf32, #tpu.memory_space<vmem>>)
      %dma_start3A_143 = arith.constant 0 : i32
      %dma_start3A_144 = arith.constant 0 : i32
      %dma_start3A_145 = arith.constant 0 : i32
      %dma_start3A_146 = arith.constant 0 : i32
      %dma_start3A_147 = tpu.memref_slice %arg9[%dma_start3A_143, %dma_start3A_145, %dma_start3A_146] : memref<2x128x128xf32, #tpu.memory_space<vmem>> -> memref<1x128x128xf32, #tpu.memory_space<vmem>>
      %dma_start3A_148 = tpu.memref_squeeze %dma_start3A_147 : memref<1x128x128xf32, #tpu.memory_space<vmem>> -> memref<128x128xf32, #tpu.memory_space<vmem>>
      %dma_start3A_149 = arith.constant 0 : i32
      %dma_start3A_150 = tpu.memref_slice %arg8[%select_n3A_74, %dma_start3A_144, %dma_start3A_149] : memref<2x8x128xi32, #tpu.memory_space<vmem>> -> memref<1x1x128xi32, #tpu.memory_space<vmem>>
      %dma_start3A_151 = tpu.memref_squeeze %dma_start3A_150 : memref<1x1x128xi32, #tpu.memory_space<vmem>> -> memref<128xi32, #tpu.memory_space<vmem>>
      %dma_start3A_152 = arith.constant 0 : i32
      %dma_start3A_153 = arith.constant 0 : i32
      %dma_start3A_154 = tpu.memref_slice %arg11[%dma_start3A_152, %dma_start3A_153] : memref<10240x128xf32, #tpu.memory_space<vmem_shared>> -> memref<10240x128xf32, #tpu.memory_space<vmem_shared>>
      tpu.enqueue_indirect_dma source(%dma_start3A_148 : memref<128x128xf32, #tpu.memory_space<vmem>>) target(%dma_start3A_154 : memref<10240x128xf32, #tpu.memory_space<vmem_shared>>) offsets(%dma_start3A_151 : memref<128xi32, #tpu.memory_space<vmem>>) semaphore(%arg16 : memref<!tpu.dma_semaphore, #tpu.memory_space<semaphore_mem>>) {add = true}
      %get3A = arith.constant 0 : i32
      %get3A_155 = arith.index_cast %select_n3A_74 : i32 to index
      %get3A_156 = arith.index_cast %get3A : i32 to index
      %get3A_157 = arith.constant 0 : index
      %get3A_158 = tpu.vector_load %arg8[%get3A_155, %get3A_156, %get3A_157] {strides = array<i32>} : memref<2x8x128xi32, #tpu.memory_space<vmem>>, vector<16xi32>,
      tpu.vector_store_idx %arg20[%broadcast_in_dim3A_53, %get3A_158], %broadcast_in_dim3A_51 {add = true} : memref<1x10240xf32, #tpu.memory_space<vmem>>[vector<16xi32>, vector<16xi32>], vector<16xf32>,
      %get3A_159 = arith.constant 0 : i32
      %get3A_160 = arith.index_cast %select_n3A_74 : i32 to index
      %get3A_161 = arith.index_cast %get3A_159 : i32 to index
      %get3A_162 = arith.constant 16 : index
      %get3A_163 = tpu.vector_load %arg8[%get3A_160, %get3A_161, %get3A_162] {strides = array<i32>} : memref<2x8x128xi32, #tpu.memory_space<vmem>>, vector<16xi32>,
      tpu.vector_store_idx %arg20[%broadcast_in_dim3A_53, %get3A_163], %broadcast_in_dim3A_51 {add = true} : memref<1x10240xf32, #tpu.memory_space<vmem>>[vector<16xi32>, vector<16xi32>], vector<16xf32>,
      %get3A_164 = arith.constant 0 : i32
      %get3A_165 = arith.index_cast %select_n3A_74 : i32 to index
      %get3A_166 = arith.index_cast %get3A_164 : i32 to index
      %get3A_167 = arith.constant 32 : index
      %get3A_168 = tpu.vector_load %arg8[%get3A_165, %get3A_166, %get3A_167] {strides = array<i32>} : memref<2x8x128xi32, #tpu.memory_space<vmem>>, vector<16xi32>,
      tpu.vector_store_idx %arg20[%broadcast_in_dim3A_53, %get3A_168], %broadcast_in_dim3A_51 {add = true} : memref<1x10240xf32, #tpu.memory_space<vmem>>[vector<16xi32>, vector<16xi32>], vector<16xf32>,
      %get3A_169 = arith.constant 0 : i32
      %get3A_170 = arith.index_cast %select_n3A_74 : i32 to index
      %get3A_171 = arith.index_cast %get3A_169 : i32 to index
      %get3A_172 = arith.constant 48 : index
      %get3A_173 = tpu.vector_load %arg8[%get3A_170, %get3A_171, %get3A_172] {strides = array<i32>} : memref<2x8x128xi32, #tpu.memory_space<vmem>>, vector<16xi32>,
      tpu.vector_store_idx %arg20[%broadcast_in_dim3A_53, %get3A_173], %broadcast_in_dim3A_51 {add = true} : memref<1x10240xf32, #tpu.memory_space<vmem>>[vector<16xi32>, vector<16xi32>], vector<16xf32>,
      %get3A_174 = arith.constant 0 : i32
      %get3A_175 = arith.index_cast %select_n3A_74 : i32 to index
      %get3A_176 = arith.index_cast %get3A_174 : i32 to index
      %get3A_177 = arith.constant 64 : index
      %get3A_178 = tpu.vector_load %arg8[%get3A_175, %get3A_176, %get3A_177] {strides = array<i32>} : memref<2x8x128xi32, #tpu.memory_space<vmem>>, vector<16xi32>,
      tpu.vector_store_idx %arg20[%broadcast_in_dim3A_53, %get3A_178], %broadcast_in_dim3A_51 {add = true} : memref<1x10240xf32, #tpu.memory_space<vmem>>[vector<16xi32>, vector<16xi32>], vector<16xf32>,
      %get3A_179 = arith.constant 0 : i32
      %get3A_180 = arith.index_cast %select_n3A_74 : i32 to index
      %get3A_181 = arith.index_cast %get3A_179 : i32 to index
      %get3A_182 = arith.constant 80 : index
      %get3A_183 = tpu.vector_load %arg8[%get3A_180, %get3A_181, %get3A_182] {strides = array<i32>} : memref<2x8x128xi32, #tpu.memory_space<vmem>>, vector<16xi32>,
      tpu.vector_store_idx %arg20[%broadcast_in_dim3A_53, %get3A_183], %broadcast_in_dim3A_51 {add = true} : memref<1x10240xf32, #tpu.memory_space<vmem>>[vector<16xi32>, vector<16xi32>], vector<16xf32>,
      %get3A_184 = arith.constant 0 : i32
      %get3A_185 = arith.index_cast %select_n3A_74 : i32 to index
      %get3A_186 = arith.index_cast %get3A_184 : i32 to index
      %get3A_187 = arith.constant 96 : index
      %get3A_188 = tpu.vector_load %arg8[%get3A_185, %get3A_186, %get3A_187] {strides = array<i32>} : memref<2x8x128xi32, #tpu.memory_space<vmem>>, vector<16xi32>,
      tpu.vector_store_idx %arg20[%broadcast_in_dim3A_53, %get3A_188], %broadcast_in_dim3A_51 {add = true} : memref<1x10240xf32, #tpu.memory_space<vmem>>[vector<16xi32>, vector<16xi32>], vector<16xf32>,
      %get3A_189 = arith.constant 0 : i32
      %get3A_190 = arith.index_cast %select_n3A_74 : i32 to index
      %get3A_191 = arith.index_cast %get3A_189 : i32 to index
      %get3A_192 = arith.constant 112 : index
      %get3A_193 = tpu.vector_load %arg8[%get3A_190, %get3A_191, %get3A_192] {strides = array<i32>} : memref<2x8x128xi32, #tpu.memory_space<vmem>>, vector<16xi32>,
      tpu.vector_store_idx %arg20[%broadcast_in_dim3A_53, %get3A_193], %broadcast_in_dim3A_51 {add = true} : memref<1x10240xf32, #tpu.memory_space<vmem>>[vector<16xi32>, vector<16xi32>], vector<16xf32>,
      %dma_wait3A_194 = arith.constant 0 : i32
      %dma_wait3A_195 = arith.constant 0 : i32
      %dma_wait3A_196 = arith.constant 0 : i32
      %dma_wait3A_197 = arith.constant 0 : i32
      %dma_wait3A_198 = tpu.memref_slice %arg9[%dma_wait3A_194, %dma_wait3A_196, %dma_wait3A_197] : memref<2x128x128xf32, #tpu.memory_space<vmem>> -> memref<1x128x128xf32, #tpu.memory_space<vmem>>
      %dma_wait3A_199 = tpu.memref_squeeze %dma_wait3A_198 : memref<1x128x128xf32, #tpu.memory_space<vmem>> -> memref<128x128xf32, #tpu.memory_space<vmem>>
      %dma_wait3A_200 = arith.constant 0 : i32
      %dma_wait3A_201 = tpu.memref_slice %arg8[%select_n3A_74, %dma_wait3A_195, %dma_wait3A_200] : memref<2x8x128xi32, #tpu.memory_space<vmem>> -> memref<1x1x128xi32, #tpu.memory_space<vmem>>
      %dma_wait3A_202 = tpu.memref_squeeze %dma_wait3A_201 : memref<1x1x128xi32, #tpu.memory_space<vmem>> -> memref<128xi32, #tpu.memory_space<vmem>>
      %dma_wait3A_203 = arith.constant 0 : i32
      %dma_wait3A_204 = arith.constant 0 : i32
      %dma_wait3A_205 = tpu.memref_slice %arg11[%dma_wait3A_203, %dma_wait3A_204] : memref<10240x128xf32, #tpu.memory_space<vmem_shared>> -> memref<10240x128xf32, #tpu.memory_space<vmem_shared>>
      tpu.wait_indirect_dma semaphore(%arg16 : memref<!tpu.dma_semaphore, #tpu.memory_space<semaphore_mem>>) src(%dma_wait3A_199 : memref<128x128xf32, #tpu.memory_space<vmem>>) dst(%dma_wait3A_205 : memref<10240x128xf32, #tpu.memory_space<vmem_shared>>)
      %dma_start3A_206 = arith.constant 2 : i32
      %dma_start3A_207 = arith.constant 0 : i32
      %dma_start3A_208 = arith.constant 0 : i32
      %dma_start3A_209 = arith.constant 0 : i32
      %dma_start3A_210 = tpu.memref_slice %arg9[%dma_start3A_207, %dma_start3A_208, %dma_start3A_209] : memref<2x128x128xf32, #tpu.memory_space<vmem>> -> memref<1x128x128xf32, #tpu.memory_space<vmem>>
      %dma_start3A_211 = tpu.memref_squeeze %dma_start3A_210 : memref<1x128x128xf32, #tpu.memory_space<vmem>> -> memref<128x128xf32, #tpu.memory_space<vmem>>
      %dma_start3A_212 = arith.constant 0 : i32
      %dma_start3A_213 = tpu.memref_slice %arg7[%select_n3A_74, %dma_start3A_206, %dma_start3A_212] : memref<2x8x128xi32, #tpu.memory_space<vmem>> -> memref<1x1x128xi32, #tpu.memory_space<vmem>>
      %dma_start3A_214 = tpu.memref_squeeze %dma_start3A_213 : memref<1x1x128xi32, #tpu.memory_space<vmem>> -> memref<128xi32, #tpu.memory_space<vmem>>
      %dma_start3A_215 = arith.constant 0 : i32
      %dma_start3A_216 = arith.constant 0 : i32
      %dma_start3A_217 = tpu.memref_slice %arg2[%dma_start3A_215, %dma_start3A_216] : memref<10000x128xf32, #tpu.memory_space<hbm>> -> memref<10000x128xf32, #tpu.memory_space<hbm>>
      tpu.enqueue_indirect_dma source(%dma_start3A_217 : memref<10000x128xf32, #tpu.memory_space<hbm>>) target(%dma_start3A_211 : memref<128x128xf32, #tpu.memory_space<vmem>>) offsets(%dma_start3A_214 : memref<128xi32, #tpu.memory_space<vmem>>) semaphore(%arg13 : memref<!tpu.dma_semaphore, #tpu.memory_space<semaphore_mem>>)
      %dma_wait3A_218 = arith.constant 1 : i32
      %dma_wait3A_219 = arith.constant 1 : i32
      %dma_wait3A_220 = arith.constant 0 : i32
      %dma_wait3A_221 = arith.constant 0 : i32
      %dma_wait3A_222 = tpu.memref_slice %arg9[%dma_wait3A_219, %dma_wait3A_220, %dma_wait3A_221] : memref<2x128x128xf32, #tpu.memory_space<vmem>> -> memref<1x128x128xf32, #tpu.memory_space<vmem>>
      %dma_wait3A_223 = tpu.memref_squeeze %dma_wait3A_222 : memref<1x128x128xf32, #tpu.memory_space<vmem>> -> memref<128x128xf32, #tpu.memory_space<vmem>>
      %dma_wait3A_224 = arith.constant 0 : i32
      %dma_wait3A_225 = tpu.memref_slice %arg7[%select_n3A_74, %dma_wait3A_218, %dma_wait3A_224] : memref<2x8x128xi32, #tpu.memory_space<vmem>> -> memref<1x1x128xi32, #tpu.memory_space<vmem>>
      %dma_wait3A_226 = tpu.memref_squeeze %dma_wait3A_225 : memref<1x1x128xi32, #tpu.memory_space<vmem>> -> memref<128xi32, #tpu.memory_space<vmem>>
      %dma_wait3A_227 = arith.constant 0 : i32
      %dma_wait3A_228 = arith.constant 0 : i32
      %dma_wait3A_229 = tpu.memref_slice %arg2[%dma_wait3A_227, %dma_wait3A_228] : memref<10000x128xf32, #tpu.memory_space<hbm>> -> memref<10000x128xf32, #tpu.memory_space<hbm>>
      tpu.wait_indirect_dma semaphore(%arg14 : memref<!tpu.dma_semaphore, #tpu.memory_space<semaphore_mem>>) src(%dma_wait3A_229 : memref<10000x128xf32, #tpu.memory_space<hbm>>) dst(%dma_wait3A_223 : memref<128x128xf32, #tpu.memory_space<vmem>>)
      %dma_start3A_230 = arith.constant 1 : i32
      %dma_start3A_231 = arith.constant 1 : i32
      %dma_start3A_232 = arith.constant 0 : i32
      %dma_start3A_233 = arith.constant 0 : i32
      %dma_start3A_234 = tpu.memref_slice %arg9[%dma_start3A_230, %dma_start3A_232, %dma_start3A_233] : memref<2x128x128xf32, #tpu.memory_space<vmem>> -> memref<1x128x128xf32, #tpu.memory_space<vmem>>
      %dma_start3A_235 = tpu.memref_squeeze %dma_start3A_234 : memref<1x128x128xf32, #tpu.memory_space<vmem>> -> memref<128x128xf32, #tpu.memory_space<vmem>>
      %dma_start3A_236 = arith.constant 0 : i32
      %dma_start3A_237 = tpu.memref_slice %arg8[%select_n3A_74, %dma_start3A_231, %dma_start3A_236] : memref<2x8x128xi32, #tpu.memory_space<vmem>> -> memref<1x1x128xi32, #tpu.memory_space<vmem>>
      %dma_start3A_238 = tpu.memref_squeeze %dma_start3A_237 : memref<1x1x128xi32, #tpu.memory_space<vmem>> -> memref<128xi32, #tpu.memory_space<vmem>>
      %dma_start3A_239 = arith.constant 0 : i32
      %dma_start3A_240 = arith.constant 0 : i32
      %dma_start3A_241 = tpu.memref_slice %arg11[%dma_start3A_239, %dma_start3A_240] : memref<10240x128xf32, #tpu.memory_space<vmem_shared>> -> memref<10240x128xf32, #tpu.memory_space<vmem_shared>>
      tpu.enqueue_indirect_dma source(%dma_start3A_235 : memref<128x128xf32, #tpu.memory_space<vmem>>) target(%dma_start3A_241 : memref<10240x128xf32, #tpu.memory_space<vmem_shared>>) offsets(%dma_start3A_238 : memref<128xi32, #tpu.memory_space<vmem>>) semaphore(%arg17 : memref<!tpu.dma_semaphore, #tpu.memory_space<semaphore_mem>>) {add = true}
      %get3A_242 = arith.constant 1 : i32
      %get3A_243 = arith.index_cast %select_n3A_74 : i32 to index
      %get3A_244 = arith.index_cast %get3A_242 : i32 to index
      %get3A_245 = arith.constant 0 : index
      %get3A_246 = tpu.vector_load %arg8[%get3A_243, %get3A_244, %get3A_245] {strides = array<i32>} : memref<2x8x128xi32, #tpu.memory_space<vmem>>, vector<16xi32>,
      tpu.vector_store_idx %arg20[%broadcast_in_dim3A_53, %get3A_246], %broadcast_in_dim3A_51 {add = true} : memref<1x10240xf32, #tpu.memory_space<vmem>>[vector<16xi32>, vector<16xi32>], vector<16xf32>,
      %get3A_247 = arith.constant 1 : i32
      %get3A_248 = arith.index_cast %select_n3A_74 : i32 to index
      %get3A_249 = arith.index_cast %get3A_247 : i32 to index
      %get3A_250 = arith.constant 16 : index
      %get3A_251 = tpu.vector_load %arg8[%get3A_248, %get3A_249, %get3A_250] {strides = array<i32>} : memref<2x8x128xi32, #tpu.memory_space<vmem>>, vector<16xi32>,
      tpu.vector_store_idx %arg20[%broadcast_in_dim3A_53, %get3A_251], %broadcast_in_dim3A_51 {add = true} : memref<1x10240xf32, #tpu.memory_space<vmem>>[vector<16xi32>, vector<16xi32>], vector<16xf32>,
      %get3A_252 = arith.constant 1 : i32
      %get3A_253 = arith.index_cast %select_n3A_74 : i32 to index
      %get3A_254 = arith.index_cast %get3A_252 : i32 to index
      %get3A_255 = arith.constant 32 : index
      %get3A_256 = tpu.vector_load %arg8[%get3A_253, %get3A_254, %get3A_255] {strides = array<i32>} : memref<2x8x128xi32, #tpu.memory_space<vmem>>, vector<16xi32>,
      tpu.vector_store_idx %arg20[%broadcast_in_dim3A_53, %get3A_256], %broadcast_in_dim3A_51 {add = true} : memref<1x10240xf32, #tpu.memory_space<vmem>>[vector<16xi32>, vector<16xi32>], vector<16xf32>,
      %get3A_257 = arith.constant 1 : i32
      %get3A_258 = arith.index_cast %select_n3A_74 : i32 to index
      %get3A_259 = arith.index_cast %get3A_257 : i32 to index
      %get3A_260 = arith.constant 48 : index
      %get3A_261 = tpu.vector_load %arg8[%get3A_258, %get3A_259, %get3A_260] {strides = array<i32>} : memref<2x8x128xi32, #tpu.memory_space<vmem>>, vector<16xi32>,
      tpu.vector_store_idx %arg20[%broadcast_in_dim3A_53, %get3A_261], %broadcast_in_dim3A_51 {add = true} : memref<1x10240xf32, #tpu.memory_space<vmem>>[vector<16xi32>, vector<16xi32>], vector<16xf32>,
      %get3A_262 = arith.constant 1 : i32
      %get3A_263 = arith.index_cast %select_n3A_74 : i32 to index
      %get3A_264 = arith.index_cast %get3A_262 : i32 to index
      %get3A_265 = arith.constant 64 : index
      %get3A_266 = tpu.vector_load %arg8[%get3A_263, %get3A_264, %get3A_265] {strides = array<i32>} : memref<2x8x128xi32, #tpu.memory_space<vmem>>, vector<16xi32>,
      tpu.vector_store_idx %arg20[%broadcast_in_dim3A_53, %get3A_266], %broadcast_in_dim3A_51 {add = true} : memref<1x10240xf32, #tpu.memory_space<vmem>>[vector<16xi32>, vector<16xi32>], vector<16xf32>,
      %get3A_267 = arith.constant 1 : i32
      %get3A_268 = arith.index_cast %select_n3A_74 : i32 to index
      %get3A_269 = arith.index_cast %get3A_267 : i32 to index
      %get3A_270 = arith.constant 80 : index
      %get3A_271 = tpu.vector_load %arg8[%get3A_268, %get3A_269, %get3A_270] {strides = array<i32>} : memref<2x8x128xi32, #tpu.memory_space<vmem>>, vector<16xi32>,
      tpu.vector_store_idx %arg20[%broadcast_in_dim3A_53, %get3A_271], %broadcast_in_dim3A_51 {add = true} : memref<1x10240xf32, #tpu.memory_space<vmem>>[vector<16xi32>, vector<16xi32>], vector<16xf32>,
      %get3A_272 = arith.constant 1 : i32
      %get3A_273 = arith.index_cast %select_n3A_74 : i32 to index
      %get3A_274 = arith.index_cast %get3A_272 : i32 to index
      %get3A_275 = arith.constant 96 : index
      %get3A_276 = tpu.vector_load %arg8[%get3A_273, %get3A_274, %get3A_275] {strides = array<i32>} : memref<2x8x128xi32, #tpu.memory_space<vmem>>, vector<16xi32>,
      tpu.vector_store_idx %arg20[%broadcast_in_dim3A_53, %get3A_276], %broadcast_in_dim3A_51 {add = true} : memref<1x10240xf32, #tpu.memory_space<vmem>>[vector<16xi32>, vector<16xi32>], vector<16xf32>,
      %get3A_277 = arith.constant 1 : i32
      %get3A_278 = arith.index_cast %select_n3A_74 : i32 to index
      %get3A_279 = arith.index_cast %get3A_277 : i32 to index
      %get3A_280 = arith.constant 112 : index
      %get3A_281 = tpu.vector_load %arg8[%get3A_278, %get3A_279, %get3A_280] {strides = array<i32>} : memref<2x8x128xi32, #tpu.memory_space<vmem>>, vector<16xi32>,
      tpu.vector_store_idx %arg20[%broadcast_in_dim3A_53, %get3A_281], %broadcast_in_dim3A_51 {add = true} : memref<1x10240xf32, #tpu.memory_space<vmem>>[vector<16xi32>, vector<16xi32>], vector<16xf32>,
      %dma_wait3A_282 = arith.constant 1 : i32
      %dma_wait3A_283 = arith.constant 1 : i32
      %dma_wait3A_284 = arith.constant 0 : i32
      %dma_wait3A_285 = arith.constant 0 : i32
      %dma_wait3A_286 = tpu.memref_slice %arg9[%dma_wait3A_282, %dma_wait3A_284, %dma_wait3A_285] : memref<2x128x128xf32, #tpu.memory_space<vmem>> -> memref<1x128x128xf32, #tpu.memory_space<vmem>>
      %dma_wait3A_287 = tpu.memref_squeeze %dma_wait3A_286 : memref<1x128x128xf32, #tpu.memory_space<vmem>> -> memref<128x128xf32, #tpu.memory_space<vmem>>
      %dma_wait3A_288 = arith.constant 0 : i32
      %dma_wait3A_289 = tpu.memref_slice %arg8[%select_n3A_74, %dma_wait3A_283, %dma_wait3A_288] : memref<2x8x128xi32, #tpu.memory_space<vmem>> -> memref<1x1x128xi32, #tpu.memory_space<vmem>>
      %dma_wait3A_290 = tpu.memref_squeeze %dma_wait3A_289 : memref<1x1x128xi32, #tpu.memory_space<vmem>> -> memref<128xi32, #tpu.memory_space<vmem>>
      %dma_wait3A_291 = arith.constant 0 : i32
      %dma_wait3A_292 = arith.constant 0 : i32
      %dma_wait3A_293 = tpu.memref_slice %arg11[%dma_wait3A_291, %dma_wait3A_292] : memref<10240x128xf32, #tpu.memory_space<vmem_shared>> -> memref<10240x128xf32, #tpu.memory_space<vmem_shared>>
      tpu.wait_indirect_dma semaphore(%arg17 : memref<!tpu.dma_semaphore, #tpu.memory_space<semaphore_mem>>) src(%dma_wait3A_287 : memref<128x128xf32, #tpu.memory_space<vmem>>) dst(%dma_wait3A_293 : memref<10240x128xf32, #tpu.memory_space<vmem_shared>>)
      %dma_start3A_294 = arith.constant 3 : i32
      %dma_start3A_295 = arith.constant 1 : i32
      %dma_start3A_296 = arith.constant 0 : i32
      %dma_start3A_297 = arith.constant 0 : i32
      %dma_start3A_298 = tpu.memref_slice %arg9[%dma_start3A_295, %dma_start3A_296, %dma_start3A_297] : memref<2x128x128xf32, #tpu.memory_space<vmem>> -> memref<1x128x128xf32, #tpu.memory_space<vmem>>
      %dma_start3A_299 = tpu.memref_squeeze %dma_start3A_298 : memref<1x128x128xf32, #tpu.memory_space<vmem>> -> memref<128x128xf32, #tpu.memory_space<vmem>>
      %dma_start3A_300 = arith.constant 0 : i32
      %dma_start3A_301 = tpu.memref_slice %arg7[%select_n3A_74, %dma_start3A_294, %dma_start3A_300] : memref<2x8x128xi32, #tpu.memory_space<vmem>> -> memref<1x1x128xi32, #tpu.memory_space<vmem>>
      %dma_start3A_302 = tpu.memref_squeeze %dma_start3A_301 : memref<1x1x128xi32, #tpu.memory_space<vmem>> -> memref<128xi32, #tpu.memory_space<vmem>>
      %dma_start3A_303 = arith.constant 0 : i32
      %dma_start3A_304 = arith.constant 0 : i32
      %dma_start3A_305 = tpu.memref_slice %arg2[%dma_start3A_303, %dma_start3A_304] : memref<10000x128xf32, #tpu.memory_space<hbm>> -> memref<10000x128xf32, #tpu.memory_space<hbm>>
      tpu.enqueue_indirect_dma source(%dma_start3A_305 : memref<10000x128xf32, #tpu.memory_space<hbm>>) target(%dma_start3A_299 : memref<128x128xf32, #tpu.memory_space<vmem>>) offsets(%dma_start3A_302 : memref<128xi32, #tpu.memory_space<vmem>>) semaphore(%arg14 : memref<!tpu.dma_semaphore, #tpu.memory_space<semaphore_mem>>)
      %dma_wait3A_306 = arith.constant 2 : i32
      %dma_wait3A_307 = arith.constant 0 : i32
      %dma_wait3A_308 = arith.constant 0 : i32
      %dma_wait3A_309 = arith.constant 0 : i32
      %dma_wait3A_310 = tpu.memref_slice %arg9[%dma_wait3A_307, %dma_wait3A_308, %dma_wait3A_309] : memref<2x128x128xf32, #tpu.memory_space<vmem>> -> memref<1x128x128xf32, #tpu.memory_space<vmem>>
      %dma_wait3A_311 = tpu.memref_squeeze %dma_wait3A_310 : memref<1x128x128xf32, #tpu.memory_space<vmem>> -> memref<128x128xf32, #tpu.memory_space<vmem>>
      %dma_wait3A_312 = arith.constant 0 : i32
      %dma_wait3A_313 = tpu.memref_slice %arg7[%select_n3A_74, %dma_wait3A_306, %dma_wait3A_312] : memref<2x8x128xi32, #tpu.memory_space<vmem>> -> memref<1x1x128xi32, #tpu.memory_space<vmem>>
      %dma_wait3A_314 = tpu.memref_squeeze %dma_wait3A_313 : memref<1x1x128xi32, #tpu.memory_space<vmem>> -> memref<128xi32, #tpu.memory_space<vmem>>
      %dma_wait3A_315 = arith.constant 0 : i32
      %dma_wait3A_316 = arith.constant 0 : i32
      %dma_wait3A_317 = tpu.memref_slice %arg2[%dma_wait3A_315, %dma_wait3A_316] : memref<10000x128xf32, #tpu.memory_space<hbm>> -> memref<10000x128xf32, #tpu.memory_space<hbm>>
      tpu.wait_indirect_dma semaphore(%arg13 : memref<!tpu.dma_semaphore, #tpu.memory_space<semaphore_mem>>) src(%dma_wait3A_317 : memref<10000x128xf32, #tpu.memory_space<hbm>>) dst(%dma_wait3A_311 : memref<128x128xf32, #tpu.memory_space<vmem>>)
      %dma_start3A_318 = arith.constant 0 : i32
      %dma_start3A_319 = arith.constant 2 : i32
      %dma_start3A_320 = arith.constant 0 : i32
      %dma_start3A_321 = arith.constant 0 : i32
      %dma_start3A_322 = tpu.memref_slice %arg9[%dma_start3A_318, %dma_start3A_320, %dma_start3A_321] : memref<2x128x128xf32, #tpu.memory_space<vmem>> -> memref<1x128x128xf32, #tpu.memory_space<vmem>>
      %dma_start3A_323 = tpu.memref_squeeze %dma_start3A_322 : memref<1x128x128xf32, #tpu.memory_space<vmem>> -> memref<128x128xf32, #tpu.memory_space<vmem>>
      %dma_start3A_324 = arith.constant 0 : i32
      %dma_start3A_325 = tpu.memref_slice %arg8[%select_n3A_74, %dma_start3A_319, %dma_start3A_324] : memref<2x8x128xi32, #tpu.memory_space<vmem>> -> memref<1x1x128xi32, #tpu.memory_space<vmem>>
      %dma_start3A_326 = tpu.memref_squeeze %dma_start3A_325 : memref<1x1x128xi32, #tpu.memory_space<vmem>> -> memref<128xi32, #tpu.memory_space<vmem>>
      %dma_start3A_327 = arith.constant 0 : i32
      %dma_start3A_328 = arith.constant 0 : i32
      %dma_start3A_329 = tpu.memref_slice %arg11[%dma_start3A_327, %dma_start3A_328] : memref<10240x128xf32, #tpu.memory_space<vmem_shared>> -> memref<10240x128xf32, #tpu.memory_space<vmem_shared>>
      tpu.enqueue_indirect_dma source(%dma_start3A_323 : memref<128x128xf32, #tpu.memory_space<vmem>>) target(%dma_start3A_329 : memref<10240x128xf32, #tpu.memory_space<vmem_shared>>) offsets(%dma_start3A_326 : memref<128xi32, #tpu.memory_space<vmem>>) semaphore(%arg16 : memref<!tpu.dma_semaphore, #tpu.memory_space<semaphore_mem>>) {add = true}
      %get3A_330 = arith.constant 2 : i32
      %get3A_331 = arith.index_cast %select_n3A_74 : i32 to index
      %get3A_332 = arith.index_cast %get3A_330 : i32 to index
      %get3A_333 = arith.constant 0 : index
      %get3A_334 = tpu.vector_load %arg8[%get3A_331, %get3A_332, %get3A_333] {strides = array<i32>} : memref<2x8x128xi32, #tpu.memory_space<vmem>>, vector<16xi32>,
      tpu.vector_store_idx %arg20[%broadcast_in_dim3A_53, %get3A_334], %broadcast_in_dim3A_51 {add = true} : memref<1x10240xf32, #tpu.memory_space<vmem>>[vector<16xi32>, vector<16xi32>], vector<16xf32>,
      %get3A_335 = arith.constant 2 : i32
      %get3A_336 = arith.index_cast %select_n3A_74 : i32 to index
      %get3A_337 = arith.index_cast %get3A_335 : i32 to index
      %get3A_338 = arith.constant 16 : index
      %get3A_339 = tpu.vector_load %arg8[%get3A_336, %get3A_337, %get3A_338] {strides = array<i32>} : memref<2x8x128xi32, #tpu.memory_space<vmem>>, vector<16xi32>,
      tpu.vector_store_idx %arg20[%broadcast_in_dim3A_53, %get3A_339], %broadcast_in_dim3A_51 {add = true} : memref<1x10240xf32, #tpu.memory_space<vmem>>[vector<16xi32>, vector<16xi32>], vector<16xf32>,
      %get3A_340 = arith.constant 2 : i32
      %get3A_341 = arith.index_cast %select_n3A_74 : i32 to index
      %get3A_342 = arith.index_cast %get3A_340 : i32 to index
      %get3A_343 = arith.constant 32 : index
      %get3A_344 = tpu.vector_load %arg8[%get3A_341, %get3A_342, %get3A_343] {strides = array<i32>} : memref<2x8x128xi32, #tpu.memory_space<vmem>>, vector<16xi32>,
      tpu.vector_store_idx %arg20[%broadcast_in_dim3A_53, %get3A_344], %broadcast_in_dim3A_51 {add = true} : memref<1x10240xf32, #tpu.memory_space<vmem>>[vector<16xi32>, vector<16xi32>], vector<16xf32>,
      %get3A_345 = arith.constant 2 : i32
      %get3A_346 = arith.index_cast %select_n3A_74 : i32 to index
      %get3A_347 = arith.index_cast %get3A_345 : i32 to index
      %get3A_348 = arith.constant 48 : index
      %get3A_349 = tpu.vector_load %arg8[%get3A_346, %get3A_347, %get3A_348] {strides = array<i32>} : memref<2x8x128xi32, #tpu.memory_space<vmem>>, vector<16xi32>,
      tpu.vector_store_idx %arg20[%broadcast_in_dim3A_53, %get3A_349], %broadcast_in_dim3A_51 {add = true} : memref<1x10240xf32, #tpu.memory_space<vmem>>[vector<16xi32>, vector<16xi32>], vector<16xf32>,
      %get3A_350 = arith.constant 2 : i32
      %get3A_351 = arith.index_cast %select_n3A_74 : i32 to index
      %get3A_352 = arith.index_cast %get3A_350 : i32 to index
      %get3A_353 = arith.constant 64 : index
      %get3A_354 = tpu.vector_load %arg8[%get3A_351, %get3A_352, %get3A_353] {strides = array<i32>} : memref<2x8x128xi32, #tpu.memory_space<vmem>>, vector<16xi32>,
      tpu.vector_store_idx %arg20[%broadcast_in_dim3A_53, %get3A_354], %broadcast_in_dim3A_51 {add = true} : memref<1x10240xf32, #tpu.memory_space<vmem>>[vector<16xi32>, vector<16xi32>], vector<16xf32>,
      %get3A_355 = arith.constant 2 : i32
      %get3A_356 = arith.index_cast %select_n3A_74 : i32 to index
      %get3A_357 = arith.index_cast %get3A_355 : i32 to index
      %get3A_358 = arith.constant 80 : index
      %get3A_359 = tpu.vector_load %arg8[%get3A_356, %get3A_357, %get3A_358] {strides = array<i32>} : memref<2x8x128xi32, #tpu.memory_space<vmem>>, vector<16xi32>,
      tpu.vector_store_idx %arg20[%broadcast_in_dim3A_53, %get3A_359], %broadcast_in_dim3A_51 {add = true} : memref<1x10240xf32, #tpu.memory_space<vmem>>[vector<16xi32>, vector<16xi32>], vector<16xf32>,
      %get3A_360 = arith.constant 2 : i32
      %get3A_361 = arith.index_cast %select_n3A_74 : i32 to index
      %get3A_362 = arith.index_cast %get3A_360 : i32 to index
      %get3A_363 = arith.constant 96 : index
      %get3A_364 = tpu.vector_load %arg8[%get3A_361, %get3A_362, %get3A_363] {strides = array<i32>} : memref<2x8x128xi32, #tpu.memory_space<vmem>>, vector<16xi32>,
      tpu.vector_store_idx %arg20[%broadcast_in_dim3A_53, %get3A_364], %broadcast_in_dim3A_51 {add = true} : memref<1x10240xf32, #tpu.memory_space<vmem>>[vector<16xi32>, vector<16xi32>], vector<16xf32>,
      %get3A_365 = arith.constant 2 : i32
      %get3A_366 = arith.index_cast %select_n3A_74 : i32 to index
      %get3A_367 = arith.index_cast %get3A_365 : i32 to index
      %get3A_368 = arith.constant 112 : index
      %get3A_369 = tpu.vector_load %arg8[%get3A_366, %get3A_367, %get3A_368] {strides = array<i32>} : memref<2x8x128xi32, #tpu.memory_space<vmem>>, vector<16xi32>,
      tpu.vector_store_idx %arg20[%broadcast_in_dim3A_53, %get3A_369], %broadcast_in_dim3A_51 {add = true} : memref<1x10240xf32, #tpu.memory_space<vmem>>[vector<16xi32>, vector<16xi32>], vector<16xf32>,
      %dma_wait3A_370 = arith.constant 0 : i32
      %dma_wait3A_371 = arith.constant 2 : i32
      %dma_wait3A_372 = arith.constant 0 : i32
      %dma_wait3A_373 = arith.constant 0 : i32
      %dma_wait3A_374 = tpu.memref_slice %arg9[%dma_wait3A_370, %dma_wait3A_372, %dma_wait3A_373] : memref<2x128x128xf32, #tpu.memory_space<vmem>> -> memref<1x128x128xf32, #tpu.memory_space<vmem>>
      %dma_wait3A_375 = tpu.memref_squeeze %dma_wait3A_374 : memref<1x128x128xf32, #tpu.memory_space<vmem>> -> memref<128x128xf32, #tpu.memory_space<vmem>>
      %dma_wait3A_376 = arith.constant 0 : i32
      %dma_wait3A_377 = tpu.memref_slice %arg8[%select_n3A_74, %dma_wait3A_371, %dma_wait3A_376] : memref<2x8x128xi32, #tpu.memory_space<vmem>> -> memref<1x1x128xi32, #tpu.memory_space<vmem>>
      %dma_wait3A_378 = tpu.memref_squeeze %dma_wait3A_377 : memref<1x1x128xi32, #tpu.memory_space<vmem>> -> memref<128xi32, #tpu.memory_space<vmem>>
      %dma_wait3A_379 = arith.constant 0 : i32
      %dma_wait3A_380 = arith.constant 0 : i32
      %dma_wait3A_381 = tpu.memref_slice %arg11[%dma_wait3A_379, %dma_wait3A_380] : memref<10240x128xf32, #tpu.memory_space<vmem_shared>> -> memref<10240x128xf32, #tpu.memory_space<vmem_shared>>
      tpu.wait_indirect_dma semaphore(%arg16 : memref<!tpu.dma_semaphore, #tpu.memory_space<semaphore_mem>>) src(%dma_wait3A_375 : memref<128x128xf32, #tpu.memory_space<vmem>>) dst(%dma_wait3A_381 : memref<10240x128xf32, #tpu.memory_space<vmem_shared>>)
      %dma_start3A_382 = arith.constant 4 : i32
      %dma_start3A_383 = arith.constant 0 : i32
      %dma_start3A_384 = arith.constant 0 : i32
      %dma_start3A_385 = arith.constant 0 : i32
      %dma_start3A_386 = tpu.memref_slice %arg9[%dma_start3A_383, %dma_start3A_384, %dma_start3A_385] : memref<2x128x128xf32, #tpu.memory_space<vmem>> -> memref<1x128x128xf32, #tpu.memory_space<vmem>>
      %dma_start3A_387 = tpu.memref_squeeze %dma_start3A_386 : memref<1x128x128xf32, #tpu.memory_space<vmem>> -> memref<128x128xf32, #tpu.memory_space<vmem>>
      %dma_start3A_388 = arith.constant 0 : i32
      %dma_start3A_389 = tpu.memref_slice %arg7[%select_n3A_74, %dma_start3A_382, %dma_start3A_388] : memref<2x8x128xi32, #tpu.memory_space<vmem>> -> memref<1x1x128xi32, #tpu.memory_space<vmem>>
      %dma_start3A_390 = tpu.memref_squeeze %dma_start3A_389 : memref<1x1x128xi32, #tpu.memory_space<vmem>> -> memref<128xi32, #tpu.memory_space<vmem>>
      %dma_start3A_391 = arith.constant 0 : i32
      %dma_start3A_392 = arith.constant 0 : i32
      %dma_start3A_393 = tpu.memref_slice %arg2[%dma_start3A_391, %dma_start3A_392] : memref<10000x128xf32, #tpu.memory_space<hbm>> -> memref<10000x128xf32, #tpu.memory_space<hbm>>
      tpu.enqueue_indirect_dma source(%dma_start3A_393 : memref<10000x128xf32, #tpu.memory_space<hbm>>) target(%dma_start3A_387 : memref<128x128xf32, #tpu.memory_space<vmem>>) offsets(%dma_start3A_390 : memref<128xi32, #tpu.memory_space<vmem>>) semaphore(%arg13 : memref<!tpu.dma_semaphore, #tpu.memory_space<semaphore_mem>>)
      %dma_wait3A_394 = arith.constant 3 : i32
      %dma_wait3A_395 = arith.constant 1 : i32
      %dma_wait3A_396 = arith.constant 0 : i32
      %dma_wait3A_397 = arith.constant 0 : i32
      %dma_wait3A_398 = tpu.memref_slice %arg9[%dma_wait3A_395, %dma_wait3A_396, %dma_wait3A_397] : memref<2x128x128xf32, #tpu.memory_space<vmem>> -> memref<1x128x128xf32, #tpu.memory_space<vmem>>
      %dma_wait3A_399 = tpu.memref_squeeze %dma_wait3A_398 : memref<1x128x128xf32, #tpu.memory_space<vmem>> -> memref<128x128xf32, #tpu.memory_space<vmem>>
      %dma_wait3A_400 = arith.constant 0 : i32
      %dma_wait3A_401 = tpu.memref_slice %arg7[%select_n3A_74, %dma_wait3A_394, %dma_wait3A_400] : memref<2x8x128xi32, #tpu.memory_space<vmem>> -> memref<1x1x128xi32, #tpu.memory_space<vmem>>
      %dma_wait3A_402 = tpu.memref_squeeze %dma_wait3A_401 : memref<1x1x128xi32, #tpu.memory_space<vmem>> -> memref<128xi32, #tpu.memory_space<vmem>>
      %dma_wait3A_403 = arith.constant 0 : i32
      %dma_wait3A_404 = arith.constant 0 : i32
      %dma_wait3A_405 = tpu.memref_slice %arg2[%dma_wait3A_403, %dma_wait3A_404] : memref<10000x128xf32, #tpu.memory_space<hbm>> -> memref<10000x128xf32, #tpu.memory_space<hbm>>
      tpu.wait_indirect_dma semaphore(%arg14 : memref<!tpu.dma_semaphore, #tpu.memory_space<semaphore_mem>>) src(%dma_wait3A_405 : memref<10000x128xf32, #tpu.memory_space<hbm>>) dst(%dma_wait3A_399 : memref<128x128xf32, #tpu.memory_space<vmem>>)
      %dma_start3A_406 = arith.constant 1 : i32
      %dma_start3A_407 = arith.constant 3 : i32
      %dma_start3A_408 = arith.constant 0 : i32
      %dma_start3A_409 = arith.constant 0 : i32
      %dma_start3A_410 = tpu.memref_slice %arg9[%dma_start3A_406, %dma_start3A_408, %dma_start3A_409] : memref<2x128x128xf32, #tpu.memory_space<vmem>> -> memref<1x128x128xf32, #tpu.memory_space<vmem>>
      %dma_start3A_411 = tpu.memref_squeeze %dma_start3A_410 : memref<1x128x128xf32, #tpu.memory_space<vmem>> -> memref<128x128xf32, #tpu.memory_space<vmem>>
      %dma_start3A_412 = arith.constant 0 : i32
      %dma_start3A_413 = tpu.memref_slice %arg8[%select_n3A_74, %dma_start3A_407, %dma_start3A_412] : memref<2x8x128xi32, #tpu.memory_space<vmem>> -> memref<1x1x128xi32, #tpu.memory_space<vmem>>
      %dma_start3A_414 = tpu.memref_squeeze %dma_start3A_413 : memref<1x1x128xi32, #tpu.memory_space<vmem>> -> memref<128xi32, #tpu.memory_space<vmem>>
      %dma_start3A_415 = arith.constant 0 : i32
      %dma_start3A_416 = arith.constant 0 : i32
      %dma_start3A_417 = tpu.memref_slice %arg11[%dma_start3A_415, %dma_start3A_416] : memref<10240x128xf32, #tpu.memory_space<vmem_shared>> -> memref<10240x128xf32, #tpu.memory_space<vmem_shared>>
      tpu.enqueue_indirect_dma source(%dma_start3A_411 : memref<128x128xf32, #tpu.memory_space<vmem>>) target(%dma_start3A_417 : memref<10240x128xf32, #tpu.memory_space<vmem_shared>>) offsets(%dma_start3A_414 : memref<128xi32, #tpu.memory_space<vmem>>) semaphore(%arg17 : memref<!tpu.dma_semaphore, #tpu.memory_space<semaphore_mem>>) {add = true}
      %get3A_418 = arith.constant 3 : i32
      %get3A_419 = arith.index_cast %select_n3A_74 : i32 to index
      %get3A_420 = arith.index_cast %get3A_418 : i32 to index
      %get3A_421 = arith.constant 0 : index
      %get3A_422 = tpu.vector_load %arg8[%get3A_419, %get3A_420, %get3A_421] {strides = array<i32>} : memref<2x8x128xi32, #tpu.memory_space<vmem>>, vector<16xi32>,
      tpu.vector_store_idx %arg20[%broadcast_in_dim3A_53, %get3A_422], %broadcast_in_dim3A_51 {add = true} : memref<1x10240xf32, #tpu.memory_space<vmem>>[vector<16xi32>, vector<16xi32>], vector<16xf32>,
      %get3A_423 = arith.constant 3 : i32
      %get3A_424 = arith.index_cast %select_n3A_74 : i32 to index
      %get3A_425 = arith.index_cast %get3A_423 : i32 to index
      %get3A_426 = arith.constant 16 : index
      %get3A_427 = tpu.vector_load %arg8[%get3A_424, %get3A_425, %get3A_426] {strides = array<i32>} : memref<2x8x128xi32, #tpu.memory_space<vmem>>, vector<16xi32>,
      tpu.vector_store_idx %arg20[%broadcast_in_dim3A_53, %get3A_427], %broadcast_in_dim3A_51 {add = true} : memref<1x10240xf32, #tpu.memory_space<vmem>>[vector<16xi32>, vector<16xi32>], vector<16xf32>,
      %get3A_428 = arith.constant 3 : i32
      %get3A_429 = arith.index_cast %select_n3A_74 : i32 to index
      %get3A_430 = arith.index_cast %get3A_428 : i32 to index
      %get3A_431 = arith.constant 32 : index
      %get3A_432 = tpu.vector_load %arg8[%get3A_429, %get3A_430, %get3A_431] {strides = array<i32>} : memref<2x8x128xi32, #tpu.memory_space<vmem>>, vector<16xi32>,
      tpu.vector_store_idx %arg20[%broadcast_in_dim3A_53, %get3A_432], %broadcast_in_dim3A_51 {add = true} : memref<1x10240xf32, #tpu.memory_space<vmem>>[vector<16xi32>, vector<16xi32>], vector<16xf32>,
      %get3A_433 = arith.constant 3 : i32
      %get3A_434 = arith.index_cast %select_n3A_74 : i32 to index
      %get3A_435 = arith.index_cast %get3A_433 : i32 to index
      %get3A_436 = arith.constant 48 : index
      %get3A_437 = tpu.vector_load %arg8[%get3A_434, %get3A_435, %get3A_436] {strides = array<i32>} : memref<2x8x128xi32, #tpu.memory_space<vmem>>, vector<16xi32>,
      tpu.vector_store_idx %arg20[%broadcast_in_dim3A_53, %get3A_437], %broadcast_in_dim3A_51 {add = true} : memref<1x10240xf32, #tpu.memory_space<vmem>>[vector<16xi32>, vector<16xi32>], vector<16xf32>,
      %get3A_438 = arith.constant 3 : i32
      %get3A_439 = arith.index_cast %select_n3A_74 : i32 to index
      %get3A_440 = arith.index_cast %get3A_438 : i32 to index
      %get3A_441 = arith.constant 64 : index
      %get3A_442 = tpu.vector_load %arg8[%get3A_439, %get3A_440, %get3A_441] {strides = array<i32>} : memref<2x8x128xi32, #tpu.memory_space<vmem>>, vector<16xi32>,
      tpu.vector_store_idx %arg20[%broadcast_in_dim3A_53, %get3A_442], %broadcast_in_dim3A_51 {add = true} : memref<1x10240xf32, #tpu.memory_space<vmem>>[vector<16xi32>, vector<16xi32>], vector<16xf32>,
      %get3A_443 = arith.constant 3 : i32
      %get3A_444 = arith.index_cast %select_n3A_74 : i32 to index
      %get3A_445 = arith.index_cast %get3A_443 : i32 to index
      %get3A_446 = arith.constant 80 : index
      %get3A_447 = tpu.vector_load %arg8[%get3A_444, %get3A_445, %get3A_446] {strides = array<i32>} : memref<2x8x128xi32, #tpu.memory_space<vmem>>, vector<16xi32>,
      tpu.vector_store_idx %arg20[%broadcast_in_dim3A_53, %get3A_447], %broadcast_in_dim3A_51 {add = true} : memref<1x10240xf32, #tpu.memory_space<vmem>>[vector<16xi32>, vector<16xi32>], vector<16xf32>,
      %get3A_448 = arith.constant 3 : i32
      %get3A_449 = arith.index_cast %select_n3A_74 : i32 to index
      %get3A_450 = arith.index_cast %get3A_448 : i32 to index
      %get3A_451 = arith.constant 96 : index
      %get3A_452 = tpu.vector_load %arg8[%get3A_449, %get3A_450, %get3A_451] {strides = array<i32>} : memref<2x8x128xi32, #tpu.memory_space<vmem>>, vector<16xi32>,
      tpu.vector_store_idx %arg20[%broadcast_in_dim3A_53, %get3A_452], %broadcast_in_dim3A_51 {add = true} : memref<1x10240xf32, #tpu.memory_space<vmem>>[vector<16xi32>, vector<16xi32>], vector<16xf32>,
      %get3A_453 = arith.constant 3 : i32
      %get3A_454 = arith.index_cast %select_n3A_74 : i32 to index
      %get3A_455 = arith.index_cast %get3A_453 : i32 to index
      %get3A_456 = arith.constant 112 : index
      %get3A_457 = tpu.vector_load %arg8[%get3A_454, %get3A_455, %get3A_456] {strides = array<i32>} : memref<2x8x128xi32, #tpu.memory_space<vmem>>, vector<16xi32>,
      tpu.vector_store_idx %arg20[%broadcast_in_dim3A_53, %get3A_457], %broadcast_in_dim3A_51 {add = true} : memref<1x10240xf32, #tpu.memory_space<vmem>>[vector<16xi32>, vector<16xi32>], vector<16xf32>,
      %dma_wait3A_458 = arith.constant 1 : i32
      %dma_wait3A_459 = arith.constant 3 : i32
      %dma_wait3A_460 = arith.constant 0 : i32
      %dma_wait3A_461 = arith.constant 0 : i32
      %dma_wait3A_462 = tpu.memref_slice %arg9[%dma_wait3A_458, %dma_wait3A_460, %dma_wait3A_461] : memref<2x128x128xf32, #tpu.memory_space<vmem>> -> memref<1x128x128xf32, #tpu.memory_space<vmem>>
      %dma_wait3A_463 = tpu.memref_squeeze %dma_wait3A_462 : memref<1x128x128xf32, #tpu.memory_space<vmem>> -> memref<128x128xf32, #tpu.memory_space<vmem>>
      %dma_wait3A_464 = arith.constant 0 : i32
      %dma_wait3A_465 = tpu.memref_slice %arg8[%select_n3A_74, %dma_wait3A_459, %dma_wait3A_464] : memref<2x8x128xi32, #tpu.memory_space<vmem>> -> memref<1x1x128xi32, #tpu.memory_space<vmem>>
      %dma_wait3A_466 = tpu.memref_squeeze %dma_wait3A_465 : memref<1x1x128xi32, #tpu.memory_space<vmem>> -> memref<128xi32, #tpu.memory_space<vmem>>
      %dma_wait3A_467 = arith.constant 0 : i32
      %dma_wait3A_468 = arith.constant 0 : i32
      %dma_wait3A_469 = tpu.memref_slice %arg11[%dma_wait3A_467, %dma_wait3A_468] : memref<10240x128xf32, #tpu.memory_space<vmem_shared>> -> memref<10240x128xf32, #tpu.memory_space<vmem_shared>>
      tpu.wait_indirect_dma semaphore(%arg17 : memref<!tpu.dma_semaphore, #tpu.memory_space<semaphore_mem>>) src(%dma_wait3A_463 : memref<128x128xf32, #tpu.memory_space<vmem>>) dst(%dma_wait3A_469 : memref<10240x128xf32, #tpu.memory_space<vmem_shared>>)
      %dma_start3A_470 = arith.constant 5 : i32
      %dma_start3A_471 = arith.constant 1 : i32
      %dma_start3A_472 = arith.constant 0 : i32
      %dma_start3A_473 = arith.constant 0 : i32
      %dma_start3A_474 = tpu.memref_slice %arg9[%dma_start3A_471, %dma_start3A_472, %dma_start3A_473] : memref<2x128x128xf32, #tpu.memory_space<vmem>> -> memref<1x128x128xf32, #tpu.memory_space<vmem>>
      %dma_start3A_475 = tpu.memref_squeeze %dma_start3A_474 : memref<1x128x128xf32, #tpu.memory_space<vmem>> -> memref<128x128xf32, #tpu.memory_space<vmem>>
      %dma_start3A_476 = arith.constant 0 : i32
      %dma_start3A_477 = tpu.memref_slice %arg7[%select_n3A_74, %dma_start3A_470, %dma_start3A_476] : memref<2x8x128xi32, #tpu.memory_space<vmem>> -> memref<1x1x128xi32, #tpu.memory_space<vmem>>
      %dma_start3A_478 = tpu.memref_squeeze %dma_start3A_477 : memref<1x1x128xi32, #tpu.memory_space<vmem>> -> memref<128xi32, #tpu.memory_space<vmem>>
      %dma_start3A_479 = arith.constant 0 : i32
      %dma_start3A_480 = arith.constant 0 : i32
      %dma_start3A_481 = tpu.memref_slice %arg2[%dma_start3A_479, %dma_start3A_480] : memref<10000x128xf32, #tpu.memory_space<hbm>> -> memref<10000x128xf32, #tpu.memory_space<hbm>>
      tpu.enqueue_indirect_dma source(%dma_start3A_481 : memref<10000x128xf32, #tpu.memory_space<hbm>>) target(%dma_start3A_475 : memref<128x128xf32, #tpu.memory_space<vmem>>) offsets(%dma_start3A_478 : memref<128xi32, #tpu.memory_space<vmem>>) semaphore(%arg14 : memref<!tpu.dma_semaphore, #tpu.memory_space<semaphore_mem>>)
      %dma_wait3A_482 = arith.constant 4 : i32
      %dma_wait3A_483 = arith.constant 0 : i32
      %dma_wait3A_484 = arith.constant 0 : i32
      %dma_wait3A_485 = arith.constant 0 : i32
      %dma_wait3A_486 = tpu.memref_slice %arg9[%dma_wait3A_483, %dma_wait3A_484, %dma_wait3A_485] : memref<2x128x128xf32, #tpu.memory_space<vmem>> -> memref<1x128x128xf32, #tpu.memory_space<vmem>>
      %dma_wait3A_487 = tpu.memref_squeeze %dma_wait3A_486 : memref<1x128x128xf32, #tpu.memory_space<vmem>> -> memref<128x128xf32, #tpu.memory_space<vmem>>
      %dma_wait3A_488 = arith.constant 0 : i32
      %dma_wait3A_489 = tpu.memref_slice %arg7[%select_n3A_74, %dma_wait3A_482, %dma_wait3A_488] : memref<2x8x128xi32, #tpu.memory_space<vmem>> -> memref<1x1x128xi32, #tpu.memory_space<vmem>>
      %dma_wait3A_490 = tpu.memref_squeeze %dma_wait3A_489 : memref<1x1x128xi32, #tpu.memory_space<vmem>> -> memref<128xi32, #tpu.memory_space<vmem>>
      %dma_wait3A_491 = arith.constant 0 : i32
      %dma_wait3A_492 = arith.constant 0 : i32
      %dma_wait3A_493 = tpu.memref_slice %arg2[%dma_wait3A_491, %dma_wait3A_492] : memref<10000x128xf32, #tpu.memory_space<hbm>> -> memref<10000x128xf32, #tpu.memory_space<hbm>>
      tpu.wait_indirect_dma semaphore(%arg13 : memref<!tpu.dma_semaphore, #tpu.memory_space<semaphore_mem>>) src(%dma_wait3A_493 : memref<10000x128xf32, #tpu.memory_space<hbm>>) dst(%dma_wait3A_487 : memref<128x128xf32, #tpu.memory_space<vmem>>)
      %dma_start3A_494 = arith.constant 0 : i32
      %dma_start3A_495 = arith.constant 4 : i32
      %dma_start3A_496 = arith.constant 0 : i32
      %dma_start3A_497 = arith.constant 0 : i32
      %dma_start3A_498 = tpu.memref_slice %arg9[%dma_start3A_494, %dma_start3A_496, %dma_start3A_497] : memref<2x128x128xf32, #tpu.memory_space<vmem>> -> memref<1x128x128xf32, #tpu.memory_space<vmem>>
      %dma_start3A_499 = tpu.memref_squeeze %dma_start3A_498 : memref<1x128x128xf32, #tpu.memory_space<vmem>> -> memref<128x128xf32, #tpu.memory_space<vmem>>
      %dma_start3A_500 = arith.constant 0 : i32
      %dma_start3A_501 = tpu.memref_slice %arg8[%select_n3A_74, %dma_start3A_495, %dma_start3A_500] : memref<2x8x128xi32, #tpu.memory_space<vmem>> -> memref<1x1x128xi32, #tpu.memory_space<vmem>>
      %dma_start3A_502 = tpu.memref_squeeze %dma_start3A_501 : memref<1x1x128xi32, #tpu.memory_space<vmem>> -> memref<128xi32, #tpu.memory_space<vmem>>
      %dma_start3A_503 = arith.constant 0 : i32
      %dma_start3A_504 = arith.constant 0 : i32
      %dma_start3A_505 = tpu.memref_slice %arg11[%dma_start3A_503, %dma_start3A_504] : memref<10240x128xf32, #tpu.memory_space<vmem_shared>> -> memref<10240x128xf32, #tpu.memory_space<vmem_shared>>
      tpu.enqueue_indirect_dma source(%dma_start3A_499 : memref<128x128xf32, #tpu.memory_space<vmem>>) target(%dma_start3A_505 : memref<10240x128xf32, #tpu.memory_space<vmem_shared>>) offsets(%dma_start3A_502 : memref<128xi32, #tpu.memory_space<vmem>>) semaphore(%arg16 : memref<!tpu.dma_semaphore, #tpu.memory_space<semaphore_mem>>) {add = true}
      %get3A_506 = arith.constant 4 : i32
      %get3A_507 = arith.index_cast %select_n3A_74 : i32 to index
      %get3A_508 = arith.index_cast %get3A_506 : i32 to index
      %get3A_509 = arith.constant 0 : index
      %get3A_510 = tpu.vector_load %arg8[%get3A_507, %get3A_508, %get3A_509] {strides = array<i32>} : memref<2x8x128xi32, #tpu.memory_space<vmem>>, vector<16xi32>,
      tpu.vector_store_idx %arg20[%broadcast_in_dim3A_53, %get3A_510], %broadcast_in_dim3A_51 {add = true} : memref<1x10240xf32, #tpu.memory_space<vmem>>[vector<16xi32>, vector<16xi32>], vector<16xf32>,
      %get3A_511 = arith.constant 4 : i32
      %get3A_512 = arith.index_cast %select_n3A_74 : i32 to index
      %get3A_513 = arith.index_cast %get3A_511 : i32 to index
      %get3A_514 = arith.constant 16 : index
      %get3A_515 = tpu.vector_load %arg8[%get3A_512, %get3A_513, %get3A_514] {strides = array<i32>} : memref<2x8x128xi32, #tpu.memory_space<vmem>>, vector<16xi32>,
      tpu.vector_store_idx %arg20[%broadcast_in_dim3A_53, %get3A_515], %broadcast_in_dim3A_51 {add = true} : memref<1x10240xf32, #tpu.memory_space<vmem>>[vector<16xi32>, vector<16xi32>], vector<16xf32>,
      %get3A_516 = arith.constant 4 : i32
      %get3A_517 = arith.index_cast %select_n3A_74 : i32 to index
      %get3A_518 = arith.index_cast %get3A_516 : i32 to index
      %get3A_519 = arith.constant 32 : index
      %get3A_520 = tpu.vector_load %arg8[%get3A_517, %get3A_518, %get3A_519] {strides = array<i32>} : memref<2x8x128xi32, #tpu.memory_space<vmem>>, vector<16xi32>,
      tpu.vector_store_idx %arg20[%broadcast_in_dim3A_53, %get3A_520], %broadcast_in_dim3A_51 {add = true} : memref<1x10240xf32, #tpu.memory_space<vmem>>[vector<16xi32>, vector<16xi32>], vector<16xf32>,
      %get3A_521 = arith.constant 4 : i32
      %get3A_522 = arith.index_cast %select_n3A_74 : i32 to index
      %get3A_523 = arith.index_cast %get3A_521 : i32 to index
      %get3A_524 = arith.constant 48 : index
      %get3A_525 = tpu.vector_load %arg8[%get3A_522, %get3A_523, %get3A_524] {strides = array<i32>} : memref<2x8x128xi32, #tpu.memory_space<vmem>>, vector<16xi32>,
      tpu.vector_store_idx %arg20[%broadcast_in_dim3A_53, %get3A_525], %broadcast_in_dim3A_51 {add = true} : memref<1x10240xf32, #tpu.memory_space<vmem>>[vector<16xi32>, vector<16xi32>], vector<16xf32>,
      %get3A_526 = arith.constant 4 : i32
      %get3A_527 = arith.index_cast %select_n3A_74 : i32 to index
      %get3A_528 = arith.index_cast %get3A_526 : i32 to index
      %get3A_529 = arith.constant 64 : index
      %get3A_530 = tpu.vector_load %arg8[%get3A_527, %get3A_528, %get3A_529] {strides = array<i32>} : memref<2x8x128xi32, #tpu.memory_space<vmem>>, vector<16xi32>,
      tpu.vector_store_idx %arg20[%broadcast_in_dim3A_53, %get3A_530], %broadcast_in_dim3A_51 {add = true} : memref<1x10240xf32, #tpu.memory_space<vmem>>[vector<16xi32>, vector<16xi32>], vector<16xf32>,
      %get3A_531 = arith.constant 4 : i32
      %get3A_532 = arith.index_cast %select_n3A_74 : i32 to index
      %get3A_533 = arith.index_cast %get3A_531 : i32 to index
      %get3A_534 = arith.constant 80 : index
      %get3A_535 = tpu.vector_load %arg8[%get3A_532, %get3A_533, %get3A_534] {strides = array<i32>} : memref<2x8x128xi32, #tpu.memory_space<vmem>>, vector<16xi32>,
      tpu.vector_store_idx %arg20[%broadcast_in_dim3A_53, %get3A_535], %broadcast_in_dim3A_51 {add = true} : memref<1x10240xf32, #tpu.memory_space<vmem>>[vector<16xi32>, vector<16xi32>], vector<16xf32>,
      %get3A_536 = arith.constant 4 : i32
      %get3A_537 = arith.index_cast %select_n3A_74 : i32 to index
      %get3A_538 = arith.index_cast %get3A_536 : i32 to index
      %get3A_539 = arith.constant 96 : index
      %get3A_540 = tpu.vector_load %arg8[%get3A_537, %get3A_538, %get3A_539] {strides = array<i32>} : memref<2x8x128xi32, #tpu.memory_space<vmem>>, vector<16xi32>,
      tpu.vector_store_idx %arg20[%broadcast_in_dim3A_53, %get3A_540], %broadcast_in_dim3A_51 {add = true} : memref<1x10240xf32, #tpu.memory_space<vmem>>[vector<16xi32>, vector<16xi32>], vector<16xf32>,
      %get3A_541 = arith.constant 4 : i32
      %get3A_542 = arith.index_cast %select_n3A_74 : i32 to index
      %get3A_543 = arith.index_cast %get3A_541 : i32 to index
      %get3A_544 = arith.constant 112 : index
      %get3A_545 = tpu.vector_load %arg8[%get3A_542, %get3A_543, %get3A_544] {strides = array<i32>} : memref<2x8x128xi32, #tpu.memory_space<vmem>>, vector<16xi32>,
      tpu.vector_store_idx %arg20[%broadcast_in_dim3A_53, %get3A_545], %broadcast_in_dim3A_51 {add = true} : memref<1x10240xf32, #tpu.memory_space<vmem>>[vector<16xi32>, vector<16xi32>], vector<16xf32>,
      %dma_wait3A_546 = arith.constant 0 : i32
      %dma_wait3A_547 = arith.constant 4 : i32
      %dma_wait3A_548 = arith.constant 0 : i32
      %dma_wait3A_549 = arith.constant 0 : i32
      %dma_wait3A_550 = tpu.memref_slice %arg9[%dma_wait3A_546, %dma_wait3A_548, %dma_wait3A_549] : memref<2x128x128xf32, #tpu.memory_space<vmem>> -> memref<1x128x128xf32, #tpu.memory_space<vmem>>
      %dma_wait3A_551 = tpu.memref_squeeze %dma_wait3A_550 : memref<1x128x128xf32, #tpu.memory_space<vmem>> -> memref<128x128xf32, #tpu.memory_space<vmem>>
      %dma_wait3A_552 = arith.constant 0 : i32
      %dma_wait3A_553 = tpu.memref_slice %arg8[%select_n3A_74, %dma_wait3A_547, %dma_wait3A_552] : memref<2x8x128xi32, #tpu.memory_space<vmem>> -> memref<1x1x128xi32, #tpu.memory_space<vmem>>
      %dma_wait3A_554 = tpu.memref_squeeze %dma_wait3A_553 : memref<1x1x128xi32, #tpu.memory_space<vmem>> -> memref<128xi32, #tpu.memory_space<vmem>>
      %dma_wait3A_555 = arith.constant 0 : i32
      %dma_wait3A_556 = arith.constant 0 : i32
      %dma_wait3A_557 = tpu.memref_slice %arg11[%dma_wait3A_555, %dma_wait3A_556] : memref<10240x128xf32, #tpu.memory_space<vmem_shared>> -> memref<10240x128xf32, #tpu.memory_space<vmem_shared>>
      tpu.wait_indirect_dma semaphore(%arg16 : memref<!tpu.dma_semaphore, #tpu.memory_space<semaphore_mem>>) src(%dma_wait3A_551 : memref<128x128xf32, #tpu.memory_space<vmem>>) dst(%dma_wait3A_557 : memref<10240x128xf32, #tpu.memory_space<vmem_shared>>)
      %dma_start3A_558 = arith.constant 6 : i32
      %dma_start3A_559 = arith.constant 0 : i32
      %dma_start3A_560 = arith.constant 0 : i32
      %dma_start3A_561 = arith.constant 0 : i32
      %dma_start3A_562 = tpu.memref_slice %arg9[%dma_start3A_559, %dma_start3A_560, %dma_start3A_561] : memref<2x128x128xf32, #tpu.memory_space<vmem>> -> memref<1x128x128xf32, #tpu.memory_space<vmem>>
      %dma_start3A_563 = tpu.memref_squeeze %dma_start3A_562 : memref<1x128x128xf32, #tpu.memory_space<vmem>> -> memref<128x128xf32, #tpu.memory_space<vmem>>
      %dma_start3A_564 = arith.constant 0 : i32
      %dma_start3A_565 = tpu.memref_slice %arg7[%select_n3A_74, %dma_start3A_558, %dma_start3A_564] : memref<2x8x128xi32, #tpu.memory_space<vmem>> -> memref<1x1x128xi32, #tpu.memory_space<vmem>>
      %dma_start3A_566 = tpu.memref_squeeze %dma_start3A_565 : memref<1x1x128xi32, #tpu.memory_space<vmem>> -> memref<128xi32, #tpu.memory_space<vmem>>
      %dma_start3A_567 = arith.constant 0 : i32
      %dma_start3A_568 = arith.constant 0 : i32
      %dma_start3A_569 = tpu.memref_slice %arg2[%dma_start3A_567, %dma_start3A_568] : memref<10000x128xf32, #tpu.memory_space<hbm>> -> memref<10000x128xf32, #tpu.memory_space<hbm>>
      tpu.enqueue_indirect_dma source(%dma_start3A_569 : memref<10000x128xf32, #tpu.memory_space<hbm>>) target(%dma_start3A_563 : memref<128x128xf32, #tpu.memory_space<vmem>>) offsets(%dma_start3A_566 : memref<128xi32, #tpu.memory_space<vmem>>) semaphore(%arg13 : memref<!tpu.dma_semaphore, #tpu.memory_space<semaphore_mem>>)
      %dma_wait3A_570 = arith.constant 5 : i32
      %dma_wait3A_571 = arith.constant 1 : i32
      %dma_wait3A_572 = arith.constant 0 : i32
      %dma_wait3A_573 = arith.constant 0 : i32
      %dma_wait3A_574 = tpu.memref_slice %arg9[%dma_wait3A_571, %dma_wait3A_572, %dma_wait3A_573] : memref<2x128x128xf32, #tpu.memory_space<vmem>> -> memref<1x128x128xf32, #tpu.memory_space<vmem>>
      %dma_wait3A_575 = tpu.memref_squeeze %dma_wait3A_574 : memref<1x128x128xf32, #tpu.memory_space<vmem>> -> memref<128x128xf32, #tpu.memory_space<vmem>>
      %dma_wait3A_576 = arith.constant 0 : i32
      %dma_wait3A_577 = tpu.memref_slice %arg7[%select_n3A_74, %dma_wait3A_570, %dma_wait3A_576] : memref<2x8x128xi32, #tpu.memory_space<vmem>> -> memref<1x1x128xi32, #tpu.memory_space<vmem>>
      %dma_wait3A_578 = tpu.memref_squeeze %dma_wait3A_577 : memref<1x1x128xi32, #tpu.memory_space<vmem>> -> memref<128xi32, #tpu.memory_space<vmem>>
      %dma_wait3A_579 = arith.constant 0 : i32
      %dma_wait3A_580 = arith.constant 0 : i32
      %dma_wait3A_581 = tpu.memref_slice %arg2[%dma_wait3A_579, %dma_wait3A_580] : memref<10000x128xf32, #tpu.memory_space<hbm>> -> memref<10000x128xf32, #tpu.memory_space<hbm>>
      tpu.wait_indirect_dma semaphore(%arg14 : memref<!tpu.dma_semaphore, #tpu.memory_space<semaphore_mem>>) src(%dma_wait3A_581 : memref<10000x128xf32, #tpu.memory_space<hbm>>) dst(%dma_wait3A_575 : memref<128x128xf32, #tpu.memory_space<vmem>>)
      %dma_start3A_582 = arith.constant 1 : i32
      %dma_start3A_583 = arith.constant 5 : i32
      %dma_start3A_584 = arith.constant 0 : i32
      %dma_start3A_585 = arith.constant 0 : i32
      %dma_start3A_586 = tpu.memref_slice %arg9[%dma_start3A_582, %dma_start3A_584, %dma_start3A_585] : memref<2x128x128xf32, #tpu.memory_space<vmem>> -> memref<1x128x128xf32, #tpu.memory_space<vmem>>
      %dma_start3A_587 = tpu.memref_squeeze %dma_start3A_586 : memref<1x128x128xf32, #tpu.memory_space<vmem>> -> memref<128x128xf32, #tpu.memory_space<vmem>>
      %dma_start3A_588 = arith.constant 0 : i32
      %dma_start3A_589 = tpu.memref_slice %arg8[%select_n3A_74, %dma_start3A_583, %dma_start3A_588] : memref<2x8x128xi32, #tpu.memory_space<vmem>> -> memref<1x1x128xi32, #tpu.memory_space<vmem>>
      %dma_start3A_590 = tpu.memref_squeeze %dma_start3A_589 : memref<1x1x128xi32, #tpu.memory_space<vmem>> -> memref<128xi32, #tpu.memory_space<vmem>>
      %dma_start3A_591 = arith.constant 0 : i32
      %dma_start3A_592 = arith.constant 0 : i32
      %dma_start3A_593 = tpu.memref_slice %arg11[%dma_start3A_591, %dma_start3A_592] : memref<10240x128xf32, #tpu.memory_space<vmem_shared>> -> memref<10240x128xf32, #tpu.memory_space<vmem_shared>>
      tpu.enqueue_indirect_dma source(%dma_start3A_587 : memref<128x128xf32, #tpu.memory_space<vmem>>) target(%dma_start3A_593 : memref<10240x128xf32, #tpu.memory_space<vmem_shared>>) offsets(%dma_start3A_590 : memref<128xi32, #tpu.memory_space<vmem>>) semaphore(%arg17 : memref<!tpu.dma_semaphore, #tpu.memory_space<semaphore_mem>>) {add = true}
      %get3A_594 = arith.constant 5 : i32
      %get3A_595 = arith.index_cast %select_n3A_74 : i32 to index
      %get3A_596 = arith.index_cast %get3A_594 : i32 to index
      %get3A_597 = arith.constant 0 : index
      %get3A_598 = tpu.vector_load %arg8[%get3A_595, %get3A_596, %get3A_597] {strides = array<i32>} : memref<2x8x128xi32, #tpu.memory_space<vmem>>, vector<16xi32>,
      tpu.vector_store_idx %arg20[%broadcast_in_dim3A_53, %get3A_598], %broadcast_in_dim3A_51 {add = true} : memref<1x10240xf32, #tpu.memory_space<vmem>>[vector<16xi32>, vector<16xi32>], vector<16xf32>,
      %get3A_599 = arith.constant 5 : i32
      %get3A_600 = arith.index_cast %select_n3A_74 : i32 to index
      %get3A_601 = arith.index_cast %get3A_599 : i32 to index
      %get3A_602 = arith.constant 16 : index
      %get3A_603 = tpu.vector_load %arg8[%get3A_600, %get3A_601, %get3A_602] {strides = array<i32>} : memref<2x8x128xi32, #tpu.memory_space<vmem>>, vector<16xi32>,
      tpu.vector_store_idx %arg20[%broadcast_in_dim3A_53, %get3A_603], %broadcast_in_dim3A_51 {add = true} : memref<1x10240xf32, #tpu.memory_space<vmem>>[vector<16xi32>, vector<16xi32>], vector<16xf32>,
      %get3A_604 = arith.constant 5 : i32
      %get3A_605 = arith.index_cast %select_n3A_74 : i32 to index
      %get3A_606 = arith.index_cast %get3A_604 : i32 to index
      %get3A_607 = arith.constant 32 : index
      %get3A_608 = tpu.vector_load %arg8[%get3A_605, %get3A_606, %get3A_607] {strides = array<i32>} : memref<2x8x128xi32, #tpu.memory_space<vmem>>, vector<16xi32>,
      tpu.vector_store_idx %arg20[%broadcast_in_dim3A_53, %get3A_608], %broadcast_in_dim3A_51 {add = true} : memref<1x10240xf32, #tpu.memory_space<vmem>>[vector<16xi32>, vector<16xi32>], vector<16xf32>,
      %get3A_609 = arith.constant 5 : i32
      %get3A_610 = arith.index_cast %select_n3A_74 : i32 to index
      %get3A_611 = arith.index_cast %get3A_609 : i32 to index
      %get3A_612 = arith.constant 48 : index
      %get3A_613 = tpu.vector_load %arg8[%get3A_610, %get3A_611, %get3A_612] {strides = array<i32>} : memref<2x8x128xi32, #tpu.memory_space<vmem>>, vector<16xi32>,
      tpu.vector_store_idx %arg20[%broadcast_in_dim3A_53, %get3A_613], %broadcast_in_dim3A_51 {add = true} : memref<1x10240xf32, #tpu.memory_space<vmem>>[vector<16xi32>, vector<16xi32>], vector<16xf32>,
      %get3A_614 = arith.constant 5 : i32
      %get3A_615 = arith.index_cast %select_n3A_74 : i32 to index
      %get3A_616 = arith.index_cast %get3A_614 : i32 to index
      %get3A_617 = arith.constant 64 : index
      %get3A_618 = tpu.vector_load %arg8[%get3A_615, %get3A_616, %get3A_617] {strides = array<i32>} : memref<2x8x128xi32, #tpu.memory_space<vmem>>, vector<16xi32>,
      tpu.vector_store_idx %arg20[%broadcast_in_dim3A_53, %get3A_618], %broadcast_in_dim3A_51 {add = true} : memref<1x10240xf32, #tpu.memory_space<vmem>>[vector<16xi32>, vector<16xi32>], vector<16xf32>,
      %get3A_619 = arith.constant 5 : i32
      %get3A_620 = arith.index_cast %select_n3A_74 : i32 to index
      %get3A_621 = arith.index_cast %get3A_619 : i32 to index
      %get3A_622 = arith.constant 80 : index
      %get3A_623 = tpu.vector_load %arg8[%get3A_620, %get3A_621, %get3A_622] {strides = array<i32>} : memref<2x8x128xi32, #tpu.memory_space<vmem>>, vector<16xi32>,
      tpu.vector_store_idx %arg20[%broadcast_in_dim3A_53, %get3A_623], %broadcast_in_dim3A_51 {add = true} : memref<1x10240xf32, #tpu.memory_space<vmem>>[vector<16xi32>, vector<16xi32>], vector<16xf32>,
      %get3A_624 = arith.constant 5 : i32
      %get3A_625 = arith.index_cast %select_n3A_74 : i32 to index
      %get3A_626 = arith.index_cast %get3A_624 : i32 to index
      %get3A_627 = arith.constant 96 : index
      %get3A_628 = tpu.vector_load %arg8[%get3A_625, %get3A_626, %get3A_627] {strides = array<i32>} : memref<2x8x128xi32, #tpu.memory_space<vmem>>, vector<16xi32>,
      tpu.vector_store_idx %arg20[%broadcast_in_dim3A_53, %get3A_628], %broadcast_in_dim3A_51 {add = true} : memref<1x10240xf32, #tpu.memory_space<vmem>>[vector<16xi32>, vector<16xi32>], vector<16xf32>,
      %get3A_629 = arith.constant 5 : i32
      %get3A_630 = arith.index_cast %select_n3A_74 : i32 to index
      %get3A_631 = arith.index_cast %get3A_629 : i32 to index
      %get3A_632 = arith.constant 112 : index
      %get3A_633 = tpu.vector_load %arg8[%get3A_630, %get3A_631, %get3A_632] {strides = array<i32>} : memref<2x8x128xi32, #tpu.memory_space<vmem>>, vector<16xi32>,
      tpu.vector_store_idx %arg20[%broadcast_in_dim3A_53, %get3A_633], %broadcast_in_dim3A_51 {add = true} : memref<1x10240xf32, #tpu.memory_space<vmem>>[vector<16xi32>, vector<16xi32>], vector<16xf32>,
      %dma_wait3A_634 = arith.constant 1 : i32
      %dma_wait3A_635 = arith.constant 5 : i32
      %dma_wait3A_636 = arith.constant 0 : i32
      %dma_wait3A_637 = arith.constant 0 : i32
      %dma_wait3A_638 = tpu.memref_slice %arg9[%dma_wait3A_634, %dma_wait3A_636, %dma_wait3A_637] : memref<2x128x128xf32, #tpu.memory_space<vmem>> -> memref<1x128x128xf32, #tpu.memory_space<vmem>>
      %dma_wait3A_639 = tpu.memref_squeeze %dma_wait3A_638 : memref<1x128x128xf32, #tpu.memory_space<vmem>> -> memref<128x128xf32, #tpu.memory_space<vmem>>
      %dma_wait3A_640 = arith.constant 0 : i32
      %dma_wait3A_641 = tpu.memref_slice %arg8[%select_n3A_74, %dma_wait3A_635, %dma_wait3A_640] : memref<2x8x128xi32, #tpu.memory_space<vmem>> -> memref<1x1x128xi32, #tpu.memory_space<vmem>>
      %dma_wait3A_642 = tpu.memref_squeeze %dma_wait3A_641 : memref<1x1x128xi32, #tpu.memory_space<vmem>> -> memref<128xi32, #tpu.memory_space<vmem>>
      %dma_wait3A_643 = arith.constant 0 : i32
      %dma_wait3A_644 = arith.constant 0 : i32
      %dma_wait3A_645 = tpu.memref_slice %arg11[%dma_wait3A_643, %dma_wait3A_644] : memref<10240x128xf32, #tpu.memory_space<vmem_shared>> -> memref<10240x128xf32, #tpu.memory_space<vmem_shared>>
      tpu.wait_indirect_dma semaphore(%arg17 : memref<!tpu.dma_semaphore, #tpu.memory_space<semaphore_mem>>) src(%dma_wait3A_639 : memref<128x128xf32, #tpu.memory_space<vmem>>) dst(%dma_wait3A_645 : memref<10240x128xf32, #tpu.memory_space<vmem_shared>>)
      %dma_start3A_646 = arith.constant 7 : i32
      %dma_start3A_647 = arith.constant 1 : i32
      %dma_start3A_648 = arith.constant 0 : i32
      %dma_start3A_649 = arith.constant 0 : i32
      %dma_start3A_650 = tpu.memref_slice %arg9[%dma_start3A_647, %dma_start3A_648, %dma_start3A_649] : memref<2x128x128xf32, #tpu.memory_space<vmem>> -> memref<1x128x128xf32, #tpu.memory_space<vmem>>
      %dma_start3A_651 = tpu.memref_squeeze %dma_start3A_650 : memref<1x128x128xf32, #tpu.memory_space<vmem>> -> memref<128x128xf32, #tpu.memory_space<vmem>>
      %dma_start3A_652 = arith.constant 0 : i32
      %dma_start3A_653 = tpu.memref_slice %arg7[%select_n3A_74, %dma_start3A_646, %dma_start3A_652] : memref<2x8x128xi32, #tpu.memory_space<vmem>> -> memref<1x1x128xi32, #tpu.memory_space<vmem>>
      %dma_start3A_654 = tpu.memref_squeeze %dma_start3A_653 : memref<1x1x128xi32, #tpu.memory_space<vmem>> -> memref<128xi32, #tpu.memory_space<vmem>>
      %dma_start3A_655 = arith.constant 0 : i32
      %dma_start3A_656 = arith.constant 0 : i32
      %dma_start3A_657 = tpu.memref_slice %arg2[%dma_start3A_655, %dma_start3A_656] : memref<10000x128xf32, #tpu.memory_space<hbm>> -> memref<10000x128xf32, #tpu.memory_space<hbm>>
      tpu.enqueue_indirect_dma source(%dma_start3A_657 : memref<10000x128xf32, #tpu.memory_space<hbm>>) target(%dma_start3A_651 : memref<128x128xf32, #tpu.memory_space<vmem>>) offsets(%dma_start3A_654 : memref<128xi32, #tpu.memory_space<vmem>>) semaphore(%arg14 : memref<!tpu.dma_semaphore, #tpu.memory_space<semaphore_mem>>)
      %dma_wait3A_658 = arith.constant 6 : i32
      %dma_wait3A_659 = arith.constant 0 : i32
      %dma_wait3A_660 = arith.constant 0 : i32
      %dma_wait3A_661 = arith.constant 0 : i32
      %dma_wait3A_662 = tpu.memref_slice %arg9[%dma_wait3A_659, %dma_wait3A_660, %dma_wait3A_661] : memref<2x128x128xf32, #tpu.memory_space<vmem>> -> memref<1x128x128xf32, #tpu.memory_space<vmem>>
      %dma_wait3A_663 = tpu.memref_squeeze %dma_wait3A_662 : memref<1x128x128xf32, #tpu.memory_space<vmem>> -> memref<128x128xf32, #tpu.memory_space<vmem>>
      %dma_wait3A_664 = arith.constant 0 : i32
      %dma_wait3A_665 = tpu.memref_slice %arg7[%select_n3A_74, %dma_wait3A_658, %dma_wait3A_664] : memref<2x8x128xi32, #tpu.memory_space<vmem>> -> memref<1x1x128xi32, #tpu.memory_space<vmem>>
      %dma_wait3A_666 = tpu.memref_squeeze %dma_wait3A_665 : memref<1x1x128xi32, #tpu.memory_space<vmem>> -> memref<128xi32, #tpu.memory_space<vmem>>
      %dma_wait3A_667 = arith.constant 0 : i32
      %dma_wait3A_668 = arith.constant 0 : i32
      %dma_wait3A_669 = tpu.memref_slice %arg2[%dma_wait3A_667, %dma_wait3A_668] : memref<10000x128xf32, #tpu.memory_space<hbm>> -> memref<10000x128xf32, #tpu.memory_space<hbm>>
      tpu.wait_indirect_dma semaphore(%arg13 : memref<!tpu.dma_semaphore, #tpu.memory_space<semaphore_mem>>) src(%dma_wait3A_669 : memref<10000x128xf32, #tpu.memory_space<hbm>>) dst(%dma_wait3A_663 : memref<128x128xf32, #tpu.memory_space<vmem>>)
      %dma_start3A_670 = arith.constant 0 : i32
      %dma_start3A_671 = arith.constant 6 : i32
      %dma_start3A_672 = arith.constant 0 : i32
      %dma_start3A_673 = arith.constant 0 : i32
      %dma_start3A_674 = tpu.memref_slice %arg9[%dma_start3A_670, %dma_start3A_672, %dma_start3A_673] : memref<2x128x128xf32, #tpu.memory_space<vmem>> -> memref<1x128x128xf32, #tpu.memory_space<vmem>>
      %dma_start3A_675 = tpu.memref_squeeze %dma_start3A_674 : memref<1x128x128xf32, #tpu.memory_space<vmem>> -> memref<128x128xf32, #tpu.memory_space<vmem>>
      %dma_start3A_676 = arith.constant 0 : i32
      %dma_start3A_677 = tpu.memref_slice %arg8[%select_n3A_74, %dma_start3A_671, %dma_start3A_676] : memref<2x8x128xi32, #tpu.memory_space<vmem>> -> memref<1x1x128xi32, #tpu.memory_space<vmem>>
      %dma_start3A_678 = tpu.memref_squeeze %dma_start3A_677 : memref<1x1x128xi32, #tpu.memory_space<vmem>> -> memref<128xi32, #tpu.memory_space<vmem>>
      %dma_start3A_679 = arith.constant 0 : i32
      %dma_start3A_680 = arith.constant 0 : i32
      %dma_start3A_681 = tpu.memref_slice %arg11[%dma_start3A_679, %dma_start3A_680] : memref<10240x128xf32, #tpu.memory_space<vmem_shared>> -> memref<10240x128xf32, #tpu.memory_space<vmem_shared>>
      tpu.enqueue_indirect_dma source(%dma_start3A_675 : memref<128x128xf32, #tpu.memory_space<vmem>>) target(%dma_start3A_681 : memref<10240x128xf32, #tpu.memory_space<vmem_shared>>) offsets(%dma_start3A_678 : memref<128xi32, #tpu.memory_space<vmem>>) semaphore(%arg16 : memref<!tpu.dma_semaphore, #tpu.memory_space<semaphore_mem>>) {add = true}
      %get3A_682 = arith.constant 6 : i32
      %get3A_683 = arith.index_cast %select_n3A_74 : i32 to index
      %get3A_684 = arith.index_cast %get3A_682 : i32 to index
      %get3A_685 = arith.constant 0 : index
      %get3A_686 = tpu.vector_load %arg8[%get3A_683, %get3A_684, %get3A_685] {strides = array<i32>} : memref<2x8x128xi32, #tpu.memory_space<vmem>>, vector<16xi32>,
      tpu.vector_store_idx %arg20[%broadcast_in_dim3A_53, %get3A_686], %broadcast_in_dim3A_51 {add = true} : memref<1x10240xf32, #tpu.memory_space<vmem>>[vector<16xi32>, vector<16xi32>], vector<16xf32>,
      %get3A_687 = arith.constant 6 : i32
      %get3A_688 = arith.index_cast %select_n3A_74 : i32 to index
      %get3A_689 = arith.index_cast %get3A_687 : i32 to index
      %get3A_690 = arith.constant 16 : index
      %get3A_691 = tpu.vector_load %arg8[%get3A_688, %get3A_689, %get3A_690] {strides = array<i32>} : memref<2x8x128xi32, #tpu.memory_space<vmem>>, vector<16xi32>,
      tpu.vector_store_idx %arg20[%broadcast_in_dim3A_53, %get3A_691], %broadcast_in_dim3A_51 {add = true} : memref<1x10240xf32, #tpu.memory_space<vmem>>[vector<16xi32>, vector<16xi32>], vector<16xf32>,
      %get3A_692 = arith.constant 6 : i32
      %get3A_693 = arith.index_cast %select_n3A_74 : i32 to index
      %get3A_694 = arith.index_cast %get3A_692 : i32 to index
      %get3A_695 = arith.constant 32 : index
      %get3A_696 = tpu.vector_load %arg8[%get3A_693, %get3A_694, %get3A_695] {strides = array<i32>} : memref<2x8x128xi32, #tpu.memory_space<vmem>>, vector<16xi32>,
      tpu.vector_store_idx %arg20[%broadcast_in_dim3A_53, %get3A_696], %broadcast_in_dim3A_51 {add = true} : memref<1x10240xf32, #tpu.memory_space<vmem>>[vector<16xi32>, vector<16xi32>], vector<16xf32>,
      %get3A_697 = arith.constant 6 : i32
      %get3A_698 = arith.index_cast %select_n3A_74 : i32 to index
      %get3A_699 = arith.index_cast %get3A_697 : i32 to index
      %get3A_700 = arith.constant 48 : index
      %get3A_701 = tpu.vector_load %arg8[%get3A_698, %get3A_699, %get3A_700] {strides = array<i32>} : memref<2x8x128xi32, #tpu.memory_space<vmem>>, vector<16xi32>,
      tpu.vector_store_idx %arg20[%broadcast_in_dim3A_53, %get3A_701], %broadcast_in_dim3A_51 {add = true} : memref<1x10240xf32, #tpu.memory_space<vmem>>[vector<16xi32>, vector<16xi32>], vector<16xf32>,
      %get3A_702 = arith.constant 6 : i32
      %get3A_703 = arith.index_cast %select_n3A_74 : i32 to index
      %get3A_704 = arith.index_cast %get3A_702 : i32 to index
      %get3A_705 = arith.constant 64 : index
      %get3A_706 = tpu.vector_load %arg8[%get3A_703, %get3A_704, %get3A_705] {strides = array<i32>} : memref<2x8x128xi32, #tpu.memory_space<vmem>>, vector<16xi32>,
      tpu.vector_store_idx %arg20[%broadcast_in_dim3A_53, %get3A_706], %broadcast_in_dim3A_51 {add = true} : memref<1x10240xf32, #tpu.memory_space<vmem>>[vector<16xi32>, vector<16xi32>], vector<16xf32>,
      %get3A_707 = arith.constant 6 : i32
      %get3A_708 = arith.index_cast %select_n3A_74 : i32 to index
      %get3A_709 = arith.index_cast %get3A_707 : i32 to index
      %get3A_710 = arith.constant 80 : index
      %get3A_711 = tpu.vector_load %arg8[%get3A_708, %get3A_709, %get3A_710] {strides = array<i32>} : memref<2x8x128xi32, #tpu.memory_space<vmem>>, vector<16xi32>,
      tpu.vector_store_idx %arg20[%broadcast_in_dim3A_53, %get3A_711], %broadcast_in_dim3A_51 {add = true} : memref<1x10240xf32, #tpu.memory_space<vmem>>[vector<16xi32>, vector<16xi32>], vector<16xf32>,
      %get3A_712 = arith.constant 6 : i32
      %get3A_713 = arith.index_cast %select_n3A_74 : i32 to index
      %get3A_714 = arith.index_cast %get3A_712 : i32 to index
      %get3A_715 = arith.constant 96 : index
      %get3A_716 = tpu.vector_load %arg8[%get3A_713, %get3A_714, %get3A_715] {strides = array<i32>} : memref<2x8x128xi32, #tpu.memory_space<vmem>>, vector<16xi32>,
      tpu.vector_store_idx %arg20[%broadcast_in_dim3A_53, %get3A_716], %broadcast_in_dim3A_51 {add = true} : memref<1x10240xf32, #tpu.memory_space<vmem>>[vector<16xi32>, vector<16xi32>], vector<16xf32>,
      %get3A_717 = arith.constant 6 : i32
      %get3A_718 = arith.index_cast %select_n3A_74 : i32 to index
      %get3A_719 = arith.index_cast %get3A_717 : i32 to index
      %get3A_720 = arith.constant 112 : index
      %get3A_721 = tpu.vector_load %arg8[%get3A_718, %get3A_719, %get3A_720] {strides = array<i32>} : memref<2x8x128xi32, #tpu.memory_space<vmem>>, vector<16xi32>,
      tpu.vector_store_idx %arg20[%broadcast_in_dim3A_53, %get3A_721], %broadcast_in_dim3A_51 {add = true} : memref<1x10240xf32, #tpu.memory_space<vmem>>[vector<16xi32>, vector<16xi32>], vector<16xf32>,
      %dma_wait3A_722 = arith.constant 7 : i32
      %dma_wait3A_723 = arith.constant 1 : i32
      %dma_wait3A_724 = arith.constant 0 : i32
      %dma_wait3A_725 = arith.constant 0 : i32
      %dma_wait3A_726 = tpu.memref_slice %arg9[%dma_wait3A_723, %dma_wait3A_724, %dma_wait3A_725] : memref<2x128x128xf32, #tpu.memory_space<vmem>> -> memref<1x128x128xf32, #tpu.memory_space<vmem>>
      %dma_wait3A_727 = tpu.memref_squeeze %dma_wait3A_726 : memref<1x128x128xf32, #tpu.memory_space<vmem>> -> memref<128x128xf32, #tpu.memory_space<vmem>>
      %dma_wait3A_728 = arith.constant 0 : i32
      %dma_wait3A_729 = tpu.memref_slice %arg7[%select_n3A_74, %dma_wait3A_722, %dma_wait3A_728] : memref<2x8x128xi32, #tpu.memory_space<vmem>> -> memref<1x1x128xi32, #tpu.memory_space<vmem>>
      %dma_wait3A_730 = tpu.memref_squeeze %dma_wait3A_729 : memref<1x1x128xi32, #tpu.memory_space<vmem>> -> memref<128xi32, #tpu.memory_space<vmem>>
      %dma_wait3A_731 = arith.constant 0 : i32
      %dma_wait3A_732 = arith.constant 0 : i32
      %dma_wait3A_733 = tpu.memref_slice %arg2[%dma_wait3A_731, %dma_wait3A_732] : memref<10000x128xf32, #tpu.memory_space<hbm>> -> memref<10000x128xf32, #tpu.memory_space<hbm>>
      tpu.wait_indirect_dma semaphore(%arg14 : memref<!tpu.dma_semaphore, #tpu.memory_space<semaphore_mem>>) src(%dma_wait3A_733 : memref<10000x128xf32, #tpu.memory_space<hbm>>) dst(%dma_wait3A_727 : memref<128x128xf32, #tpu.memory_space<vmem>>)
      %dma_start3A_734 = arith.constant 1 : i32
      %dma_start3A_735 = arith.constant 7 : i32
      %dma_start3A_736 = arith.constant 0 : i32
      %dma_start3A_737 = arith.constant 0 : i32
      %dma_start3A_738 = tpu.memref_slice %arg9[%dma_start3A_734, %dma_start3A_736, %dma_start3A_737] : memref<2x128x128xf32, #tpu.memory_space<vmem>> -> memref<1x128x128xf32, #tpu.memory_space<vmem>>
      %dma_start3A_739 = tpu.memref_squeeze %dma_start3A_738 : memref<1x128x128xf32, #tpu.memory_space<vmem>> -> memref<128x128xf32, #tpu.memory_space<vmem>>
      %dma_start3A_740 = arith.constant 0 : i32
      %dma_start3A_741 = tpu.memref_slice %arg8[%select_n3A_74, %dma_start3A_735, %dma_start3A_740] : memref<2x8x128xi32, #tpu.memory_space<vmem>> -> memref<1x1x128xi32, #tpu.memory_space<vmem>>
      %dma_start3A_742 = tpu.memref_squeeze %dma_start3A_741 : memref<1x1x128xi32, #tpu.memory_space<vmem>> -> memref<128xi32, #tpu.memory_space<vmem>>
      %dma_start3A_743 = arith.constant 0 : i32
      %dma_start3A_744 = arith.constant 0 : i32
      %dma_start3A_745 = tpu.memref_slice %arg11[%dma_start3A_743, %dma_start3A_744] : memref<10240x128xf32, #tpu.memory_space<vmem_shared>> -> memref<10240x128xf32, #tpu.memory_space<vmem_shared>>
      tpu.enqueue_indirect_dma source(%dma_start3A_739 : memref<128x128xf32, #tpu.memory_space<vmem>>) target(%dma_start3A_745 : memref<10240x128xf32, #tpu.memory_space<vmem_shared>>) offsets(%dma_start3A_742 : memref<128xi32, #tpu.memory_space<vmem>>) semaphore(%arg17 : memref<!tpu.dma_semaphore, #tpu.memory_space<semaphore_mem>>) {add = true}
      %get3A_746 = arith.constant 7 : i32
      %get3A_747 = arith.index_cast %select_n3A_74 : i32 to index
      %get3A_748 = arith.index_cast %get3A_746 : i32 to index
      %get3A_749 = arith.constant 0 : index
      %get3A_750 = tpu.vector_load %arg8[%get3A_747, %get3A_748, %get3A_749] {strides = array<i32>} : memref<2x8x128xi32, #tpu.memory_space<vmem>>, vector<16xi32>,
      tpu.vector_store_idx %arg20[%broadcast_in_dim3A_53, %get3A_750], %broadcast_in_dim3A_51 {add = true} : memref<1x10240xf32, #tpu.memory_space<vmem>>[vector<16xi32>, vector<16xi32>], vector<16xf32>,
      %get3A_751 = arith.constant 7 : i32
      %get3A_752 = arith.index_cast %select_n3A_74 : i32 to index
      %get3A_753 = arith.index_cast %get3A_751 : i32 to index
      %get3A_754 = arith.constant 16 : index
      %get3A_755 = tpu.vector_load %arg8[%get3A_752, %get3A_753, %get3A_754] {strides = array<i32>} : memref<2x8x128xi32, #tpu.memory_space<vmem>>, vector<16xi32>,
      tpu.vector_store_idx %arg20[%broadcast_in_dim3A_53, %get3A_755], %broadcast_in_dim3A_51 {add = true} : memref<1x10240xf32, #tpu.memory_space<vmem>>[vector<16xi32>, vector<16xi32>], vector<16xf32>,
      %get3A_756 = arith.constant 7 : i32
      %get3A_757 = arith.index_cast %select_n3A_74 : i32 to index
      %get3A_758 = arith.index_cast %get3A_756 : i32 to index
      %get3A_759 = arith.constant 32 : index
      %get3A_760 = tpu.vector_load %arg8[%get3A_757, %get3A_758, %get3A_759] {strides = array<i32>} : memref<2x8x128xi32, #tpu.memory_space<vmem>>, vector<16xi32>,
      tpu.vector_store_idx %arg20[%broadcast_in_dim3A_53, %get3A_760], %broadcast_in_dim3A_51 {add = true} : memref<1x10240xf32, #tpu.memory_space<vmem>>[vector<16xi32>, vector<16xi32>], vector<16xf32>,
      %get3A_761 = arith.constant 7 : i32
      %get3A_762 = arith.index_cast %select_n3A_74 : i32 to index
      %get3A_763 = arith.index_cast %get3A_761 : i32 to index
      %get3A_764 = arith.constant 48 : index
      %get3A_765 = tpu.vector_load %arg8[%get3A_762, %get3A_763, %get3A_764] {strides = array<i32>} : memref<2x8x128xi32, #tpu.memory_space<vmem>>, vector<16xi32>,
      tpu.vector_store_idx %arg20[%broadcast_in_dim3A_53, %get3A_765], %broadcast_in_dim3A_51 {add = true} : memref<1x10240xf32, #tpu.memory_space<vmem>>[vector<16xi32>, vector<16xi32>], vector<16xf32>,
      %get3A_766 = arith.constant 7 : i32
      %get3A_767 = arith.index_cast %select_n3A_74 : i32 to index
      %get3A_768 = arith.index_cast %get3A_766 : i32 to index
      %get3A_769 = arith.constant 64 : index
      %get3A_770 = tpu.vector_load %arg8[%get3A_767, %get3A_768, %get3A_769] {strides = array<i32>} : memref<2x8x128xi32, #tpu.memory_space<vmem>>, vector<16xi32>,
      tpu.vector_store_idx %arg20[%broadcast_in_dim3A_53, %get3A_770], %broadcast_in_dim3A_51 {add = true} : memref<1x10240xf32, #tpu.memory_space<vmem>>[vector<16xi32>, vector<16xi32>], vector<16xf32>,
      %get3A_771 = arith.constant 7 : i32
      %get3A_772 = arith.index_cast %select_n3A_74 : i32 to index
      %get3A_773 = arith.index_cast %get3A_771 : i32 to index
      %get3A_774 = arith.constant 80 : index
      %get3A_775 = tpu.vector_load %arg8[%get3A_772, %get3A_773, %get3A_774] {strides = array<i32>} : memref<2x8x128xi32, #tpu.memory_space<vmem>>, vector<16xi32>,
      tpu.vector_store_idx %arg20[%broadcast_in_dim3A_53, %get3A_775], %broadcast_in_dim3A_51 {add = true} : memref<1x10240xf32, #tpu.memory_space<vmem>>[vector<16xi32>, vector<16xi32>], vector<16xf32>,
      %get3A_776 = arith.constant 7 : i32
      %get3A_777 = arith.index_cast %select_n3A_74 : i32 to index
      %get3A_778 = arith.index_cast %get3A_776 : i32 to index
      %get3A_779 = arith.constant 96 : index
      %get3A_780 = tpu.vector_load %arg8[%get3A_777, %get3A_778, %get3A_779] {strides = array<i32>} : memref<2x8x128xi32, #tpu.memory_space<vmem>>, vector<16xi32>,
      tpu.vector_store_idx %arg20[%broadcast_in_dim3A_53, %get3A_780], %broadcast_in_dim3A_51 {add = true} : memref<1x10240xf32, #tpu.memory_space<vmem>>[vector<16xi32>, vector<16xi32>], vector<16xf32>,
      %get3A_781 = arith.constant 7 : i32
      %get3A_782 = arith.index_cast %select_n3A_74 : i32 to index
      %get3A_783 = arith.index_cast %get3A_781 : i32 to index
      %get3A_784 = arith.constant 112 : index
      %get3A_785 = tpu.vector_load %arg8[%get3A_782, %get3A_783, %get3A_784] {strides = array<i32>} : memref<2x8x128xi32, #tpu.memory_space<vmem>>, vector<16xi32>,
      tpu.vector_store_idx %arg20[%broadcast_in_dim3A_53, %get3A_785], %broadcast_in_dim3A_51 {add = true} : memref<1x10240xf32, #tpu.memory_space<vmem>>[vector<16xi32>, vector<16xi32>], vector<16xf32>,
      %dma_wait3A_786 = arith.constant 0 : i32
      %dma_wait3A_787 = arith.constant 6 : i32
      %dma_wait3A_788 = arith.constant 0 : i32
      %dma_wait3A_789 = arith.constant 0 : i32
      %dma_wait3A_790 = tpu.memref_slice %arg9[%dma_wait3A_786, %dma_wait3A_788, %dma_wait3A_789] : memref<2x128x128xf32, #tpu.memory_space<vmem>> -> memref<1x128x128xf32, #tpu.memory_space<vmem>>
      %dma_wait3A_791 = tpu.memref_squeeze %dma_wait3A_790 : memref<1x128x128xf32, #tpu.memory_space<vmem>> -> memref<128x128xf32, #tpu.memory_space<vmem>>
      %dma_wait3A_792 = arith.constant 0 : i32
      %dma_wait3A_793 = tpu.memref_slice %arg8[%select_n3A_74, %dma_wait3A_787, %dma_wait3A_792] : memref<2x8x128xi32, #tpu.memory_space<vmem>> -> memref<1x1x128xi32, #tpu.memory_space<vmem>>
      %dma_wait3A_794 = tpu.memref_squeeze %dma_wait3A_793 : memref<1x1x128xi32, #tpu.memory_space<vmem>> -> memref<128xi32, #tpu.memory_space<vmem>>
      %dma_wait3A_795 = arith.constant 0 : i32
      %dma_wait3A_796 = arith.constant 0 : i32
      %dma_wait3A_797 = tpu.memref_slice %arg11[%dma_wait3A_795, %dma_wait3A_796] : memref<10240x128xf32, #tpu.memory_space<vmem_shared>> -> memref<10240x128xf32, #tpu.memory_space<vmem_shared>>
      tpu.wait_indirect_dma semaphore(%arg16 : memref<!tpu.dma_semaphore, #tpu.memory_space<semaphore_mem>>) src(%dma_wait3A_791 : memref<128x128xf32, #tpu.memory_space<vmem>>) dst(%dma_wait3A_797 : memref<10240x128xf32, #tpu.memory_space<vmem_shared>>)
      %dma_wait3A_798 = arith.constant 1 : i32
      %dma_wait3A_799 = arith.constant 7 : i32
      %dma_wait3A_800 = arith.constant 0 : i32
      %dma_wait3A_801 = arith.constant 0 : i32
      %dma_wait3A_802 = tpu.memref_slice %arg9[%dma_wait3A_798, %dma_wait3A_800, %dma_wait3A_801] : memref<2x128x128xf32, #tpu.memory_space<vmem>> -> memref<1x128x128xf32, #tpu.memory_space<vmem>>
      %dma_wait3A_803 = tpu.memref_squeeze %dma_wait3A_802 : memref<1x128x128xf32, #tpu.memory_space<vmem>> -> memref<128x128xf32, #tpu.memory_space<vmem>>
      %dma_wait3A_804 = arith.constant 0 : i32
      %dma_wait3A_805 = tpu.memref_slice %arg8[%select_n3A_74, %dma_wait3A_799, %dma_wait3A_804] : memref<2x8x128xi32, #tpu.memory_space<vmem>> -> memref<1x1x128xi32, #tpu.memory_space<vmem>>
      %dma_wait3A_806 = tpu.memref_squeeze %dma_wait3A_805 : memref<1x1x128xi32, #tpu.memory_space<vmem>> -> memref<128xi32, #tpu.memory_space<vmem>>
      %dma_wait3A_807 = arith.constant 0 : i32
      %dma_wait3A_808 = arith.constant 0 : i32
      %dma_wait3A_809 = tpu.memref_slice %arg11[%dma_wait3A_807, %dma_wait3A_808] : memref<10240x128xf32, #tpu.memory_space<vmem_shared>> -> memref<10240x128xf32, #tpu.memory_space<vmem_shared>>
      tpu.wait_indirect_dma semaphore(%arg17 : memref<!tpu.dma_semaphore, #tpu.memory_space<semaphore_mem>>) src(%dma_wait3A_803 : memref<128x128xf32, #tpu.memory_space<vmem>>) dst(%dma_wait3A_809 : memref<10240x128xf32, #tpu.memory_space<vmem_shared>>)
    }
    %scan3A_59 = arith.constant 10 : i32
    %barrier3A_60 = arith.constant 0 : index
    tpu.barrier barrier_id(%barrier3A_60)
    %mul3A_61 = arith.constant 640 : i32
    %mul3A_62 = arith.muli %arg1, %mul3A_61 : i32
    %mul3A_63 = arith.constant 640 : i32
    %mul3A_64 = arith.muli %arg1, %mul3A_63 : i32
    "tpu.region"() ({
      %run_scoped3A = tpu.sem_alloc : memref<!tpu.dma_semaphore, #tpu.memory_space<semaphore_mem>>
      %dma_start3A_65 = arith.constant 0 : i32
      %dma_start3A_66 = tpu.memref_slice %arg5[%arg0, %mul3A_64, %dma_start3A_65] : memref<2x10240x128xf32, #tpu.memory_space<hbm>> -> memref<1x640x128xf32, #tpu.memory_space<hbm>>
      %dma_start3A_67 = tpu.memref_squeeze %dma_start3A_66 : memref<1x640x128xf32, #tpu.memory_space<hbm>> -> memref<640x128xf32, #tpu.memory_space<hbm>>
      %dma_start3A_68 = arith.constant 0 : i32
      %dma_start3A_69 = tpu.memref_slice %arg11[%mul3A_62, %dma_start3A_68] : memref<10240x128xf32, #tpu.memory_space<vmem_shared>> -> memref<640x128xf32, #tpu.memory_space<vmem_shared>>
      tpu.enqueue_dma source(%dma_start3A_69 : memref<640x128xf32, #tpu.memory_space<vmem_shared>>) target(%dma_start3A_67 : memref<640x128xf32, #tpu.memory_space<hbm>>) target_semaphore(%run_scoped3A : memref<!tpu.dma_semaphore, #tpu.memory_space<semaphore_mem>>)
      %dma_wait3A = arith.constant 0 : i32
      %dma_wait3A_70 = tpu.memref_slice %arg5[%arg0, %mul3A_64, %dma_wait3A] : memref<2x10240x128xf32, #tpu.memory_space<hbm>> -> memref<1x640x128xf32, #tpu.memory_space<hbm>>
      %dma_wait3A_71 = tpu.memref_squeeze %dma_wait3A_70 : memref<1x640x128xf32, #tpu.memory_space<hbm>> -> memref<640x128xf32, #tpu.memory_space<hbm>>
      %dma_wait3A_72 = arith.constant 0 : i32
      %dma_wait3A_73 = tpu.memref_slice %arg11[%mul3A_62, %dma_wait3A_72] : memref<10240x128xf32, #tpu.memory_space<vmem_shared>> -> memref<640x128xf32, #tpu.memory_space<vmem_shared>>
      tpu.wait_dma2 semaphore(%run_scoped3A : memref<!tpu.dma_semaphore, #tpu.memory_space<semaphore_mem>>) src(%dma_wait3A_73 : memref<640x128xf32, #tpu.memory_space<vmem_shared>>) dst(%dma_wait3A_71 : memref<640x128xf32, #tpu.memory_space<hbm>>)
      tpu.yield
    }) : () -> ()
    "tpu.region"() ({
      %run_scoped3A = tpu.sem_alloc : memref<!tpu.dma_semaphore, #tpu.memory_space<semaphore_mem>>
      %dma_start3A_65 = arith.constant 0 : i32
      %dma_start3A_66 = arith.constant 0 : i32
      %dma_start3A_67 = tpu.memref_slice %arg6[%add3A, %dma_start3A_65, %dma_start3A_66] : memref<32x1x10240xf32, #tpu.memory_space<hbm>> -> memref<1x1x10240xf32, #tpu.memory_space<hbm>>
      %dma_start3A_68 = tpu.memref_squeeze %dma_start3A_67 : memref<1x1x10240xf32, #tpu.memory_space<hbm>> -> memref<1x10240xf32, #tpu.memory_space<hbm>>
      %dma_start3A_69 = arith.constant 0 : i32
      %dma_start3A_70 = arith.constant 0 : i32
      %dma_start3A_71 = tpu.memref_slice %arg6[%add3A, %dma_start3A_69, %dma_start3A_70] : memref<32x1x10240xf32, #tpu.memory_space<hbm>> -> memref<1x1x10240xf32, #tpu.memory_space<hbm>>
      %dma_start3A_72 = tpu.memref_squeeze %dma_start3A_71 : memref<1x1x10240xf32, #tpu.memory_space<hbm>> -> memref<1x10240xf32, #tpu.memory_space<hbm>>
      tpu.enqueue_dma source(%arg20 : memref<1x10240xf32, #tpu.memory_space<vmem>>) target(%dma_start3A_72 : memref<1x10240xf32, #tpu.memory_space<hbm>>) target_semaphore(%run_scoped3A : memref<!tpu.dma_semaphore, #tpu.memory_space<semaphore_mem>>)
      %dma_wait3A = arith.constant 0 : i32
      %dma_wait3A_73 = arith.constant 0 : i32
      %dma_wait3A_74 = tpu.memref_slice %arg6[%add3A, %dma_wait3A, %dma_wait3A_73] : memref<32x1x10240xf32, #tpu.memory_space<hbm>> -> memref<1x1x10240xf32, #tpu.memory_space<hbm>>
      %dma_wait3A_75 = tpu.memref_squeeze %dma_wait3A_74 : memref<1x1x10240xf32, #tpu.memory_space<hbm>> -> memref<1x10240xf32, #tpu.memory_space<hbm>>
      %dma_wait3A_76 = arith.constant 0 : i32
      %dma_wait3A_77 = arith.constant 0 : i32
      %dma_wait3A_78 = tpu.memref_slice %arg6[%add3A, %dma_wait3A_76, %dma_wait3A_77] : memref<32x1x10240xf32, #tpu.memory_space<hbm>> -> memref<1x1x10240xf32, #tpu.memory_space<hbm>>
      %dma_wait3A_79 = tpu.memref_squeeze %dma_wait3A_78 : memref<1x1x10240xf32, #tpu.memory_space<hbm>> -> memref<1x10240xf32, #tpu.memory_space<hbm>>
      tpu.wait_dma2 semaphore(%run_scoped3A : memref<!tpu.dma_semaphore, #tpu.memory_space<semaphore_mem>>) src(%arg20 : memref<1x10240xf32, #tpu.memory_space<vmem>>) dst(%dma_wait3A_79 : memref<1x10240xf32, #tpu.memory_space<hbm>>)
      tpu.yield
    }) : () -> ()
    return
  }
}

#map = affine_map<(d0, d1) -> (0, 0)>
#map1 = affine_map<(d0, d1) -> (0, 0, 0)>
module attributes {stable_mosaic.version = 14 : i64} {
  func.func @k(%arg0: i32, %arg1: i32, %arg2: memref<10000x128xf32, #tpu.memory_space<hbm>>, %arg3: memref<2560x128xi32, #tpu.memory_space<hbm>>, %arg4: memref<2560x128xi32, #tpu.memory_space<hbm>>, %arg5: memref<2x10240x128xf32, #tpu.memory_space<hbm>>, %arg6: memref<2x8x128xi32, #tpu.memory_space<vmem>>, %arg7: memref<2x8x128xi32, #tpu.memory_space<vmem>>, %arg8: memref<2x128x128xf32, #tpu.memory_space<vmem>>, %arg9: memref<8x128xf32, #tpu.memory_space<vmem>>, %arg10: memref<10240x128xf32, #tpu.memory_space<vmem_shared>>, %arg11: memref<!tpu.dma_semaphore, #tpu.memory_space<semaphore_mem>>, %arg12: memref<!tpu.dma_semaphore, #tpu.memory_space<semaphore_mem>>, %arg13: memref<!tpu.dma_semaphore, #tpu.memory_space<semaphore_mem>>, %arg14: memref<!tpu.dma_semaphore, #tpu.memory_space<semaphore_mem>>, %arg15: memref<!tpu.dma_semaphore, #tpu.memory_space<semaphore_mem>>, %arg16: memref<!tpu.dma_semaphore, #tpu.memory_space<semaphore_mem>>, %arg17: memref<!tpu.dma_semaphore, #tpu.memory_space<semaphore_mem>>, %arg18: memref<!tpu.dma_semaphore, #tpu.memory_space<semaphore_mem>>) attributes {dimension_semantics = [#tpu.dimension_semantics<core_parallel>, #tpu.dimension_semantics<subcore_parallel>], iteration_bounds = array<i64: 2, 16>, scalar_prefetch = 0 : i64, scratch_operands = 13 : i64, tpu.core_type = #tpu.core_type<sc_vector_subcore>, window_params = [{transform_indices = #map}, {transform_indices = #map}, {transform_indices = #map}, {transform_indices = #map1}]} {
    %mul3A = arith.constant 16 : i32
    %mul3A_0 = arith.muli %arg0, %mul3A : i32
    %add3A = arith.addi %mul3A_0, %arg1 : i32
    %mul3A_1 = arith.constant 80 : i32
    %mul3A_2 = arith.muli %add3A, %mul3A_1 : i32
    %multiple_of3A = tpu.assume_multiple %mul3A_2, 8 : i32
    %dma_start3A = arith.constant 0 : i32
    %dma_start3A_3 = arith.constant 0 : i32
    %dma_start3A_4 = arith.constant 0 : i32
    %dma_start3A_5 = tpu.memref_slice %arg6[%dma_start3A, %dma_start3A_3, %dma_start3A_4] : memref<2x8x128xi32, #tpu.memory_space<vmem>> -> memref<1x8x128xi32, #tpu.memory_space<vmem>>
    %dma_start3A_6 = tpu.memref_squeeze %dma_start3A_5 : memref<1x8x128xi32, #tpu.memory_space<vmem>> -> memref<8x128xi32, #tpu.memory_space<vmem>>
    %dma_start3A_7 = arith.constant 0 : i32
    %dma_start3A_8 = tpu.memref_slice %arg3[%multiple_of3A, %dma_start3A_7] : memref<2560x128xi32, #tpu.memory_space<hbm>> -> memref<8x128xi32, #tpu.memory_space<hbm>>
    %dma_start3A_9 = arith.constant 0 : i32
    %dma_start3A_10 = arith.constant 0 : i32
    %dma_start3A_11 = tpu.memref_slice %arg6[%dma_start3A, %dma_start3A_9, %dma_start3A_10] : memref<2x8x128xi32, #tpu.memory_space<vmem>> -> memref<1x8x128xi32, #tpu.memory_space<vmem>>
    %dma_start3A_12 = tpu.memref_squeeze %dma_start3A_11 : memref<1x8x128xi32, #tpu.memory_space<vmem>> -> memref<8x128xi32, #tpu.memory_space<vmem>>
    %dma_start3A_13 = arith.constant 0 : i32
    %dma_start3A_14 = tpu.memref_slice %arg3[%multiple_of3A, %dma_start3A_13] : memref<2560x128xi32, #tpu.memory_space<hbm>> -> memref<8x128xi32, #tpu.memory_space<hbm>>
    tpu.enqueue_dma source(%dma_start3A_14 : memref<8x128xi32, #tpu.memory_space<hbm>>) target(%dma_start3A_12 : memref<8x128xi32, #tpu.memory_space<vmem>>) target_semaphore(%arg11 : memref<!tpu.dma_semaphore, #tpu.memory_space<semaphore_mem>>)
    %dma_start3A_15 = arith.constant 0 : i32
    %dma_start3A_16 = arith.constant 0 : i32
    %dma_start3A_17 = arith.constant 0 : i32
    %dma_start3A_18 = tpu.memref_slice %arg7[%dma_start3A_15, %dma_start3A_16, %dma_start3A_17] : memref<2x8x128xi32, #tpu.memory_space<vmem>> -> memref<1x8x128xi32, #tpu.memory_space<vmem>>
    %dma_start3A_19 = tpu.memref_squeeze %dma_start3A_18 : memref<1x8x128xi32, #tpu.memory_space<vmem>> -> memref<8x128xi32, #tpu.memory_space<vmem>>
    %dma_start3A_20 = arith.constant 0 : i32
    %dma_start3A_21 = tpu.memref_slice %arg4[%multiple_of3A, %dma_start3A_20] : memref<2560x128xi32, #tpu.memory_space<hbm>> -> memref<8x128xi32, #tpu.memory_space<hbm>>
    %dma_start3A_22 = arith.constant 0 : i32
    %dma_start3A_23 = arith.constant 0 : i32
    %dma_start3A_24 = tpu.memref_slice %arg7[%dma_start3A_15, %dma_start3A_22, %dma_start3A_23] : memref<2x8x128xi32, #tpu.memory_space<vmem>> -> memref<1x8x128xi32, #tpu.memory_space<vmem>>
    %dma_start3A_25 = tpu.memref_squeeze %dma_start3A_24 : memref<1x8x128xi32, #tpu.memory_space<vmem>> -> memref<8x128xi32, #tpu.memory_space<vmem>>
    %dma_start3A_26 = arith.constant 0 : i32
    %dma_start3A_27 = tpu.memref_slice %arg4[%multiple_of3A, %dma_start3A_26] : memref<2560x128xi32, #tpu.memory_space<hbm>> -> memref<8x128xi32, #tpu.memory_space<hbm>>
    tpu.enqueue_dma source(%dma_start3A_27 : memref<8x128xi32, #tpu.memory_space<hbm>>) target(%dma_start3A_25 : memref<8x128xi32, #tpu.memory_space<vmem>>) target_semaphore(%arg11 : memref<!tpu.dma_semaphore, #tpu.memory_space<semaphore_mem>>)
    %scan3A = arith.constant 0 : i32
    %scan3A_28 = arith.constant 0 : i32
    %scan3A_29 = arith.constant 8 : i32
    %scan3A_30 = arith.addi %scan3A_28, %scan3A_29 : i32
    %scan3A_31 = arith.constant 1 : i32
    scf.for %scan3A_59 = %scan3A_28 to %scan3A_30 step %scan3A_31  : i32 {
      %broadcast_in_dim3A_60 = arith.constant 0.000000e+00 : f32
      %broadcast_in_dim3A_61 = vector.broadcast %broadcast_in_dim3A_60 : f32 to vector<16xf32>
      %swap3A = arith.index_cast %scan3A_59 : i32 to index
      %swap3A_62 = arith.constant 0 : index
      %swap3A_63 = tpu.vector_load %arg9[%swap3A, %swap3A_62] {strides = array<i32>} : memref<8x128xf32, #tpu.memory_space<vmem>>, vector<16xf32>,
      tpu.vector_store %arg9[%swap3A, %swap3A_62], %broadcast_in_dim3A_61 {strides = array<i32>} : memref<8x128xf32, #tpu.memory_space<vmem>>, vector<16xf32>,
      %broadcast_in_dim3A_64 = arith.constant 0.000000e+00 : f32
      %broadcast_in_dim3A_65 = vector.broadcast %broadcast_in_dim3A_64 : f32 to vector<16xf32>
      %swap3A_66 = arith.index_cast %scan3A_59 : i32 to index
      %swap3A_67 = arith.constant 16 : index
      %swap3A_68 = tpu.vector_load %arg9[%swap3A_66, %swap3A_67] {strides = array<i32>} : memref<8x128xf32, #tpu.memory_space<vmem>>, vector<16xf32>,
      tpu.vector_store %arg9[%swap3A_66, %swap3A_67], %broadcast_in_dim3A_65 {strides = array<i32>} : memref<8x128xf32, #tpu.memory_space<vmem>>, vector<16xf32>,
      %broadcast_in_dim3A_69 = arith.constant 0.000000e+00 : f32
      %broadcast_in_dim3A_70 = vector.broadcast %broadcast_in_dim3A_69 : f32 to vector<16xf32>
      %swap3A_71 = arith.index_cast %scan3A_59 : i32 to index
      %swap3A_72 = arith.constant 32 : index
      %swap3A_73 = tpu.vector_load %arg9[%swap3A_71, %swap3A_72] {strides = array<i32>} : memref<8x128xf32, #tpu.memory_space<vmem>>, vector<16xf32>,
      tpu.vector_store %arg9[%swap3A_71, %swap3A_72], %broadcast_in_dim3A_70 {strides = array<i32>} : memref<8x128xf32, #tpu.memory_space<vmem>>, vector<16xf32>,
      %broadcast_in_dim3A_74 = arith.constant 0.000000e+00 : f32
      %broadcast_in_dim3A_75 = vector.broadcast %broadcast_in_dim3A_74 : f32 to vector<16xf32>
      %swap3A_76 = arith.index_cast %scan3A_59 : i32 to index
      %swap3A_77 = arith.constant 48 : index
      %swap3A_78 = tpu.vector_load %arg9[%swap3A_76, %swap3A_77] {strides = array<i32>} : memref<8x128xf32, #tpu.memory_space<vmem>>, vector<16xf32>,
      tpu.vector_store %arg9[%swap3A_76, %swap3A_77], %broadcast_in_dim3A_75 {strides = array<i32>} : memref<8x128xf32, #tpu.memory_space<vmem>>, vector<16xf32>,
      %broadcast_in_dim3A_79 = arith.constant 0.000000e+00 : f32
      %broadcast_in_dim3A_80 = vector.broadcast %broadcast_in_dim3A_79 : f32 to vector<16xf32>
      %swap3A_81 = arith.index_cast %scan3A_59 : i32 to index
      %swap3A_82 = arith.constant 64 : index
      %swap3A_83 = tpu.vector_load %arg9[%swap3A_81, %swap3A_82] {strides = array<i32>} : memref<8x128xf32, #tpu.memory_space<vmem>>, vector<16xf32>,
      tpu.vector_store %arg9[%swap3A_81, %swap3A_82], %broadcast_in_dim3A_80 {strides = array<i32>} : memref<8x128xf32, #tpu.memory_space<vmem>>, vector<16xf32>,
      %broadcast_in_dim3A_84 = arith.constant 0.000000e+00 : f32
      %broadcast_in_dim3A_85 = vector.broadcast %broadcast_in_dim3A_84 : f32 to vector<16xf32>
      %swap3A_86 = arith.index_cast %scan3A_59 : i32 to index
      %swap3A_87 = arith.constant 80 : index
      %swap3A_88 = tpu.vector_load %arg9[%swap3A_86, %swap3A_87] {strides = array<i32>} : memref<8x128xf32, #tpu.memory_space<vmem>>, vector<16xf32>,
      tpu.vector_store %arg9[%swap3A_86, %swap3A_87], %broadcast_in_dim3A_85 {strides = array<i32>} : memref<8x128xf32, #tpu.memory_space<vmem>>, vector<16xf32>,
      %broadcast_in_dim3A_89 = arith.constant 0.000000e+00 : f32
      %broadcast_in_dim3A_90 = vector.broadcast %broadcast_in_dim3A_89 : f32 to vector<16xf32>
      %swap3A_91 = arith.index_cast %scan3A_59 : i32 to index
      %swap3A_92 = arith.constant 96 : index
      %swap3A_93 = tpu.vector_load %arg9[%swap3A_91, %swap3A_92] {strides = array<i32>} : memref<8x128xf32, #tpu.memory_space<vmem>>, vector<16xf32>,
      tpu.vector_store %arg9[%swap3A_91, %swap3A_92], %broadcast_in_dim3A_90 {strides = array<i32>} : memref<8x128xf32, #tpu.memory_space<vmem>>, vector<16xf32>,
      %broadcast_in_dim3A_94 = arith.constant 0.000000e+00 : f32
      %broadcast_in_dim3A_95 = vector.broadcast %broadcast_in_dim3A_94 : f32 to vector<16xf32>
      %swap3A_96 = arith.index_cast %scan3A_59 : i32 to index
      %swap3A_97 = arith.constant 112 : index
      %swap3A_98 = tpu.vector_load %arg9[%swap3A_96, %swap3A_97] {strides = array<i32>} : memref<8x128xf32, #tpu.memory_space<vmem>>, vector<16xf32>,
      tpu.vector_store %arg9[%swap3A_96, %swap3A_97], %broadcast_in_dim3A_95 {strides = array<i32>} : memref<8x128xf32, #tpu.memory_space<vmem>>, vector<16xf32>,
    }
    %scan3A_32 = arith.constant 8 : i32
    %scan3A_33 = arith.constant 0 : i32
    %scan3A_34 = arith.constant 0 : i32
    %scan3A_35 = arith.constant 80 : i32
    %scan3A_36 = arith.addi %scan3A_34, %scan3A_35 : i32
    %scan3A_37 = arith.constant 1 : i32
    scf.for %scan3A_59 = %scan3A_34 to %scan3A_36 step %scan3A_37  : i32 {
      %mul3A_60 = arith.constant 640 : i32
      %mul3A_61 = arith.muli %arg1, %mul3A_60 : i32
      %mul3A_62 = arith.constant 8 : i32
      %mul3A_63 = arith.muli %scan3A_59, %mul3A_62 : i32
      %add3A_64 = arith.addi %mul3A_61, %mul3A_63 : i32
      %dma_start3A_65 = arith.constant 0 : i32
      %dma_start3A_66 = tpu.memref_slice %arg10[%add3A_64, %dma_start3A_65] : memref<10240x128xf32, #tpu.memory_space<vmem_shared>> -> memref<8x128xf32, #tpu.memory_space<vmem_shared>>
      %dma_start3A_67 = arith.constant 0 : i32
      %dma_start3A_68 = tpu.memref_slice %arg10[%add3A_64, %dma_start3A_67] : memref<10240x128xf32, #tpu.memory_space<vmem_shared>> -> memref<8x128xf32, #tpu.memory_space<vmem_shared>>
      tpu.enqueue_dma source(%arg9 : memref<8x128xf32, #tpu.memory_space<vmem>>) target(%dma_start3A_68 : memref<8x128xf32, #tpu.memory_space<vmem_shared>>) target_semaphore(%arg18 : memref<!tpu.dma_semaphore, #tpu.memory_space<semaphore_mem>>)
    }
    %scan3A_38 = arith.constant 80 : i32
    %scan3A_39 = arith.constant 0 : i32
    %scan3A_40 = arith.constant 0 : i32
    %scan3A_41 = arith.constant 80 : i32
    %scan3A_42 = arith.addi %scan3A_40, %scan3A_41 : i32
    %scan3A_43 = arith.constant 1 : i32
    scf.for %scan3A_59 = %scan3A_40 to %scan3A_42 step %scan3A_43  : i32 {
      %mul3A_60 = arith.constant 640 : i32
      %mul3A_61 = arith.muli %arg1, %mul3A_60 : i32
      %mul3A_62 = arith.constant 8 : i32
      %mul3A_63 = arith.muli %scan3A_59, %mul3A_62 : i32
      %add3A_64 = arith.addi %mul3A_61, %mul3A_63 : i32
      %dma_wait3A = arith.constant 0 : i32
      %dma_wait3A_65 = tpu.memref_slice %arg10[%add3A_64, %dma_wait3A] : memref<10240x128xf32, #tpu.memory_space<vmem_shared>> -> memref<8x128xf32, #tpu.memory_space<vmem_shared>>
      %dma_wait3A_66 = arith.constant 0 : i32
      %dma_wait3A_67 = tpu.memref_slice %arg10[%add3A_64, %dma_wait3A_66] : memref<10240x128xf32, #tpu.memory_space<vmem_shared>> -> memref<8x128xf32, #tpu.memory_space<vmem_shared>>
      tpu.wait_dma2 semaphore(%arg18 : memref<!tpu.dma_semaphore, #tpu.memory_space<semaphore_mem>>) src(%arg9 : memref<8x128xf32, #tpu.memory_space<vmem>>) dst(%dma_wait3A_67 : memref<8x128xf32, #tpu.memory_space<vmem_shared>>)
    }
    %scan3A_44 = arith.constant 80 : i32
    %barrier3A = arith.constant 0 : index
    tpu.barrier barrier_id(%barrier3A)
    %broadcast_in_dim3A = arith.constant 1.000000e+00 : f32
    %broadcast_in_dim3A_45 = vector.broadcast %broadcast_in_dim3A : f32 to vector<16xf32>
    %broadcast_in_dim3A_46 = arith.constant 0 : i32
    %broadcast_in_dim3A_47 = vector.broadcast %broadcast_in_dim3A_46 : i32 to vector<16xi32>
    %scan3A_48 = arith.constant 0 : i32
    %scan3A_49 = arith.constant 0 : i32
    %scan3A_50 = arith.constant 10 : i32
    %scan3A_51 = arith.addi %scan3A_49, %scan3A_50 : i32
    %scan3A_52 = arith.constant 1 : i32
    scf.for %scan3A_59 = %scan3A_49 to %scan3A_51 step %scan3A_52  : i32 {
      %jit3A = arith.constant 2 : i32
      %eq3A = arith.constant 0 : i32
      %eq3A_60 = arith.cmpi eq, %jit3A, %eq3A : i32
      %jit3A_61 = arith.constant 1 : i32
      %select_n3A = arith.select %eq3A_60, %jit3A_61, %jit3A : i32
      %rem3A = arith.remsi %scan3A_59, %select_n3A : i32
      %ne3A = arith.constant 0 : i32
      %ne3A_62 = arith.cmpi ne, %rem3A, %ne3A : i32
      %lt3A = arith.constant 0 : i32
      %lt3A_63 = arith.cmpi slt, %rem3A, %lt3A : i32
      %lt3A_64 = arith.constant 0 : i32
      %lt3A_65 = arith.cmpi slt, %select_n3A, %lt3A_64 : i32
      %ne3A_66 = arith.xori %lt3A_63, %lt3A_65 : i1
      %and3A = arith.andi %ne3A_66, %ne3A_62 : i1
      %add3A_67 = arith.addi %rem3A, %select_n3A : i32
      %select_n3A_68 = arith.select %and3A, %add3A_67, %rem3A : i32
      %mul3A_69 = arith.constant 8 : i32
      %mul3A_70 = arith.muli %scan3A_59, %mul3A_69 : i32
      %add3A_71 = arith.addi %mul3A_2, %mul3A_70 : i32
      %multiple_of3A_72 = tpu.assume_multiple %add3A_71, 8 : i32
      %dma_wait3A = arith.constant 0 : i32
      %dma_wait3A_73 = arith.constant 0 : i32
      %dma_wait3A_74 = tpu.memref_slice %arg6[%select_n3A_68, %dma_wait3A, %dma_wait3A_73] : memref<2x8x128xi32, #tpu.memory_space<vmem>> -> memref<1x8x128xi32, #tpu.memory_space<vmem>>
      %dma_wait3A_75 = tpu.memref_squeeze %dma_wait3A_74 : memref<1x8x128xi32, #tpu.memory_space<vmem>> -> memref<8x128xi32, #tpu.memory_space<vmem>>
      %dma_wait3A_76 = arith.constant 0 : i32
      %dma_wait3A_77 = tpu.memref_slice %arg3[%multiple_of3A_72, %dma_wait3A_76] : memref<2560x128xi32, #tpu.memory_space<hbm>> -> memref<8x128xi32, #tpu.memory_space<hbm>>
      %dma_wait3A_78 = arith.constant 0 : i32
      %dma_wait3A_79 = arith.constant 0 : i32
      %dma_wait3A_80 = tpu.memref_slice %arg6[%select_n3A_68, %dma_wait3A_78, %dma_wait3A_79] : memref<2x8x128xi32, #tpu.memory_space<vmem>> -> memref<1x8x128xi32, #tpu.memory_space<vmem>>
      %dma_wait3A_81 = tpu.memref_squeeze %dma_wait3A_80 : memref<1x8x128xi32, #tpu.memory_space<vmem>> -> memref<8x128xi32, #tpu.memory_space<vmem>>
      %dma_wait3A_82 = arith.constant 0 : i32
      %dma_wait3A_83 = tpu.memref_slice %arg3[%multiple_of3A_72, %dma_wait3A_82] : memref<2560x128xi32, #tpu.memory_space<hbm>> -> memref<8x128xi32, #tpu.memory_space<hbm>>
      tpu.wait_dma2 semaphore(%arg11 : memref<!tpu.dma_semaphore, #tpu.memory_space<semaphore_mem>>) src(%dma_wait3A_83 : memref<8x128xi32, #tpu.memory_space<hbm>>) dst(%dma_wait3A_81 : memref<8x128xi32, #tpu.memory_space<vmem>>)
      %dma_wait3A_84 = arith.constant 0 : i32
      %dma_wait3A_85 = arith.constant 0 : i32
      %dma_wait3A_86 = tpu.memref_slice %arg7[%select_n3A_68, %dma_wait3A_84, %dma_wait3A_85] : memref<2x8x128xi32, #tpu.memory_space<vmem>> -> memref<1x8x128xi32, #tpu.memory_space<vmem>>
      %dma_wait3A_87 = tpu.memref_squeeze %dma_wait3A_86 : memref<1x8x128xi32, #tpu.memory_space<vmem>> -> memref<8x128xi32, #tpu.memory_space<vmem>>
      %dma_wait3A_88 = arith.constant 0 : i32
      %dma_wait3A_89 = tpu.memref_slice %arg4[%multiple_of3A_72, %dma_wait3A_88] : memref<2560x128xi32, #tpu.memory_space<hbm>> -> memref<8x128xi32, #tpu.memory_space<hbm>>
      %dma_wait3A_90 = arith.constant 0 : i32
      %dma_wait3A_91 = arith.constant 0 : i32
      %dma_wait3A_92 = tpu.memref_slice %arg7[%select_n3A_68, %dma_wait3A_90, %dma_wait3A_91] : memref<2x8x128xi32, #tpu.memory_space<vmem>> -> memref<1x8x128xi32, #tpu.memory_space<vmem>>
      %dma_wait3A_93 = tpu.memref_squeeze %dma_wait3A_92 : memref<1x8x128xi32, #tpu.memory_space<vmem>> -> memref<8x128xi32, #tpu.memory_space<vmem>>
      %dma_wait3A_94 = arith.constant 0 : i32
      %dma_wait3A_95 = tpu.memref_slice %arg4[%multiple_of3A_72, %dma_wait3A_94] : memref<2560x128xi32, #tpu.memory_space<hbm>> -> memref<8x128xi32, #tpu.memory_space<hbm>>
      tpu.wait_dma2 semaphore(%arg11 : memref<!tpu.dma_semaphore, #tpu.memory_space<semaphore_mem>>) src(%dma_wait3A_95 : memref<8x128xi32, #tpu.memory_space<hbm>>) dst(%dma_wait3A_93 : memref<8x128xi32, #tpu.memory_space<vmem>>)
      %add3A_96 = arith.constant 1 : i32
      %add3A_97 = arith.addi %scan3A_59, %add3A_96 : i32
      %lt3A_98 = arith.constant 10 : i32
      %lt3A_99 = arith.cmpi slt, %add3A_97, %lt3A_98 : i32
      %convert_element_type3A = arith.extui %lt3A_99 : i1 to i32
      %cond3A = arith.constant 0 : i32
      %cond3A_100 = arith.cmpi ne, %convert_element_type3A, %cond3A : i32
      scf.if %cond3A_100 {
        %add3A_485 = arith.constant 1 : i32
        %add3A_486 = arith.addi %scan3A_59, %add3A_485 : i32
        %mul3A_487 = arith.constant 8 : i32
        %mul3A_488 = arith.muli %add3A_486, %mul3A_487 : i32
        %add3A_489 = arith.addi %mul3A_2, %mul3A_488 : i32
        %multiple_of3A_490 = tpu.assume_multiple %add3A_489, 8 : i32
        %sub3A = arith.constant 1 : i32
        %sub3A_491 = arith.subi %sub3A, %select_n3A_68 : i32
        %dma_start3A_492 = arith.constant 0 : i32
        %dma_start3A_493 = arith.constant 0 : i32
        %dma_start3A_494 = tpu.memref_slice %arg6[%sub3A_491, %dma_start3A_492, %dma_start3A_493] : memref<2x8x128xi32, #tpu.memory_space<vmem>> -> memref<1x8x128xi32, #tpu.memory_space<vmem>>
        %dma_start3A_495 = tpu.memref_squeeze %dma_start3A_494 : memref<1x8x128xi32, #tpu.memory_space<vmem>> -> memref<8x128xi32, #tpu.memory_space<vmem>>
        %dma_start3A_496 = arith.constant 0 : i32
        %dma_start3A_497 = tpu.memref_slice %arg3[%multiple_of3A_490, %dma_start3A_496] : memref<2560x128xi32, #tpu.memory_space<hbm>> -> memref<8x128xi32, #tpu.memory_space<hbm>>
        %dma_start3A_498 = arith.constant 0 : i32
        %dma_start3A_499 = arith.constant 0 : i32
        %dma_start3A_500 = tpu.memref_slice %arg6[%sub3A_491, %dma_start3A_498, %dma_start3A_499] : memref<2x8x128xi32, #tpu.memory_space<vmem>> -> memref<1x8x128xi32, #tpu.memory_space<vmem>>
        %dma_start3A_501 = tpu.memref_squeeze %dma_start3A_500 : memref<1x8x128xi32, #tpu.memory_space<vmem>> -> memref<8x128xi32, #tpu.memory_space<vmem>>
        %dma_start3A_502 = arith.constant 0 : i32
        %dma_start3A_503 = tpu.memref_slice %arg3[%multiple_of3A_490, %dma_start3A_502] : memref<2560x128xi32, #tpu.memory_space<hbm>> -> memref<8x128xi32, #tpu.memory_space<hbm>>
        tpu.enqueue_dma source(%dma_start3A_503 : memref<8x128xi32, #tpu.memory_space<hbm>>) target(%dma_start3A_501 : memref<8x128xi32, #tpu.memory_space<vmem>>) target_semaphore(%arg11 : memref<!tpu.dma_semaphore, #tpu.memory_space<semaphore_mem>>)
        %sub3A_504 = arith.constant 1 : i32
        %sub3A_505 = arith.subi %sub3A_504, %select_n3A_68 : i32
        %dma_start3A_506 = arith.constant 0 : i32
        %dma_start3A_507 = arith.constant 0 : i32
        %dma_start3A_508 = tpu.memref_slice %arg7[%sub3A_505, %dma_start3A_506, %dma_start3A_507] : memref<2x8x128xi32, #tpu.memory_space<vmem>> -> memref<1x8x128xi32, #tpu.memory_space<vmem>>
        %dma_start3A_509 = tpu.memref_squeeze %dma_start3A_508 : memref<1x8x128xi32, #tpu.memory_space<vmem>> -> memref<8x128xi32, #tpu.memory_space<vmem>>
        %dma_start3A_510 = arith.constant 0 : i32
        %dma_start3A_511 = tpu.memref_slice %arg4[%multiple_of3A_490, %dma_start3A_510] : memref<2560x128xi32, #tpu.memory_space<hbm>> -> memref<8x128xi32, #tpu.memory_space<hbm>>
        %dma_start3A_512 = arith.constant 0 : i32
        %dma_start3A_513 = arith.constant 0 : i32
        %dma_start3A_514 = tpu.memref_slice %arg7[%sub3A_505, %dma_start3A_512, %dma_start3A_513] : memref<2x8x128xi32, #tpu.memory_space<vmem>> -> memref<1x8x128xi32, #tpu.memory_space<vmem>>
        %dma_start3A_515 = tpu.memref_squeeze %dma_start3A_514 : memref<1x8x128xi32, #tpu.memory_space<vmem>> -> memref<8x128xi32, #tpu.memory_space<vmem>>
        %dma_start3A_516 = arith.constant 0 : i32
        %dma_start3A_517 = tpu.memref_slice %arg4[%multiple_of3A_490, %dma_start3A_516] : memref<2560x128xi32, #tpu.memory_space<hbm>> -> memref<8x128xi32, #tpu.memory_space<hbm>>
        tpu.enqueue_dma source(%dma_start3A_517 : memref<8x128xi32, #tpu.memory_space<hbm>>) target(%dma_start3A_515 : memref<8x128xi32, #tpu.memory_space<vmem>>) target_semaphore(%arg11 : memref<!tpu.dma_semaphore, #tpu.memory_space<semaphore_mem>>)
      } else {
      }
      %dma_start3A_101 = arith.constant 0 : i32
      %dma_start3A_102 = arith.constant 0 : i32
      %dma_start3A_103 = arith.constant 0 : i32
      %dma_start3A_104 = arith.constant 0 : i32
      %dma_start3A_105 = tpu.memref_slice %arg8[%dma_start3A_102, %dma_start3A_103, %dma_start3A_104] : memref<2x128x128xf32, #tpu.memory_space<vmem>> -> memref<1x128x128xf32, #tpu.memory_space<vmem>>
      %dma_start3A_106 = tpu.memref_squeeze %dma_start3A_105 : memref<1x128x128xf32, #tpu.memory_space<vmem>> -> memref<128x128xf32, #tpu.memory_space<vmem>>
      %dma_start3A_107 = arith.constant 0 : i32
      %dma_start3A_108 = tpu.memref_slice %arg6[%select_n3A_68, %dma_start3A_101, %dma_start3A_107] : memref<2x8x128xi32, #tpu.memory_space<vmem>> -> memref<1x1x128xi32, #tpu.memory_space<vmem>>
      %dma_start3A_109 = tpu.memref_squeeze %dma_start3A_108 : memref<1x1x128xi32, #tpu.memory_space<vmem>> -> memref<128xi32, #tpu.memory_space<vmem>>
      %dma_start3A_110 = arith.constant 0 : i32
      %dma_start3A_111 = arith.constant 0 : i32
      %dma_start3A_112 = tpu.memref_slice %arg2[%dma_start3A_110, %dma_start3A_111] : memref<10000x128xf32, #tpu.memory_space<hbm>> -> memref<10000x128xf32, #tpu.memory_space<hbm>>
      tpu.enqueue_indirect_dma source(%dma_start3A_112 : memref<10000x128xf32, #tpu.memory_space<hbm>>) target(%dma_start3A_106 : memref<128x128xf32, #tpu.memory_space<vmem>>) offsets(%dma_start3A_109 : memref<128xi32, #tpu.memory_space<vmem>>) semaphore(%arg12 : memref<!tpu.dma_semaphore, #tpu.memory_space<semaphore_mem>>)
      %dma_start3A_113 = arith.constant 1 : i32
      %dma_start3A_114 = arith.constant 1 : i32
      %dma_start3A_115 = arith.constant 0 : i32
      %dma_start3A_116 = arith.constant 0 : i32
      %dma_start3A_117 = tpu.memref_slice %arg8[%dma_start3A_114, %dma_start3A_115, %dma_start3A_116] : memref<2x128x128xf32, #tpu.memory_space<vmem>> -> memref<1x128x128xf32, #tpu.memory_space<vmem>>
      %dma_start3A_118 = tpu.memref_squeeze %dma_start3A_117 : memref<1x128x128xf32, #tpu.memory_space<vmem>> -> memref<128x128xf32, #tpu.memory_space<vmem>>
      %dma_start3A_119 = arith.constant 0 : i32
      %dma_start3A_120 = tpu.memref_slice %arg6[%select_n3A_68, %dma_start3A_113, %dma_start3A_119] : memref<2x8x128xi32, #tpu.memory_space<vmem>> -> memref<1x1x128xi32, #tpu.memory_space<vmem>>
      %dma_start3A_121 = tpu.memref_squeeze %dma_start3A_120 : memref<1x1x128xi32, #tpu.memory_space<vmem>> -> memref<128xi32, #tpu.memory_space<vmem>>
      %dma_start3A_122 = arith.constant 0 : i32
      %dma_start3A_123 = arith.constant 0 : i32
      %dma_start3A_124 = tpu.memref_slice %arg2[%dma_start3A_122, %dma_start3A_123] : memref<10000x128xf32, #tpu.memory_space<hbm>> -> memref<10000x128xf32, #tpu.memory_space<hbm>>
      tpu.enqueue_indirect_dma source(%dma_start3A_124 : memref<10000x128xf32, #tpu.memory_space<hbm>>) target(%dma_start3A_118 : memref<128x128xf32, #tpu.memory_space<vmem>>) offsets(%dma_start3A_121 : memref<128xi32, #tpu.memory_space<vmem>>) semaphore(%arg13 : memref<!tpu.dma_semaphore, #tpu.memory_space<semaphore_mem>>)
      %dma_wait3A_125 = arith.constant 0 : i32
      %dma_wait3A_126 = arith.constant 0 : i32
      %dma_wait3A_127 = arith.constant 0 : i32
      %dma_wait3A_128 = arith.constant 0 : i32
      %dma_wait3A_129 = tpu.memref_slice %arg8[%dma_wait3A_126, %dma_wait3A_127, %dma_wait3A_128] : memref<2x128x128xf32, #tpu.memory_space<vmem>> -> memref<1x128x128xf32, #tpu.memory_space<vmem>>
      %dma_wait3A_130 = tpu.memref_squeeze %dma_wait3A_129 : memref<1x128x128xf32, #tpu.memory_space<vmem>> -> memref<128x128xf32, #tpu.memory_space<vmem>>
      %dma_wait3A_131 = arith.constant 0 : i32
      %dma_wait3A_132 = tpu.memref_slice %arg6[%select_n3A_68, %dma_wait3A_125, %dma_wait3A_131] : memref<2x8x128xi32, #tpu.memory_space<vmem>> -> memref<1x1x128xi32, #tpu.memory_space<vmem>>
      %dma_wait3A_133 = tpu.memref_squeeze %dma_wait3A_132 : memref<1x1x128xi32, #tpu.memory_space<vmem>> -> memref<128xi32, #tpu.memory_space<vmem>>
      %dma_wait3A_134 = arith.constant 0 : i32
      %dma_wait3A_135 = arith.constant 0 : i32
      %dma_wait3A_136 = tpu.memref_slice %arg2[%dma_wait3A_134, %dma_wait3A_135] : memref<10000x128xf32, #tpu.memory_space<hbm>> -> memref<10000x128xf32, #tpu.memory_space<hbm>>
      tpu.wait_indirect_dma semaphore(%arg12 : memref<!tpu.dma_semaphore, #tpu.memory_space<semaphore_mem>>) src(%dma_wait3A_136 : memref<10000x128xf32, #tpu.memory_space<hbm>>) dst(%dma_wait3A_130 : memref<128x128xf32, #tpu.memory_space<vmem>>)
      %dma_start3A_137 = arith.constant 0 : i32
      %dma_start3A_138 = arith.constant 0 : i32
      %dma_start3A_139 = arith.constant 0 : i32
      %dma_start3A_140 = arith.constant 0 : i32
      %dma_start3A_141 = tpu.memref_slice %arg8[%dma_start3A_137, %dma_start3A_139, %dma_start3A_140] : memref<2x128x128xf32, #tpu.memory_space<vmem>> -> memref<1x128x128xf32, #tpu.memory_space<vmem>>
      %dma_start3A_142 = tpu.memref_squeeze %dma_start3A_141 : memref<1x128x128xf32, #tpu.memory_space<vmem>> -> memref<128x128xf32, #tpu.memory_space<vmem>>
      %dma_start3A_143 = arith.constant 0 : i32
      %dma_start3A_144 = tpu.memref_slice %arg7[%select_n3A_68, %dma_start3A_138, %dma_start3A_143] : memref<2x8x128xi32, #tpu.memory_space<vmem>> -> memref<1x1x128xi32, #tpu.memory_space<vmem>>
      %dma_start3A_145 = tpu.memref_squeeze %dma_start3A_144 : memref<1x1x128xi32, #tpu.memory_space<vmem>> -> memref<128xi32, #tpu.memory_space<vmem>>
      %dma_start3A_146 = arith.constant 0 : i32
      %dma_start3A_147 = arith.constant 0 : i32
      %dma_start3A_148 = tpu.memref_slice %arg10[%dma_start3A_146, %dma_start3A_147] : memref<10240x128xf32, #tpu.memory_space<vmem_shared>> -> memref<10240x128xf32, #tpu.memory_space<vmem_shared>>
      tpu.enqueue_indirect_dma source(%dma_start3A_142 : memref<128x128xf32, #tpu.memory_space<vmem>>) target(%dma_start3A_148 : memref<10240x128xf32, #tpu.memory_space<vmem_shared>>) offsets(%dma_start3A_145 : memref<128xi32, #tpu.memory_space<vmem>>) semaphore(%arg15 : memref<!tpu.dma_semaphore, #tpu.memory_space<semaphore_mem>>) {add = true}
      %dma_wait3A_149 = arith.constant 0 : i32
      %dma_wait3A_150 = arith.constant 0 : i32
      %dma_wait3A_151 = arith.constant 0 : i32
      %dma_wait3A_152 = arith.constant 0 : i32
      %dma_wait3A_153 = tpu.memref_slice %arg8[%dma_wait3A_149, %dma_wait3A_151, %dma_wait3A_152] : memref<2x128x128xf32, #tpu.memory_space<vmem>> -> memref<1x128x128xf32, #tpu.memory_space<vmem>>
      %dma_wait3A_154 = tpu.memref_squeeze %dma_wait3A_153 : memref<1x128x128xf32, #tpu.memory_space<vmem>> -> memref<128x128xf32, #tpu.memory_space<vmem>>
      %dma_wait3A_155 = arith.constant 0 : i32
      %dma_wait3A_156 = tpu.memref_slice %arg7[%select_n3A_68, %dma_wait3A_150, %dma_wait3A_155] : memref<2x8x128xi32, #tpu.memory_space<vmem>> -> memref<1x1x128xi32, #tpu.memory_space<vmem>>
      %dma_wait3A_157 = tpu.memref_squeeze %dma_wait3A_156 : memref<1x1x128xi32, #tpu.memory_space<vmem>> -> memref<128xi32, #tpu.memory_space<vmem>>
      %dma_wait3A_158 = arith.constant 0 : i32
      %dma_wait3A_159 = arith.constant 0 : i32
      %dma_wait3A_160 = tpu.memref_slice %arg10[%dma_wait3A_158, %dma_wait3A_159] : memref<10240x128xf32, #tpu.memory_space<vmem_shared>> -> memref<10240x128xf32, #tpu.memory_space<vmem_shared>>
      tpu.wait_indirect_dma semaphore(%arg15 : memref<!tpu.dma_semaphore, #tpu.memory_space<semaphore_mem>>) src(%dma_wait3A_154 : memref<128x128xf32, #tpu.memory_space<vmem>>) dst(%dma_wait3A_160 : memref<10240x128xf32, #tpu.memory_space<vmem_shared>>)
      %dma_start3A_161 = arith.constant 2 : i32
      %dma_start3A_162 = arith.constant 0 : i32
      %dma_start3A_163 = arith.constant 0 : i32
      %dma_start3A_164 = arith.constant 0 : i32
      %dma_start3A_165 = tpu.memref_slice %arg8[%dma_start3A_162, %dma_start3A_163, %dma_start3A_164] : memref<2x128x128xf32, #tpu.memory_space<vmem>> -> memref<1x128x128xf32, #tpu.memory_space<vmem>>
      %dma_start3A_166 = tpu.memref_squeeze %dma_start3A_165 : memref<1x128x128xf32, #tpu.memory_space<vmem>> -> memref<128x128xf32, #tpu.memory_space<vmem>>
      %dma_start3A_167 = arith.constant 0 : i32
      %dma_start3A_168 = tpu.memref_slice %arg6[%select_n3A_68, %dma_start3A_161, %dma_start3A_167] : memref<2x8x128xi32, #tpu.memory_space<vmem>> -> memref<1x1x128xi32, #tpu.memory_space<vmem>>
      %dma_start3A_169 = tpu.memref_squeeze %dma_start3A_168 : memref<1x1x128xi32, #tpu.memory_space<vmem>> -> memref<128xi32, #tpu.memory_space<vmem>>
      %dma_start3A_170 = arith.constant 0 : i32
      %dma_start3A_171 = arith.constant 0 : i32
      %dma_start3A_172 = tpu.memref_slice %arg2[%dma_start3A_170, %dma_start3A_171] : memref<10000x128xf32, #tpu.memory_space<hbm>> -> memref<10000x128xf32, #tpu.memory_space<hbm>>
      tpu.enqueue_indirect_dma source(%dma_start3A_172 : memref<10000x128xf32, #tpu.memory_space<hbm>>) target(%dma_start3A_166 : memref<128x128xf32, #tpu.memory_space<vmem>>) offsets(%dma_start3A_169 : memref<128xi32, #tpu.memory_space<vmem>>) semaphore(%arg12 : memref<!tpu.dma_semaphore, #tpu.memory_space<semaphore_mem>>)
      %dma_wait3A_173 = arith.constant 1 : i32
      %dma_wait3A_174 = arith.constant 1 : i32
      %dma_wait3A_175 = arith.constant 0 : i32
      %dma_wait3A_176 = arith.constant 0 : i32
      %dma_wait3A_177 = tpu.memref_slice %arg8[%dma_wait3A_174, %dma_wait3A_175, %dma_wait3A_176] : memref<2x128x128xf32, #tpu.memory_space<vmem>> -> memref<1x128x128xf32, #tpu.memory_space<vmem>>
      %dma_wait3A_178 = tpu.memref_squeeze %dma_wait3A_177 : memref<1x128x128xf32, #tpu.memory_space<vmem>> -> memref<128x128xf32, #tpu.memory_space<vmem>>
      %dma_wait3A_179 = arith.constant 0 : i32
      %dma_wait3A_180 = tpu.memref_slice %arg6[%select_n3A_68, %dma_wait3A_173, %dma_wait3A_179] : memref<2x8x128xi32, #tpu.memory_space<vmem>> -> memref<1x1x128xi32, #tpu.memory_space<vmem>>
      %dma_wait3A_181 = tpu.memref_squeeze %dma_wait3A_180 : memref<1x1x128xi32, #tpu.memory_space<vmem>> -> memref<128xi32, #tpu.memory_space<vmem>>
      %dma_wait3A_182 = arith.constant 0 : i32
      %dma_wait3A_183 = arith.constant 0 : i32
      %dma_wait3A_184 = tpu.memref_slice %arg2[%dma_wait3A_182, %dma_wait3A_183] : memref<10000x128xf32, #tpu.memory_space<hbm>> -> memref<10000x128xf32, #tpu.memory_space<hbm>>
      tpu.wait_indirect_dma semaphore(%arg13 : memref<!tpu.dma_semaphore, #tpu.memory_space<semaphore_mem>>) src(%dma_wait3A_184 : memref<10000x128xf32, #tpu.memory_space<hbm>>) dst(%dma_wait3A_178 : memref<128x128xf32, #tpu.memory_space<vmem>>)
      %dma_start3A_185 = arith.constant 1 : i32
      %dma_start3A_186 = arith.constant 1 : i32
      %dma_start3A_187 = arith.constant 0 : i32
      %dma_start3A_188 = arith.constant 0 : i32
      %dma_start3A_189 = tpu.memref_slice %arg8[%dma_start3A_185, %dma_start3A_187, %dma_start3A_188] : memref<2x128x128xf32, #tpu.memory_space<vmem>> -> memref<1x128x128xf32, #tpu.memory_space<vmem>>
      %dma_start3A_190 = tpu.memref_squeeze %dma_start3A_189 : memref<1x128x128xf32, #tpu.memory_space<vmem>> -> memref<128x128xf32, #tpu.memory_space<vmem>>
      %dma_start3A_191 = arith.constant 0 : i32
      %dma_start3A_192 = tpu.memref_slice %arg7[%select_n3A_68, %dma_start3A_186, %dma_start3A_191] : memref<2x8x128xi32, #tpu.memory_space<vmem>> -> memref<1x1x128xi32, #tpu.memory_space<vmem>>
      %dma_start3A_193 = tpu.memref_squeeze %dma_start3A_192 : memref<1x1x128xi32, #tpu.memory_space<vmem>> -> memref<128xi32, #tpu.memory_space<vmem>>
      %dma_start3A_194 = arith.constant 0 : i32
      %dma_start3A_195 = arith.constant 0 : i32
      %dma_start3A_196 = tpu.memref_slice %arg10[%dma_start3A_194, %dma_start3A_195] : memref<10240x128xf32, #tpu.memory_space<vmem_shared>> -> memref<10240x128xf32, #tpu.memory_space<vmem_shared>>
      tpu.enqueue_indirect_dma source(%dma_start3A_190 : memref<128x128xf32, #tpu.memory_space<vmem>>) target(%dma_start3A_196 : memref<10240x128xf32, #tpu.memory_space<vmem_shared>>) offsets(%dma_start3A_193 : memref<128xi32, #tpu.memory_space<vmem>>) semaphore(%arg16 : memref<!tpu.dma_semaphore, #tpu.memory_space<semaphore_mem>>) {add = true}
      %dma_wait3A_197 = arith.constant 1 : i32
      %dma_wait3A_198 = arith.constant 1 : i32
      %dma_wait3A_199 = arith.constant 0 : i32
      %dma_wait3A_200 = arith.constant 0 : i32
      %dma_wait3A_201 = tpu.memref_slice %arg8[%dma_wait3A_197, %dma_wait3A_199, %dma_wait3A_200] : memref<2x128x128xf32, #tpu.memory_space<vmem>> -> memref<1x128x128xf32, #tpu.memory_space<vmem>>
      %dma_wait3A_202 = tpu.memref_squeeze %dma_wait3A_201 : memref<1x128x128xf32, #tpu.memory_space<vmem>> -> memref<128x128xf32, #tpu.memory_space<vmem>>
      %dma_wait3A_203 = arith.constant 0 : i32
      %dma_wait3A_204 = tpu.memref_slice %arg7[%select_n3A_68, %dma_wait3A_198, %dma_wait3A_203] : memref<2x8x128xi32, #tpu.memory_space<vmem>> -> memref<1x1x128xi32, #tpu.memory_space<vmem>>
      %dma_wait3A_205 = tpu.memref_squeeze %dma_wait3A_204 : memref<1x1x128xi32, #tpu.memory_space<vmem>> -> memref<128xi32, #tpu.memory_space<vmem>>
      %dma_wait3A_206 = arith.constant 0 : i32
      %dma_wait3A_207 = arith.constant 0 : i32
      %dma_wait3A_208 = tpu.memref_slice %arg10[%dma_wait3A_206, %dma_wait3A_207] : memref<10240x128xf32, #tpu.memory_space<vmem_shared>> -> memref<10240x128xf32, #tpu.memory_space<vmem_shared>>
      tpu.wait_indirect_dma semaphore(%arg16 : memref<!tpu.dma_semaphore, #tpu.memory_space<semaphore_mem>>) src(%dma_wait3A_202 : memref<128x128xf32, #tpu.memory_space<vmem>>) dst(%dma_wait3A_208 : memref<10240x128xf32, #tpu.memory_space<vmem_shared>>)
      %dma_start3A_209 = arith.constant 3 : i32
      %dma_start3A_210 = arith.constant 1 : i32
      %dma_start3A_211 = arith.constant 0 : i32
      %dma_start3A_212 = arith.constant 0 : i32
      %dma_start3A_213 = tpu.memref_slice %arg8[%dma_start3A_210, %dma_start3A_211, %dma_start3A_212] : memref<2x128x128xf32, #tpu.memory_space<vmem>> -> memref<1x128x128xf32, #tpu.memory_space<vmem>>
      %dma_start3A_214 = tpu.memref_squeeze %dma_start3A_213 : memref<1x128x128xf32, #tpu.memory_space<vmem>> -> memref<128x128xf32, #tpu.memory_space<vmem>>
      %dma_start3A_215 = arith.constant 0 : i32
      %dma_start3A_216 = tpu.memref_slice %arg6[%select_n3A_68, %dma_start3A_209, %dma_start3A_215] : memref<2x8x128xi32, #tpu.memory_space<vmem>> -> memref<1x1x128xi32, #tpu.memory_space<vmem>>
      %dma_start3A_217 = tpu.memref_squeeze %dma_start3A_216 : memref<1x1x128xi32, #tpu.memory_space<vmem>> -> memref<128xi32, #tpu.memory_space<vmem>>
      %dma_start3A_218 = arith.constant 0 : i32
      %dma_start3A_219 = arith.constant 0 : i32
      %dma_start3A_220 = tpu.memref_slice %arg2[%dma_start3A_218, %dma_start3A_219] : memref<10000x128xf32, #tpu.memory_space<hbm>> -> memref<10000x128xf32, #tpu.memory_space<hbm>>
      tpu.enqueue_indirect_dma source(%dma_start3A_220 : memref<10000x128xf32, #tpu.memory_space<hbm>>) target(%dma_start3A_214 : memref<128x128xf32, #tpu.memory_space<vmem>>) offsets(%dma_start3A_217 : memref<128xi32, #tpu.memory_space<vmem>>) semaphore(%arg13 : memref<!tpu.dma_semaphore, #tpu.memory_space<semaphore_mem>>)
      %dma_wait3A_221 = arith.constant 2 : i32
      %dma_wait3A_222 = arith.constant 0 : i32
      %dma_wait3A_223 = arith.constant 0 : i32
      %dma_wait3A_224 = arith.constant 0 : i32
      %dma_wait3A_225 = tpu.memref_slice %arg8[%dma_wait3A_222, %dma_wait3A_223, %dma_wait3A_224] : memref<2x128x128xf32, #tpu.memory_space<vmem>> -> memref<1x128x128xf32, #tpu.memory_space<vmem>>
      %dma_wait3A_226 = tpu.memref_squeeze %dma_wait3A_225 : memref<1x128x128xf32, #tpu.memory_space<vmem>> -> memref<128x128xf32, #tpu.memory_space<vmem>>
      %dma_wait3A_227 = arith.constant 0 : i32
      %dma_wait3A_228 = tpu.memref_slice %arg6[%select_n3A_68, %dma_wait3A_221, %dma_wait3A_227] : memref<2x8x128xi32, #tpu.memory_space<vmem>> -> memref<1x1x128xi32, #tpu.memory_space<vmem>>
      %dma_wait3A_229 = tpu.memref_squeeze %dma_wait3A_228 : memref<1x1x128xi32, #tpu.memory_space<vmem>> -> memref<128xi32, #tpu.memory_space<vmem>>
      %dma_wait3A_230 = arith.constant 0 : i32
      %dma_wait3A_231 = arith.constant 0 : i32
      %dma_wait3A_232 = tpu.memref_slice %arg2[%dma_wait3A_230, %dma_wait3A_231] : memref<10000x128xf32, #tpu.memory_space<hbm>> -> memref<10000x128xf32, #tpu.memory_space<hbm>>
      tpu.wait_indirect_dma semaphore(%arg12 : memref<!tpu.dma_semaphore, #tpu.memory_space<semaphore_mem>>) src(%dma_wait3A_232 : memref<10000x128xf32, #tpu.memory_space<hbm>>) dst(%dma_wait3A_226 : memref<128x128xf32, #tpu.memory_space<vmem>>)
      %dma_start3A_233 = arith.constant 0 : i32
      %dma_start3A_234 = arith.constant 2 : i32
      %dma_start3A_235 = arith.constant 0 : i32
      %dma_start3A_236 = arith.constant 0 : i32
      %dma_start3A_237 = tpu.memref_slice %arg8[%dma_start3A_233, %dma_start3A_235, %dma_start3A_236] : memref<2x128x128xf32, #tpu.memory_space<vmem>> -> memref<1x128x128xf32, #tpu.memory_space<vmem>>
      %dma_start3A_238 = tpu.memref_squeeze %dma_start3A_237 : memref<1x128x128xf32, #tpu.memory_space<vmem>> -> memref<128x128xf32, #tpu.memory_space<vmem>>
      %dma_start3A_239 = arith.constant 0 : i32
      %dma_start3A_240 = tpu.memref_slice %arg7[%select_n3A_68, %dma_start3A_234, %dma_start3A_239] : memref<2x8x128xi32, #tpu.memory_space<vmem>> -> memref<1x1x128xi32, #tpu.memory_space<vmem>>
      %dma_start3A_241 = tpu.memref_squeeze %dma_start3A_240 : memref<1x1x128xi32, #tpu.memory_space<vmem>> -> memref<128xi32, #tpu.memory_space<vmem>>
      %dma_start3A_242 = arith.constant 0 : i32
      %dma_start3A_243 = arith.constant 0 : i32
      %dma_start3A_244 = tpu.memref_slice %arg10[%dma_start3A_242, %dma_start3A_243] : memref<10240x128xf32, #tpu.memory_space<vmem_shared>> -> memref<10240x128xf32, #tpu.memory_space<vmem_shared>>
      tpu.enqueue_indirect_dma source(%dma_start3A_238 : memref<128x128xf32, #tpu.memory_space<vmem>>) target(%dma_start3A_244 : memref<10240x128xf32, #tpu.memory_space<vmem_shared>>) offsets(%dma_start3A_241 : memref<128xi32, #tpu.memory_space<vmem>>) semaphore(%arg15 : memref<!tpu.dma_semaphore, #tpu.memory_space<semaphore_mem>>) {add = true}
      %dma_wait3A_245 = arith.constant 0 : i32
      %dma_wait3A_246 = arith.constant 2 : i32
      %dma_wait3A_247 = arith.constant 0 : i32
      %dma_wait3A_248 = arith.constant 0 : i32
      %dma_wait3A_249 = tpu.memref_slice %arg8[%dma_wait3A_245, %dma_wait3A_247, %dma_wait3A_248] : memref<2x128x128xf32, #tpu.memory_space<vmem>> -> memref<1x128x128xf32, #tpu.memory_space<vmem>>
      %dma_wait3A_250 = tpu.memref_squeeze %dma_wait3A_249 : memref<1x128x128xf32, #tpu.memory_space<vmem>> -> memref<128x128xf32, #tpu.memory_space<vmem>>
      %dma_wait3A_251 = arith.constant 0 : i32
      %dma_wait3A_252 = tpu.memref_slice %arg7[%select_n3A_68, %dma_wait3A_246, %dma_wait3A_251] : memref<2x8x128xi32, #tpu.memory_space<vmem>> -> memref<1x1x128xi32, #tpu.memory_space<vmem>>
      %dma_wait3A_253 = tpu.memref_squeeze %dma_wait3A_252 : memref<1x1x128xi32, #tpu.memory_space<vmem>> -> memref<128xi32, #tpu.memory_space<vmem>>
      %dma_wait3A_254 = arith.constant 0 : i32
      %dma_wait3A_255 = arith.constant 0 : i32
      %dma_wait3A_256 = tpu.memref_slice %arg10[%dma_wait3A_254, %dma_wait3A_255] : memref<10240x128xf32, #tpu.memory_space<vmem_shared>> -> memref<10240x128xf32, #tpu.memory_space<vmem_shared>>
      tpu.wait_indirect_dma semaphore(%arg15 : memref<!tpu.dma_semaphore, #tpu.memory_space<semaphore_mem>>) src(%dma_wait3A_250 : memref<128x128xf32, #tpu.memory_space<vmem>>) dst(%dma_wait3A_256 : memref<10240x128xf32, #tpu.memory_space<vmem_shared>>)
      %dma_start3A_257 = arith.constant 4 : i32
      %dma_start3A_258 = arith.constant 0 : i32
      %dma_start3A_259 = arith.constant 0 : i32
      %dma_start3A_260 = arith.constant 0 : i32
      %dma_start3A_261 = tpu.memref_slice %arg8[%dma_start3A_258, %dma_start3A_259, %dma_start3A_260] : memref<2x128x128xf32, #tpu.memory_space<vmem>> -> memref<1x128x128xf32, #tpu.memory_space<vmem>>
      %dma_start3A_262 = tpu.memref_squeeze %dma_start3A_261 : memref<1x128x128xf32, #tpu.memory_space<vmem>> -> memref<128x128xf32, #tpu.memory_space<vmem>>
      %dma_start3A_263 = arith.constant 0 : i32
      %dma_start3A_264 = tpu.memref_slice %arg6[%select_n3A_68, %dma_start3A_257, %dma_start3A_263] : memref<2x8x128xi32, #tpu.memory_space<vmem>> -> memref<1x1x128xi32, #tpu.memory_space<vmem>>
      %dma_start3A_265 = tpu.memref_squeeze %dma_start3A_264 : memref<1x1x128xi32, #tpu.memory_space<vmem>> -> memref<128xi32, #tpu.memory_space<vmem>>
      %dma_start3A_266 = arith.constant 0 : i32
      %dma_start3A_267 = arith.constant 0 : i32
      %dma_start3A_268 = tpu.memref_slice %arg2[%dma_start3A_266, %dma_start3A_267] : memref<10000x128xf32, #tpu.memory_space<hbm>> -> memref<10000x128xf32, #tpu.memory_space<hbm>>
      tpu.enqueue_indirect_dma source(%dma_start3A_268 : memref<10000x128xf32, #tpu.memory_space<hbm>>) target(%dma_start3A_262 : memref<128x128xf32, #tpu.memory_space<vmem>>) offsets(%dma_start3A_265 : memref<128xi32, #tpu.memory_space<vmem>>) semaphore(%arg12 : memref<!tpu.dma_semaphore, #tpu.memory_space<semaphore_mem>>)
      %dma_wait3A_269 = arith.constant 3 : i32
      %dma_wait3A_270 = arith.constant 1 : i32
      %dma_wait3A_271 = arith.constant 0 : i32
      %dma_wait3A_272 = arith.constant 0 : i32
      %dma_wait3A_273 = tpu.memref_slice %arg8[%dma_wait3A_270, %dma_wait3A_271, %dma_wait3A_272] : memref<2x128x128xf32, #tpu.memory_space<vmem>> -> memref<1x128x128xf32, #tpu.memory_space<vmem>>
      %dma_wait3A_274 = tpu.memref_squeeze %dma_wait3A_273 : memref<1x128x128xf32, #tpu.memory_space<vmem>> -> memref<128x128xf32, #tpu.memory_space<vmem>>
      %dma_wait3A_275 = arith.constant 0 : i32
      %dma_wait3A_276 = tpu.memref_slice %arg6[%select_n3A_68, %dma_wait3A_269, %dma_wait3A_275] : memref<2x8x128xi32, #tpu.memory_space<vmem>> -> memref<1x1x128xi32, #tpu.memory_space<vmem>>
      %dma_wait3A_277 = tpu.memref_squeeze %dma_wait3A_276 : memref<1x1x128xi32, #tpu.memory_space<vmem>> -> memref<128xi32, #tpu.memory_space<vmem>>
      %dma_wait3A_278 = arith.constant 0 : i32
      %dma_wait3A_279 = arith.constant 0 : i32
      %dma_wait3A_280 = tpu.memref_slice %arg2[%dma_wait3A_278, %dma_wait3A_279] : memref<10000x128xf32, #tpu.memory_space<hbm>> -> memref<10000x128xf32, #tpu.memory_space<hbm>>
      tpu.wait_indirect_dma semaphore(%arg13 : memref<!tpu.dma_semaphore, #tpu.memory_space<semaphore_mem>>) src(%dma_wait3A_280 : memref<10000x128xf32, #tpu.memory_space<hbm>>) dst(%dma_wait3A_274 : memref<128x128xf32, #tpu.memory_space<vmem>>)
      %dma_start3A_281 = arith.constant 1 : i32
      %dma_start3A_282 = arith.constant 3 : i32
      %dma_start3A_283 = arith.constant 0 : i32
      %dma_start3A_284 = arith.constant 0 : i32
      %dma_start3A_285 = tpu.memref_slice %arg8[%dma_start3A_281, %dma_start3A_283, %dma_start3A_284] : memref<2x128x128xf32, #tpu.memory_space<vmem>> -> memref<1x128x128xf32, #tpu.memory_space<vmem>>
      %dma_start3A_286 = tpu.memref_squeeze %dma_start3A_285 : memref<1x128x128xf32, #tpu.memory_space<vmem>> -> memref<128x128xf32, #tpu.memory_space<vmem>>
      %dma_start3A_287 = arith.constant 0 : i32
      %dma_start3A_288 = tpu.memref_slice %arg7[%select_n3A_68, %dma_start3A_282, %dma_start3A_287] : memref<2x8x128xi32, #tpu.memory_space<vmem>> -> memref<1x1x128xi32, #tpu.memory_space<vmem>>
      %dma_start3A_289 = tpu.memref_squeeze %dma_start3A_288 : memref<1x1x128xi32, #tpu.memory_space<vmem>> -> memref<128xi32, #tpu.memory_space<vmem>>
      %dma_start3A_290 = arith.constant 0 : i32
      %dma_start3A_291 = arith.constant 0 : i32
      %dma_start3A_292 = tpu.memref_slice %arg10[%dma_start3A_290, %dma_start3A_291] : memref<10240x128xf32, #tpu.memory_space<vmem_shared>> -> memref<10240x128xf32, #tpu.memory_space<vmem_shared>>
      tpu.enqueue_indirect_dma source(%dma_start3A_286 : memref<128x128xf32, #tpu.memory_space<vmem>>) target(%dma_start3A_292 : memref<10240x128xf32, #tpu.memory_space<vmem_shared>>) offsets(%dma_start3A_289 : memref<128xi32, #tpu.memory_space<vmem>>) semaphore(%arg16 : memref<!tpu.dma_semaphore, #tpu.memory_space<semaphore_mem>>) {add = true}
      %dma_wait3A_293 = arith.constant 1 : i32
      %dma_wait3A_294 = arith.constant 3 : i32
      %dma_wait3A_295 = arith.constant 0 : i32
      %dma_wait3A_296 = arith.constant 0 : i32
      %dma_wait3A_297 = tpu.memref_slice %arg8[%dma_wait3A_293, %dma_wait3A_295, %dma_wait3A_296] : memref<2x128x128xf32, #tpu.memory_space<vmem>> -> memref<1x128x128xf32, #tpu.memory_space<vmem>>
      %dma_wait3A_298 = tpu.memref_squeeze %dma_wait3A_297 : memref<1x128x128xf32, #tpu.memory_space<vmem>> -> memref<128x128xf32, #tpu.memory_space<vmem>>
      %dma_wait3A_299 = arith.constant 0 : i32
      %dma_wait3A_300 = tpu.memref_slice %arg7[%select_n3A_68, %dma_wait3A_294, %dma_wait3A_299] : memref<2x8x128xi32, #tpu.memory_space<vmem>> -> memref<1x1x128xi32, #tpu.memory_space<vmem>>
      %dma_wait3A_301 = tpu.memref_squeeze %dma_wait3A_300 : memref<1x1x128xi32, #tpu.memory_space<vmem>> -> memref<128xi32, #tpu.memory_space<vmem>>
      %dma_wait3A_302 = arith.constant 0 : i32
      %dma_wait3A_303 = arith.constant 0 : i32
      %dma_wait3A_304 = tpu.memref_slice %arg10[%dma_wait3A_302, %dma_wait3A_303] : memref<10240x128xf32, #tpu.memory_space<vmem_shared>> -> memref<10240x128xf32, #tpu.memory_space<vmem_shared>>
      tpu.wait_indirect_dma semaphore(%arg16 : memref<!tpu.dma_semaphore, #tpu.memory_space<semaphore_mem>>) src(%dma_wait3A_298 : memref<128x128xf32, #tpu.memory_space<vmem>>) dst(%dma_wait3A_304 : memref<10240x128xf32, #tpu.memory_space<vmem_shared>>)
      %dma_start3A_305 = arith.constant 5 : i32
      %dma_start3A_306 = arith.constant 1 : i32
      %dma_start3A_307 = arith.constant 0 : i32
      %dma_start3A_308 = arith.constant 0 : i32
      %dma_start3A_309 = tpu.memref_slice %arg8[%dma_start3A_306, %dma_start3A_307, %dma_start3A_308] : memref<2x128x128xf32, #tpu.memory_space<vmem>> -> memref<1x128x128xf32, #tpu.memory_space<vmem>>
      %dma_start3A_310 = tpu.memref_squeeze %dma_start3A_309 : memref<1x128x128xf32, #tpu.memory_space<vmem>> -> memref<128x128xf32, #tpu.memory_space<vmem>>
      %dma_start3A_311 = arith.constant 0 : i32
      %dma_start3A_312 = tpu.memref_slice %arg6[%select_n3A_68, %dma_start3A_305, %dma_start3A_311] : memref<2x8x128xi32, #tpu.memory_space<vmem>> -> memref<1x1x128xi32, #tpu.memory_space<vmem>>
      %dma_start3A_313 = tpu.memref_squeeze %dma_start3A_312 : memref<1x1x128xi32, #tpu.memory_space<vmem>> -> memref<128xi32, #tpu.memory_space<vmem>>
      %dma_start3A_314 = arith.constant 0 : i32
      %dma_start3A_315 = arith.constant 0 : i32
      %dma_start3A_316 = tpu.memref_slice %arg2[%dma_start3A_314, %dma_start3A_315] : memref<10000x128xf32, #tpu.memory_space<hbm>> -> memref<10000x128xf32, #tpu.memory_space<hbm>>
      tpu.enqueue_indirect_dma source(%dma_start3A_316 : memref<10000x128xf32, #tpu.memory_space<hbm>>) target(%dma_start3A_310 : memref<128x128xf32, #tpu.memory_space<vmem>>) offsets(%dma_start3A_313 : memref<128xi32, #tpu.memory_space<vmem>>) semaphore(%arg13 : memref<!tpu.dma_semaphore, #tpu.memory_space<semaphore_mem>>)
      %dma_wait3A_317 = arith.constant 4 : i32
      %dma_wait3A_318 = arith.constant 0 : i32
      %dma_wait3A_319 = arith.constant 0 : i32
      %dma_wait3A_320 = arith.constant 0 : i32
      %dma_wait3A_321 = tpu.memref_slice %arg8[%dma_wait3A_318, %dma_wait3A_319, %dma_wait3A_320] : memref<2x128x128xf32, #tpu.memory_space<vmem>> -> memref<1x128x128xf32, #tpu.memory_space<vmem>>
      %dma_wait3A_322 = tpu.memref_squeeze %dma_wait3A_321 : memref<1x128x128xf32, #tpu.memory_space<vmem>> -> memref<128x128xf32, #tpu.memory_space<vmem>>
      %dma_wait3A_323 = arith.constant 0 : i32
      %dma_wait3A_324 = tpu.memref_slice %arg6[%select_n3A_68, %dma_wait3A_317, %dma_wait3A_323] : memref<2x8x128xi32, #tpu.memory_space<vmem>> -> memref<1x1x128xi32, #tpu.memory_space<vmem>>
      %dma_wait3A_325 = tpu.memref_squeeze %dma_wait3A_324 : memref<1x1x128xi32, #tpu.memory_space<vmem>> -> memref<128xi32, #tpu.memory_space<vmem>>
      %dma_wait3A_326 = arith.constant 0 : i32
      %dma_wait3A_327 = arith.constant 0 : i32
      %dma_wait3A_328 = tpu.memref_slice %arg2[%dma_wait3A_326, %dma_wait3A_327] : memref<10000x128xf32, #tpu.memory_space<hbm>> -> memref<10000x128xf32, #tpu.memory_space<hbm>>
      tpu.wait_indirect_dma semaphore(%arg12 : memref<!tpu.dma_semaphore, #tpu.memory_space<semaphore_mem>>) src(%dma_wait3A_328 : memref<10000x128xf32, #tpu.memory_space<hbm>>) dst(%dma_wait3A_322 : memref<128x128xf32, #tpu.memory_space<vmem>>)
      %dma_start3A_329 = arith.constant 0 : i32
      %dma_start3A_330 = arith.constant 4 : i32
      %dma_start3A_331 = arith.constant 0 : i32
      %dma_start3A_332 = arith.constant 0 : i32
      %dma_start3A_333 = tpu.memref_slice %arg8[%dma_start3A_329, %dma_start3A_331, %dma_start3A_332] : memref<2x128x128xf32, #tpu.memory_space<vmem>> -> memref<1x128x128xf32, #tpu.memory_space<vmem>>
      %dma_start3A_334 = tpu.memref_squeeze %dma_start3A_333 : memref<1x128x128xf32, #tpu.memory_space<vmem>> -> memref<128x128xf32, #tpu.memory_space<vmem>>
      %dma_start3A_335 = arith.constant 0 : i32
      %dma_start3A_336 = tpu.memref_slice %arg7[%select_n3A_68, %dma_start3A_330, %dma_start3A_335] : memref<2x8x128xi32, #tpu.memory_space<vmem>> -> memref<1x1x128xi32, #tpu.memory_space<vmem>>
      %dma_start3A_337 = tpu.memref_squeeze %dma_start3A_336 : memref<1x1x128xi32, #tpu.memory_space<vmem>> -> memref<128xi32, #tpu.memory_space<vmem>>
      %dma_start3A_338 = arith.constant 0 : i32
      %dma_start3A_339 = arith.constant 0 : i32
      %dma_start3A_340 = tpu.memref_slice %arg10[%dma_start3A_338, %dma_start3A_339] : memref<10240x128xf32, #tpu.memory_space<vmem_shared>> -> memref<10240x128xf32, #tpu.memory_space<vmem_shared>>
      tpu.enqueue_indirect_dma source(%dma_start3A_334 : memref<128x128xf32, #tpu.memory_space<vmem>>) target(%dma_start3A_340 : memref<10240x128xf32, #tpu.memory_space<vmem_shared>>) offsets(%dma_start3A_337 : memref<128xi32, #tpu.memory_space<vmem>>) semaphore(%arg15 : memref<!tpu.dma_semaphore, #tpu.memory_space<semaphore_mem>>) {add = true}
      %dma_wait3A_341 = arith.constant 0 : i32
      %dma_wait3A_342 = arith.constant 4 : i32
      %dma_wait3A_343 = arith.constant 0 : i32
      %dma_wait3A_344 = arith.constant 0 : i32
      %dma_wait3A_345 = tpu.memref_slice %arg8[%dma_wait3A_341, %dma_wait3A_343, %dma_wait3A_344] : memref<2x128x128xf32, #tpu.memory_space<vmem>> -> memref<1x128x128xf32, #tpu.memory_space<vmem>>
      %dma_wait3A_346 = tpu.memref_squeeze %dma_wait3A_345 : memref<1x128x128xf32, #tpu.memory_space<vmem>> -> memref<128x128xf32, #tpu.memory_space<vmem>>
      %dma_wait3A_347 = arith.constant 0 : i32
      %dma_wait3A_348 = tpu.memref_slice %arg7[%select_n3A_68, %dma_wait3A_342, %dma_wait3A_347] : memref<2x8x128xi32, #tpu.memory_space<vmem>> -> memref<1x1x128xi32, #tpu.memory_space<vmem>>
      %dma_wait3A_349 = tpu.memref_squeeze %dma_wait3A_348 : memref<1x1x128xi32, #tpu.memory_space<vmem>> -> memref<128xi32, #tpu.memory_space<vmem>>
      %dma_wait3A_350 = arith.constant 0 : i32
      %dma_wait3A_351 = arith.constant 0 : i32
      %dma_wait3A_352 = tpu.memref_slice %arg10[%dma_wait3A_350, %dma_wait3A_351] : memref<10240x128xf32, #tpu.memory_space<vmem_shared>> -> memref<10240x128xf32, #tpu.memory_space<vmem_shared>>
      tpu.wait_indirect_dma semaphore(%arg15 : memref<!tpu.dma_semaphore, #tpu.memory_space<semaphore_mem>>) src(%dma_wait3A_346 : memref<128x128xf32, #tpu.memory_space<vmem>>) dst(%dma_wait3A_352 : memref<10240x128xf32, #tpu.memory_space<vmem_shared>>)
      %dma_start3A_353 = arith.constant 6 : i32
      %dma_start3A_354 = arith.constant 0 : i32
      %dma_start3A_355 = arith.constant 0 : i32
      %dma_start3A_356 = arith.constant 0 : i32
      %dma_start3A_357 = tpu.memref_slice %arg8[%dma_start3A_354, %dma_start3A_355, %dma_start3A_356] : memref<2x128x128xf32, #tpu.memory_space<vmem>> -> memref<1x128x128xf32, #tpu.memory_space<vmem>>
      %dma_start3A_358 = tpu.memref_squeeze %dma_start3A_357 : memref<1x128x128xf32, #tpu.memory_space<vmem>> -> memref<128x128xf32, #tpu.memory_space<vmem>>
      %dma_start3A_359 = arith.constant 0 : i32
      %dma_start3A_360 = tpu.memref_slice %arg6[%select_n3A_68, %dma_start3A_353, %dma_start3A_359] : memref<2x8x128xi32, #tpu.memory_space<vmem>> -> memref<1x1x128xi32, #tpu.memory_space<vmem>>
      %dma_start3A_361 = tpu.memref_squeeze %dma_start3A_360 : memref<1x1x128xi32, #tpu.memory_space<vmem>> -> memref<128xi32, #tpu.memory_space<vmem>>
      %dma_start3A_362 = arith.constant 0 : i32
      %dma_start3A_363 = arith.constant 0 : i32
      %dma_start3A_364 = tpu.memref_slice %arg2[%dma_start3A_362, %dma_start3A_363] : memref<10000x128xf32, #tpu.memory_space<hbm>> -> memref<10000x128xf32, #tpu.memory_space<hbm>>
      tpu.enqueue_indirect_dma source(%dma_start3A_364 : memref<10000x128xf32, #tpu.memory_space<hbm>>) target(%dma_start3A_358 : memref<128x128xf32, #tpu.memory_space<vmem>>) offsets(%dma_start3A_361 : memref<128xi32, #tpu.memory_space<vmem>>) semaphore(%arg12 : memref<!tpu.dma_semaphore, #tpu.memory_space<semaphore_mem>>)
      %dma_wait3A_365 = arith.constant 5 : i32
      %dma_wait3A_366 = arith.constant 1 : i32
      %dma_wait3A_367 = arith.constant 0 : i32
      %dma_wait3A_368 = arith.constant 0 : i32
      %dma_wait3A_369 = tpu.memref_slice %arg8[%dma_wait3A_366, %dma_wait3A_367, %dma_wait3A_368] : memref<2x128x128xf32, #tpu.memory_space<vmem>> -> memref<1x128x128xf32, #tpu.memory_space<vmem>>
      %dma_wait3A_370 = tpu.memref_squeeze %dma_wait3A_369 : memref<1x128x128xf32, #tpu.memory_space<vmem>> -> memref<128x128xf32, #tpu.memory_space<vmem>>
      %dma_wait3A_371 = arith.constant 0 : i32
      %dma_wait3A_372 = tpu.memref_slice %arg6[%select_n3A_68, %dma_wait3A_365, %dma_wait3A_371] : memref<2x8x128xi32, #tpu.memory_space<vmem>> -> memref<1x1x128xi32, #tpu.memory_space<vmem>>
      %dma_wait3A_373 = tpu.memref_squeeze %dma_wait3A_372 : memref<1x1x128xi32, #tpu.memory_space<vmem>> -> memref<128xi32, #tpu.memory_space<vmem>>
      %dma_wait3A_374 = arith.constant 0 : i32
      %dma_wait3A_375 = arith.constant 0 : i32
      %dma_wait3A_376 = tpu.memref_slice %arg2[%dma_wait3A_374, %dma_wait3A_375] : memref<10000x128xf32, #tpu.memory_space<hbm>> -> memref<10000x128xf32, #tpu.memory_space<hbm>>
      tpu.wait_indirect_dma semaphore(%arg13 : memref<!tpu.dma_semaphore, #tpu.memory_space<semaphore_mem>>) src(%dma_wait3A_376 : memref<10000x128xf32, #tpu.memory_space<hbm>>) dst(%dma_wait3A_370 : memref<128x128xf32, #tpu.memory_space<vmem>>)
      %dma_start3A_377 = arith.constant 1 : i32
      %dma_start3A_378 = arith.constant 5 : i32
      %dma_start3A_379 = arith.constant 0 : i32
      %dma_start3A_380 = arith.constant 0 : i32
      %dma_start3A_381 = tpu.memref_slice %arg8[%dma_start3A_377, %dma_start3A_379, %dma_start3A_380] : memref<2x128x128xf32, #tpu.memory_space<vmem>> -> memref<1x128x128xf32, #tpu.memory_space<vmem>>
      %dma_start3A_382 = tpu.memref_squeeze %dma_start3A_381 : memref<1x128x128xf32, #tpu.memory_space<vmem>> -> memref<128x128xf32, #tpu.memory_space<vmem>>
      %dma_start3A_383 = arith.constant 0 : i32
      %dma_start3A_384 = tpu.memref_slice %arg7[%select_n3A_68, %dma_start3A_378, %dma_start3A_383] : memref<2x8x128xi32, #tpu.memory_space<vmem>> -> memref<1x1x128xi32, #tpu.memory_space<vmem>>
      %dma_start3A_385 = tpu.memref_squeeze %dma_start3A_384 : memref<1x1x128xi32, #tpu.memory_space<vmem>> -> memref<128xi32, #tpu.memory_space<vmem>>
      %dma_start3A_386 = arith.constant 0 : i32
      %dma_start3A_387 = arith.constant 0 : i32
      %dma_start3A_388 = tpu.memref_slice %arg10[%dma_start3A_386, %dma_start3A_387] : memref<10240x128xf32, #tpu.memory_space<vmem_shared>> -> memref<10240x128xf32, #tpu.memory_space<vmem_shared>>
      tpu.enqueue_indirect_dma source(%dma_start3A_382 : memref<128x128xf32, #tpu.memory_space<vmem>>) target(%dma_start3A_388 : memref<10240x128xf32, #tpu.memory_space<vmem_shared>>) offsets(%dma_start3A_385 : memref<128xi32, #tpu.memory_space<vmem>>) semaphore(%arg16 : memref<!tpu.dma_semaphore, #tpu.memory_space<semaphore_mem>>) {add = true}
      %dma_wait3A_389 = arith.constant 1 : i32
      %dma_wait3A_390 = arith.constant 5 : i32
      %dma_wait3A_391 = arith.constant 0 : i32
      %dma_wait3A_392 = arith.constant 0 : i32
      %dma_wait3A_393 = tpu.memref_slice %arg8[%dma_wait3A_389, %dma_wait3A_391, %dma_wait3A_392] : memref<2x128x128xf32, #tpu.memory_space<vmem>> -> memref<1x128x128xf32, #tpu.memory_space<vmem>>
      %dma_wait3A_394 = tpu.memref_squeeze %dma_wait3A_393 : memref<1x128x128xf32, #tpu.memory_space<vmem>> -> memref<128x128xf32, #tpu.memory_space<vmem>>
      %dma_wait3A_395 = arith.constant 0 : i32
      %dma_wait3A_396 = tpu.memref_slice %arg7[%select_n3A_68, %dma_wait3A_390, %dma_wait3A_395] : memref<2x8x128xi32, #tpu.memory_space<vmem>> -> memref<1x1x128xi32, #tpu.memory_space<vmem>>
      %dma_wait3A_397 = tpu.memref_squeeze %dma_wait3A_396 : memref<1x1x128xi32, #tpu.memory_space<vmem>> -> memref<128xi32, #tpu.memory_space<vmem>>
      %dma_wait3A_398 = arith.constant 0 : i32
      %dma_wait3A_399 = arith.constant 0 : i32
      %dma_wait3A_400 = tpu.memref_slice %arg10[%dma_wait3A_398, %dma_wait3A_399] : memref<10240x128xf32, #tpu.memory_space<vmem_shared>> -> memref<10240x128xf32, #tpu.memory_space<vmem_shared>>
      tpu.wait_indirect_dma semaphore(%arg16 : memref<!tpu.dma_semaphore, #tpu.memory_space<semaphore_mem>>) src(%dma_wait3A_394 : memref<128x128xf32, #tpu.memory_space<vmem>>) dst(%dma_wait3A_400 : memref<10240x128xf32, #tpu.memory_space<vmem_shared>>)
      %dma_start3A_401 = arith.constant 7 : i32
      %dma_start3A_402 = arith.constant 1 : i32
      %dma_start3A_403 = arith.constant 0 : i32
      %dma_start3A_404 = arith.constant 0 : i32
      %dma_start3A_405 = tpu.memref_slice %arg8[%dma_start3A_402, %dma_start3A_403, %dma_start3A_404] : memref<2x128x128xf32, #tpu.memory_space<vmem>> -> memref<1x128x128xf32, #tpu.memory_space<vmem>>
      %dma_start3A_406 = tpu.memref_squeeze %dma_start3A_405 : memref<1x128x128xf32, #tpu.memory_space<vmem>> -> memref<128x128xf32, #tpu.memory_space<vmem>>
      %dma_start3A_407 = arith.constant 0 : i32
      %dma_start3A_408 = tpu.memref_slice %arg6[%select_n3A_68, %dma_start3A_401, %dma_start3A_407] : memref<2x8x128xi32, #tpu.memory_space<vmem>> -> memref<1x1x128xi32, #tpu.memory_space<vmem>>
      %dma_start3A_409 = tpu.memref_squeeze %dma_start3A_408 : memref<1x1x128xi32, #tpu.memory_space<vmem>> -> memref<128xi32, #tpu.memory_space<vmem>>
      %dma_start3A_410 = arith.constant 0 : i32
      %dma_start3A_411 = arith.constant 0 : i32
      %dma_start3A_412 = tpu.memref_slice %arg2[%dma_start3A_410, %dma_start3A_411] : memref<10000x128xf32, #tpu.memory_space<hbm>> -> memref<10000x128xf32, #tpu.memory_space<hbm>>
      tpu.enqueue_indirect_dma source(%dma_start3A_412 : memref<10000x128xf32, #tpu.memory_space<hbm>>) target(%dma_start3A_406 : memref<128x128xf32, #tpu.memory_space<vmem>>) offsets(%dma_start3A_409 : memref<128xi32, #tpu.memory_space<vmem>>) semaphore(%arg13 : memref<!tpu.dma_semaphore, #tpu.memory_space<semaphore_mem>>)
      %dma_wait3A_413 = arith.constant 6 : i32
      %dma_wait3A_414 = arith.constant 0 : i32
      %dma_wait3A_415 = arith.constant 0 : i32
      %dma_wait3A_416 = arith.constant 0 : i32
      %dma_wait3A_417 = tpu.memref_slice %arg8[%dma_wait3A_414, %dma_wait3A_415, %dma_wait3A_416] : memref<2x128x128xf32, #tpu.memory_space<vmem>> -> memref<1x128x128xf32, #tpu.memory_space<vmem>>
      %dma_wait3A_418 = tpu.memref_squeeze %dma_wait3A_417 : memref<1x128x128xf32, #tpu.memory_space<vmem>> -> memref<128x128xf32, #tpu.memory_space<vmem>>
      %dma_wait3A_419 = arith.constant 0 : i32
      %dma_wait3A_420 = tpu.memref_slice %arg6[%select_n3A_68, %dma_wait3A_413, %dma_wait3A_419] : memref<2x8x128xi32, #tpu.memory_space<vmem>> -> memref<1x1x128xi32, #tpu.memory_space<vmem>>
      %dma_wait3A_421 = tpu.memref_squeeze %dma_wait3A_420 : memref<1x1x128xi32, #tpu.memory_space<vmem>> -> memref<128xi32, #tpu.memory_space<vmem>>
      %dma_wait3A_422 = arith.constant 0 : i32
      %dma_wait3A_423 = arith.constant 0 : i32
      %dma_wait3A_424 = tpu.memref_slice %arg2[%dma_wait3A_422, %dma_wait3A_423] : memref<10000x128xf32, #tpu.memory_space<hbm>> -> memref<10000x128xf32, #tpu.memory_space<hbm>>
      tpu.wait_indirect_dma semaphore(%arg12 : memref<!tpu.dma_semaphore, #tpu.memory_space<semaphore_mem>>) src(%dma_wait3A_424 : memref<10000x128xf32, #tpu.memory_space<hbm>>) dst(%dma_wait3A_418 : memref<128x128xf32, #tpu.memory_space<vmem>>)
      %dma_start3A_425 = arith.constant 0 : i32
      %dma_start3A_426 = arith.constant 6 : i32
      %dma_start3A_427 = arith.constant 0 : i32
      %dma_start3A_428 = arith.constant 0 : i32
      %dma_start3A_429 = tpu.memref_slice %arg8[%dma_start3A_425, %dma_start3A_427, %dma_start3A_428] : memref<2x128x128xf32, #tpu.memory_space<vmem>> -> memref<1x128x128xf32, #tpu.memory_space<vmem>>
      %dma_start3A_430 = tpu.memref_squeeze %dma_start3A_429 : memref<1x128x128xf32, #tpu.memory_space<vmem>> -> memref<128x128xf32, #tpu.memory_space<vmem>>
      %dma_start3A_431 = arith.constant 0 : i32
      %dma_start3A_432 = tpu.memref_slice %arg7[%select_n3A_68, %dma_start3A_426, %dma_start3A_431] : memref<2x8x128xi32, #tpu.memory_space<vmem>> -> memref<1x1x128xi32, #tpu.memory_space<vmem>>
      %dma_start3A_433 = tpu.memref_squeeze %dma_start3A_432 : memref<1x1x128xi32, #tpu.memory_space<vmem>> -> memref<128xi32, #tpu.memory_space<vmem>>
      %dma_start3A_434 = arith.constant 0 : i32
      %dma_start3A_435 = arith.constant 0 : i32
      %dma_start3A_436 = tpu.memref_slice %arg10[%dma_start3A_434, %dma_start3A_435] : memref<10240x128xf32, #tpu.memory_space<vmem_shared>> -> memref<10240x128xf32, #tpu.memory_space<vmem_shared>>
      tpu.enqueue_indirect_dma source(%dma_start3A_430 : memref<128x128xf32, #tpu.memory_space<vmem>>) target(%dma_start3A_436 : memref<10240x128xf32, #tpu.memory_space<vmem_shared>>) offsets(%dma_start3A_433 : memref<128xi32, #tpu.memory_space<vmem>>) semaphore(%arg15 : memref<!tpu.dma_semaphore, #tpu.memory_space<semaphore_mem>>) {add = true}
      %dma_wait3A_437 = arith.constant 7 : i32
      %dma_wait3A_438 = arith.constant 1 : i32
      %dma_wait3A_439 = arith.constant 0 : i32
      %dma_wait3A_440 = arith.constant 0 : i32
      %dma_wait3A_441 = tpu.memref_slice %arg8[%dma_wait3A_438, %dma_wait3A_439, %dma_wait3A_440] : memref<2x128x128xf32, #tpu.memory_space<vmem>> -> memref<1x128x128xf32, #tpu.memory_space<vmem>>
      %dma_wait3A_442 = tpu.memref_squeeze %dma_wait3A_441 : memref<1x128x128xf32, #tpu.memory_space<vmem>> -> memref<128x128xf32, #tpu.memory_space<vmem>>
      %dma_wait3A_443 = arith.constant 0 : i32
      %dma_wait3A_444 = tpu.memref_slice %arg6[%select_n3A_68, %dma_wait3A_437, %dma_wait3A_443] : memref<2x8x128xi32, #tpu.memory_space<vmem>> -> memref<1x1x128xi32, #tpu.memory_space<vmem>>
      %dma_wait3A_445 = tpu.memref_squeeze %dma_wait3A_444 : memref<1x1x128xi32, #tpu.memory_space<vmem>> -> memref<128xi32, #tpu.memory_space<vmem>>
      %dma_wait3A_446 = arith.constant 0 : i32
      %dma_wait3A_447 = arith.constant 0 : i32
      %dma_wait3A_448 = tpu.memref_slice %arg2[%dma_wait3A_446, %dma_wait3A_447] : memref<10000x128xf32, #tpu.memory_space<hbm>> -> memref<10000x128xf32, #tpu.memory_space<hbm>>
      tpu.wait_indirect_dma semaphore(%arg13 : memref<!tpu.dma_semaphore, #tpu.memory_space<semaphore_mem>>) src(%dma_wait3A_448 : memref<10000x128xf32, #tpu.memory_space<hbm>>) dst(%dma_wait3A_442 : memref<128x128xf32, #tpu.memory_space<vmem>>)
      %dma_start3A_449 = arith.constant 1 : i32
      %dma_start3A_450 = arith.constant 7 : i32
      %dma_start3A_451 = arith.constant 0 : i32
      %dma_start3A_452 = arith.constant 0 : i32
      %dma_start3A_453 = tpu.memref_slice %arg8[%dma_start3A_449, %dma_start3A_451, %dma_start3A_452] : memref<2x128x128xf32, #tpu.memory_space<vmem>> -> memref<1x128x128xf32, #tpu.memory_space<vmem>>
      %dma_start3A_454 = tpu.memref_squeeze %dma_start3A_453 : memref<1x128x128xf32, #tpu.memory_space<vmem>> -> memref<128x128xf32, #tpu.memory_space<vmem>>
      %dma_start3A_455 = arith.constant 0 : i32
      %dma_start3A_456 = tpu.memref_slice %arg7[%select_n3A_68, %dma_start3A_450, %dma_start3A_455] : memref<2x8x128xi32, #tpu.memory_space<vmem>> -> memref<1x1x128xi32, #tpu.memory_space<vmem>>
      %dma_start3A_457 = tpu.memref_squeeze %dma_start3A_456 : memref<1x1x128xi32, #tpu.memory_space<vmem>> -> memref<128xi32, #tpu.memory_space<vmem>>
      %dma_start3A_458 = arith.constant 0 : i32
      %dma_start3A_459 = arith.constant 0 : i32
      %dma_start3A_460 = tpu.memref_slice %arg10[%dma_start3A_458, %dma_start3A_459] : memref<10240x128xf32, #tpu.memory_space<vmem_shared>> -> memref<10240x128xf32, #tpu.memory_space<vmem_shared>>
      tpu.enqueue_indirect_dma source(%dma_start3A_454 : memref<128x128xf32, #tpu.memory_space<vmem>>) target(%dma_start3A_460 : memref<10240x128xf32, #tpu.memory_space<vmem_shared>>) offsets(%dma_start3A_457 : memref<128xi32, #tpu.memory_space<vmem>>) semaphore(%arg16 : memref<!tpu.dma_semaphore, #tpu.memory_space<semaphore_mem>>) {add = true}
      %dma_wait3A_461 = arith.constant 0 : i32
      %dma_wait3A_462 = arith.constant 6 : i32
      %dma_wait3A_463 = arith.constant 0 : i32
      %dma_wait3A_464 = arith.constant 0 : i32
      %dma_wait3A_465 = tpu.memref_slice %arg8[%dma_wait3A_461, %dma_wait3A_463, %dma_wait3A_464] : memref<2x128x128xf32, #tpu.memory_space<vmem>> -> memref<1x128x128xf32, #tpu.memory_space<vmem>>
      %dma_wait3A_466 = tpu.memref_squeeze %dma_wait3A_465 : memref<1x128x128xf32, #tpu.memory_space<vmem>> -> memref<128x128xf32, #tpu.memory_space<vmem>>
      %dma_wait3A_467 = arith.constant 0 : i32
      %dma_wait3A_468 = tpu.memref_slice %arg7[%select_n3A_68, %dma_wait3A_462, %dma_wait3A_467] : memref<2x8x128xi32, #tpu.memory_space<vmem>> -> memref<1x1x128xi32, #tpu.memory_space<vmem>>
      %dma_wait3A_469 = tpu.memref_squeeze %dma_wait3A_468 : memref<1x1x128xi32, #tpu.memory_space<vmem>> -> memref<128xi32, #tpu.memory_space<vmem>>
      %dma_wait3A_470 = arith.constant 0 : i32
      %dma_wait3A_471 = arith.constant 0 : i32
      %dma_wait3A_472 = tpu.memref_slice %arg10[%dma_wait3A_470, %dma_wait3A_471] : memref<10240x128xf32, #tpu.memory_space<vmem_shared>> -> memref<10240x128xf32, #tpu.memory_space<vmem_shared>>
      tpu.wait_indirect_dma semaphore(%arg15 : memref<!tpu.dma_semaphore, #tpu.memory_space<semaphore_mem>>) src(%dma_wait3A_466 : memref<128x128xf32, #tpu.memory_space<vmem>>) dst(%dma_wait3A_472 : memref<10240x128xf32, #tpu.memory_space<vmem_shared>>)
      %dma_wait3A_473 = arith.constant 1 : i32
      %dma_wait3A_474 = arith.constant 7 : i32
      %dma_wait3A_475 = arith.constant 0 : i32
      %dma_wait3A_476 = arith.constant 0 : i32
      %dma_wait3A_477 = tpu.memref_slice %arg8[%dma_wait3A_473, %dma_wait3A_475, %dma_wait3A_476] : memref<2x128x128xf32, #tpu.memory_space<vmem>> -> memref<1x128x128xf32, #tpu.memory_space<vmem>>
      %dma_wait3A_478 = tpu.memref_squeeze %dma_wait3A_477 : memref<1x128x128xf32, #tpu.memory_space<vmem>> -> memref<128x128xf32, #tpu.memory_space<vmem>>
      %dma_wait3A_479 = arith.constant 0 : i32
      %dma_wait3A_480 = tpu.memref_slice %arg7[%select_n3A_68, %dma_wait3A_474, %dma_wait3A_479] : memref<2x8x128xi32, #tpu.memory_space<vmem>> -> memref<1x1x128xi32, #tpu.memory_space<vmem>>
      %dma_wait3A_481 = tpu.memref_squeeze %dma_wait3A_480 : memref<1x1x128xi32, #tpu.memory_space<vmem>> -> memref<128xi32, #tpu.memory_space<vmem>>
      %dma_wait3A_482 = arith.constant 0 : i32
      %dma_wait3A_483 = arith.constant 0 : i32
      %dma_wait3A_484 = tpu.memref_slice %arg10[%dma_wait3A_482, %dma_wait3A_483] : memref<10240x128xf32, #tpu.memory_space<vmem_shared>> -> memref<10240x128xf32, #tpu.memory_space<vmem_shared>>
      tpu.wait_indirect_dma semaphore(%arg16 : memref<!tpu.dma_semaphore, #tpu.memory_space<semaphore_mem>>) src(%dma_wait3A_478 : memref<128x128xf32, #tpu.memory_space<vmem>>) dst(%dma_wait3A_484 : memref<10240x128xf32, #tpu.memory_space<vmem_shared>>)
    }
    %scan3A_53 = arith.constant 10 : i32
    %barrier3A_54 = arith.constant 0 : index
    tpu.barrier barrier_id(%barrier3A_54)
    %mul3A_55 = arith.constant 640 : i32
    %mul3A_56 = arith.muli %arg1, %mul3A_55 : i32
    %mul3A_57 = arith.constant 640 : i32
    %mul3A_58 = arith.muli %arg1, %mul3A_57 : i32
    "tpu.region"() ({
      %run_scoped3A = tpu.sem_alloc : memref<!tpu.dma_semaphore, #tpu.memory_space<semaphore_mem>>
      %dma_start3A_59 = arith.constant 0 : i32
      %dma_start3A_60 = tpu.memref_slice %arg5[%arg0, %mul3A_58, %dma_start3A_59] : memref<2x10240x128xf32, #tpu.memory_space<hbm>> -> memref<1x640x128xf32, #tpu.memory_space<hbm>>
      %dma_start3A_61 = tpu.memref_squeeze %dma_start3A_60 : memref<1x640x128xf32, #tpu.memory_space<hbm>> -> memref<640x128xf32, #tpu.memory_space<hbm>>
      %dma_start3A_62 = arith.constant 0 : i32
      %dma_start3A_63 = tpu.memref_slice %arg10[%mul3A_56, %dma_start3A_62] : memref<10240x128xf32, #tpu.memory_space<vmem_shared>> -> memref<640x128xf32, #tpu.memory_space<vmem_shared>>
      tpu.enqueue_dma source(%dma_start3A_63 : memref<640x128xf32, #tpu.memory_space<vmem_shared>>) target(%dma_start3A_61 : memref<640x128xf32, #tpu.memory_space<hbm>>) target_semaphore(%run_scoped3A : memref<!tpu.dma_semaphore, #tpu.memory_space<semaphore_mem>>)
      %dma_wait3A = arith.constant 0 : i32
      %dma_wait3A_64 = tpu.memref_slice %arg5[%arg0, %mul3A_58, %dma_wait3A] : memref<2x10240x128xf32, #tpu.memory_space<hbm>> -> memref<1x640x128xf32, #tpu.memory_space<hbm>>
      %dma_wait3A_65 = tpu.memref_squeeze %dma_wait3A_64 : memref<1x640x128xf32, #tpu.memory_space<hbm>> -> memref<640x128xf32, #tpu.memory_space<hbm>>
      %dma_wait3A_66 = arith.constant 0 : i32
      %dma_wait3A_67 = tpu.memref_slice %arg10[%mul3A_56, %dma_wait3A_66] : memref<10240x128xf32, #tpu.memory_space<vmem_shared>> -> memref<640x128xf32, #tpu.memory_space<vmem_shared>>
      tpu.wait_dma2 semaphore(%run_scoped3A : memref<!tpu.dma_semaphore, #tpu.memory_space<semaphore_mem>>) src(%dma_wait3A_67 : memref<640x128xf32, #tpu.memory_space<vmem_shared>>) dst(%dma_wait3A_65 : memref<640x128xf32, #tpu.memory_space<hbm>>)
      tpu.yield
    }) : () -> ()
    return
  }
}

module attributes {stable_mosaic.version = 14 : i64} {
  func.func @_dense1_body(%arg0: i32, %arg1: memref<2x1000x128xf32, #tpu.memory_space<vmem>>, %arg2: memref<1000x32xf32, #tpu.memory_space<vmem>>, %arg3: memref<1000x128xf32, #tpu.memory_space<vmem>>, %arg4: memref<128x128xf32, #tpu.memory_space<vmem>>, %arg5: memref<1x128xf32, #tpu.memory_space<vmem>>, %arg6: memref<128x128xf32, #tpu.memory_space<vmem>>, %arg7: memref<1000x128xf32, #tpu.memory_space<vmem>>, %arg8: memref<1000x1xf32, #tpu.memory_space<vmem>>) attributes {dimension_semantics = [#tpu.dimension_semantics<arbitrary>], iteration_bounds = array<i64: 10>, scalar_prefetch = 0 : i64, scratch_operands = 0 : i64, tpu.core_type = #tpu.core_type<tc>, window_params = [{transform_indices = @transform_0, window_bounds = array<i64: 2, 1000, 128>}, {transform_indices = @transform_1, window_bounds = array<i64: 1000, 32>}, {transform_indices = @transform_2, window_bounds = array<i64: 1000, 128>}, {pipeline_mode = #tpu.pipeline_mode<synchronous>, transform_indices = @transform_3, window_bounds = array<i64: 128, 128>}, {pipeline_mode = #tpu.pipeline_mode<synchronous>, transform_indices = @transform_4, window_bounds = array<i64: 1, 128>}, {pipeline_mode = #tpu.pipeline_mode<synchronous>, transform_indices = @transform_5, window_bounds = array<i64: 128, 128>}, {transform_indices = @transform_6, window_bounds = array<i64: 1000, 128>}, {transform_indices = @transform_7, window_bounds = array<i64: 1000, 1>}]} {
    %get3A = arith.constant 0 : index
    %get3A_0 = arith.constant 0 : index
    %get3A_1 = arith.constant 0 : index
    %get3A_2 = vector.load %arg1[%get3A, %get3A_0, %get3A_1] : memref<2x1000x128xf32, #tpu.memory_space<vmem>>, vector<1x1000x128xf32>
    %get3A_3 = vector.shape_cast %get3A_2 : vector<1x1000x128xf32> to vector<1000x128xf32>
    %get3A_4 = arith.constant 1 : index
    %get3A_5 = arith.constant 0 : index
    %get3A_6 = arith.constant 0 : index
    %get3A_7 = vector.load %arg1[%get3A_4, %get3A_5, %get3A_6] : memref<2x1000x128xf32, #tpu.memory_space<vmem>>, vector<1x1000x128xf32>
    %get3A_8 = vector.shape_cast %get3A_7 : vector<1x1000x128xf32> to vector<1000x128xf32>
    %add3A = arith.addf %get3A_3, %get3A_8 : vector<1000x128xf32>
    %get3A_9 = arith.constant 0 : index
    %get3A_10 = arith.constant 0 : index
    %get3A_11 = vector.load %arg2[%get3A_9, %get3A_10] : memref<1000x32xf32, #tpu.memory_space<vmem>>, vector<1000x32xf32>
    %reduce_sum3A = arith.constant dense<0.000000e+00> : vector<1000xf32>
    %reduce_sum3A_12 = vector.multi_reduction <add>, %get3A_11, %reduce_sum3A [1] : vector<1000x32xf32> to vector<1000xf32>
    %broadcast_in_dim3A = vector.shape_cast %reduce_sum3A_12 : vector<1000xf32> to vector<1000x1xf32>
    %max3A = arith.constant 1.000000e+00 : f32
    %max3A_13 = vector.broadcast %max3A : f32 to vector<1000x1xf32>
    %max3A_14 = arith.maximumf %broadcast_in_dim3A, %max3A_13 : vector<1000x1xf32>
    %div3A = arith.constant 1.000000e+00 : f32
    %div3A_15 = vector.broadcast %div3A : f32 to vector<1000x1xf32>
    %div3A_16 = arith.divf %div3A_15, %max3A_14 : vector<1000x1xf32>
    %get3A_17 = arith.constant 0 : index
    %get3A_18 = arith.constant 0 : index
    %get3A_19 = vector.load %arg4[%get3A_17, %get3A_18] : memref<128x128xf32, #tpu.memory_space<vmem>>, vector<128x128xf32>
    %dot_general3A = arith.constant dense<0.000000e+00> : vector<1000x128xf32>
    %dot_general3A_20 = tpu.matmul %add3A, %get3A_19, %dot_general3A {dimension_numbers = #tpu.dot_dimension_numbers<[1], [0], [0], [1], [0, 0, 1, 1], [], []>, transpose_lhs_hint = false} : vector<1000x128xf32>, vector<128x128xf32>, vector<1000x128xf32> -> vector<1000x128xf32>
    %mul3A = vector.broadcast %div3A_16 : vector<1000x1xf32> to vector<1000x128xf32>
    %mul3A_21 = arith.mulf %dot_general3A_20, %mul3A : vector<1000x128xf32>
    %get3A_22 = arith.constant 0 : index
    %get3A_23 = arith.constant 0 : index
    %get3A_24 = vector.load %arg5[%get3A_22, %get3A_23] : memref<1x128xf32, #tpu.memory_space<vmem>>, vector<1x128xf32>
    %add3A_25 = vector.broadcast %get3A_24 : vector<1x128xf32> to vector<1000x128xf32>
    %add3A_26 = arith.addf %mul3A_21, %add3A_25 : vector<1000x128xf32>
    %get3A_27 = arith.constant 0 : index
    %get3A_28 = arith.constant 0 : index
    %get3A_29 = vector.load %arg3[%get3A_27, %get3A_28] : memref<1000x128xf32, #tpu.memory_space<vmem>>, vector<1000x128xf32>
    %get3A_30 = arith.constant 0 : index
    %get3A_31 = arith.constant 0 : index
    %get3A_32 = vector.load %arg6[%get3A_30, %get3A_31] : memref<128x128xf32, #tpu.memory_space<vmem>>, vector<128x128xf32>
    %dot_general3A_33 = arith.constant dense<0.000000e+00> : vector<1000x128xf32>
    %dot_general3A_34 = tpu.matmul %get3A_29, %get3A_32, %dot_general3A_33 {dimension_numbers = #tpu.dot_dimension_numbers<[1], [0], [0], [1], [0, 0, 1, 1], [], []>, transpose_lhs_hint = false} : vector<1000x128xf32>, vector<128x128xf32>, vector<1000x128xf32> -> vector<1000x128xf32>
    %add3A_35 = arith.addf %add3A_26, %dot_general3A_34 : vector<1000x128xf32>
    %max3A_36 = arith.constant 0.000000e+00 : f32
    %max3A_37 = vector.broadcast %max3A_36 : f32 to vector<1000x128xf32>
    %max3A_38 = arith.maximumf %add3A_35, %max3A_37 : vector<1000x128xf32>
    %swap3A = arith.constant 0 : index
    %swap3A_39 = arith.constant 0 : index
    %swap3A_40 = vector.load %arg7[%swap3A, %swap3A_39] : memref<1000x128xf32, #tpu.memory_space<vmem>>, vector<1000x128xf32>
    tpu.vector_store %arg7[%swap3A, %swap3A_39], %max3A_38 {strides = array<i32>} : memref<1000x128xf32, #tpu.memory_space<vmem>>, vector<1000x128xf32>,
    %swap3A_41 = arith.constant 0 : index
    %swap3A_42 = arith.constant 0 : index
    %swap3A_43 = vector.load %arg8[%swap3A_41, %swap3A_42] : memref<1000x1xf32, #tpu.memory_space<vmem>>, vector<1000x1xf32>
    tpu.vector_store %arg8[%swap3A_41, %swap3A_42], %div3A_16 {strides = array<i32>} : memref<1000x1xf32, #tpu.memory_space<vmem>>, vector<1000x1xf32>,
    return
  }
  func.func @transform_0(%arg0: i32) -> (i32, i32, i32) {
    %c0_i32 = arith.constant 0 : i32
    %c0_i32_0 = arith.constant 0 : i32
    %c0_i32_1 = arith.constant 0 : i32
    return %c0_i32, %arg0, %c0_i32_0 : i32, i32, i32
  }
  func.func @transform_1(%arg0: i32) -> (i32, i32) {
    %c0_i32 = arith.constant 0 : i32
    %c0_i32_0 = arith.constant 0 : i32
    return %arg0, %c0_i32 : i32, i32
  }
  func.func @transform_2(%arg0: i32) -> (i32, i32) {
    %c0_i32 = arith.constant 0 : i32
    %c0_i32_0 = arith.constant 0 : i32
    return %arg0, %c0_i32 : i32, i32
  }
  func.func @transform_3(%arg0: i32) -> (i32, i32) {
    %c0_i32 = arith.constant 0 : i32
    %c0_i32_0 = arith.constant 0 : i32
    %c0_i32_1 = arith.constant 0 : i32
    return %c0_i32, %c0_i32_0 : i32, i32
  }
  func.func @transform_4(%arg0: i32) -> (i32, i32) {
    %c0_i32 = arith.constant 0 : i32
    %c0_i32_0 = arith.constant 0 : i32
    %c0_i32_1 = arith.constant 0 : i32
    return %c0_i32, %c0_i32_0 : i32, i32
  }
  func.func @transform_5(%arg0: i32) -> (i32, i32) {
    %c0_i32 = arith.constant 0 : i32
    %c0_i32_0 = arith.constant 0 : i32
    %c0_i32_1 = arith.constant 0 : i32
    return %c0_i32, %c0_i32_0 : i32, i32
  }
  func.func @transform_6(%arg0: i32) -> (i32, i32) {
    %c0_i32 = arith.constant 0 : i32
    %c0_i32_0 = arith.constant 0 : i32
    return %arg0, %c0_i32 : i32, i32
  }
  func.func @transform_7(%arg0: i32) -> (i32, i32) {
    %c0_i32 = arith.constant 0 : i32
    %c0_i32_0 = arith.constant 0 : i32
    return %arg0, %c0_i32 : i32, i32
  }
}

module attributes {stable_mosaic.version = 14 : i64} {
  func.func @_dense2_body(%arg0: i32, %arg1: memref<2x1000x128xf32, #tpu.memory_space<vmem>>, %arg2: memref<1000x128xf32, #tpu.memory_space<vmem>>, %arg3: memref<128x128xf32, #tpu.memory_space<vmem>>, %arg4: memref<1x128xf32, #tpu.memory_space<vmem>>, %arg5: memref<128x128xf32, #tpu.memory_space<vmem>>, %arg6: memref<1000x1xf32, #tpu.memory_space<vmem>>, %arg7: memref<1000x128xf32, #tpu.memory_space<vmem>>) attributes {dimension_semantics = [#tpu.dimension_semantics<arbitrary>], iteration_bounds = array<i64: 10>, scalar_prefetch = 0 : i64, scratch_operands = 0 : i64, tpu.core_type = #tpu.core_type<tc>, window_params = [{transform_indices = @transform_0, window_bounds = array<i64: 2, 1000, 128>}, {transform_indices = @transform_1, window_bounds = array<i64: 1000, 128>}, {pipeline_mode = #tpu.pipeline_mode<synchronous>, transform_indices = @transform_2, window_bounds = array<i64: 128, 128>}, {pipeline_mode = #tpu.pipeline_mode<synchronous>, transform_indices = @transform_3, window_bounds = array<i64: 1, 128>}, {pipeline_mode = #tpu.pipeline_mode<synchronous>, transform_indices = @transform_4, window_bounds = array<i64: 128, 128>}, {transform_indices = @transform_5, window_bounds = array<i64: 1000, 1>}, {transform_indices = @transform_6, window_bounds = array<i64: 1000, 128>}]} {
    %get3A = arith.constant 0 : index
    %get3A_0 = arith.constant 0 : index
    %get3A_1 = arith.constant 0 : index
    %get3A_2 = vector.load %arg1[%get3A, %get3A_0, %get3A_1] : memref<2x1000x128xf32, #tpu.memory_space<vmem>>, vector<1x1000x128xf32>
    %get3A_3 = vector.shape_cast %get3A_2 : vector<1x1000x128xf32> to vector<1000x128xf32>
    %get3A_4 = arith.constant 1 : index
    %get3A_5 = arith.constant 0 : index
    %get3A_6 = arith.constant 0 : index
    %get3A_7 = vector.load %arg1[%get3A_4, %get3A_5, %get3A_6] : memref<2x1000x128xf32, #tpu.memory_space<vmem>>, vector<1x1000x128xf32>
    %get3A_8 = vector.shape_cast %get3A_7 : vector<1x1000x128xf32> to vector<1000x128xf32>
    %add3A = arith.addf %get3A_3, %get3A_8 : vector<1000x128xf32>
    %get3A_9 = arith.constant 0 : index
    %get3A_10 = arith.constant 0 : index
    %get3A_11 = vector.load %arg3[%get3A_9, %get3A_10] : memref<128x128xf32, #tpu.memory_space<vmem>>, vector<128x128xf32>
    %dot_general3A = arith.constant dense<0.000000e+00> : vector<1000x128xf32>
    %dot_general3A_12 = tpu.matmul %add3A, %get3A_11, %dot_general3A {dimension_numbers = #tpu.dot_dimension_numbers<[1], [0], [0], [1], [0, 0, 1, 1], [], []>, transpose_lhs_hint = false} : vector<1000x128xf32>, vector<128x128xf32>, vector<1000x128xf32> -> vector<1000x128xf32>
    %get3A_13 = arith.constant 0 : index
    %get3A_14 = arith.constant 0 : index
    %get3A_15 = vector.load %arg6[%get3A_13, %get3A_14] : memref<1000x1xf32, #tpu.memory_space<vmem>>, vector<1000x1xf32>
    %mul3A = vector.broadcast %get3A_15 : vector<1000x1xf32> to vector<1000x128xf32>
    %mul3A_16 = arith.mulf %dot_general3A_12, %mul3A : vector<1000x128xf32>
    %get3A_17 = arith.constant 0 : index
    %get3A_18 = arith.constant 0 : index
    %get3A_19 = vector.load %arg4[%get3A_17, %get3A_18] : memref<1x128xf32, #tpu.memory_space<vmem>>, vector<1x128xf32>
    %add3A_20 = vector.broadcast %get3A_19 : vector<1x128xf32> to vector<1000x128xf32>
    %add3A_21 = arith.addf %mul3A_16, %add3A_20 : vector<1000x128xf32>
    %get3A_22 = arith.constant 0 : index
    %get3A_23 = arith.constant 0 : index
    %get3A_24 = vector.load %arg2[%get3A_22, %get3A_23] : memref<1000x128xf32, #tpu.memory_space<vmem>>, vector<1000x128xf32>
    %get3A_25 = arith.constant 0 : index
    %get3A_26 = arith.constant 0 : index
    %get3A_27 = vector.load %arg5[%get3A_25, %get3A_26] : memref<128x128xf32, #tpu.memory_space<vmem>>, vector<128x128xf32>
    %dot_general3A_28 = arith.constant dense<0.000000e+00> : vector<1000x128xf32>
    %dot_general3A_29 = tpu.matmul %get3A_24, %get3A_27, %dot_general3A_28 {dimension_numbers = #tpu.dot_dimension_numbers<[1], [0], [0], [1], [0, 0, 1, 1], [], []>, transpose_lhs_hint = false} : vector<1000x128xf32>, vector<128x128xf32>, vector<1000x128xf32> -> vector<1000x128xf32>
    %add3A_30 = arith.addf %add3A_21, %dot_general3A_29 : vector<1000x128xf32>
    %swap3A = arith.constant 0 : index
    %swap3A_31 = arith.constant 0 : index
    %swap3A_32 = vector.load %arg7[%swap3A, %swap3A_31] : memref<1000x128xf32, #tpu.memory_space<vmem>>, vector<1000x128xf32>
    tpu.vector_store %arg7[%swap3A, %swap3A_31], %add3A_30 {strides = array<i32>} : memref<1000x128xf32, #tpu.memory_space<vmem>>, vector<1000x128xf32>,
    return
  }
  func.func @transform_0(%arg0: i32) -> (i32, i32, i32) {
    %c0_i32 = arith.constant 0 : i32
    %c0_i32_0 = arith.constant 0 : i32
    %c0_i32_1 = arith.constant 0 : i32
    return %c0_i32, %arg0, %c0_i32_0 : i32, i32, i32
  }
  func.func @transform_1(%arg0: i32) -> (i32, i32) {
    %c0_i32 = arith.constant 0 : i32
    %c0_i32_0 = arith.constant 0 : i32
    return %arg0, %c0_i32 : i32, i32
  }
  func.func @transform_2(%arg0: i32) -> (i32, i32) {
    %c0_i32 = arith.constant 0 : i32
    %c0_i32_0 = arith.constant 0 : i32
    %c0_i32_1 = arith.constant 0 : i32
    return %c0_i32, %c0_i32_0 : i32, i32
  }
  func.func @transform_3(%arg0: i32) -> (i32, i32) {
    %c0_i32 = arith.constant 0 : i32
    %c0_i32_0 = arith.constant 0 : i32
    %c0_i32_1 = arith.constant 0 : i32
    return %c0_i32, %c0_i32_0 : i32, i32
  }
  func.func @transform_4(%arg0: i32) -> (i32, i32) {
    %c0_i32 = arith.constant 0 : i32
    %c0_i32_0 = arith.constant 0 : i32
    %c0_i32_1 = arith.constant 0 : i32
    return %c0_i32, %c0_i32_0 : i32, i32
  }
  func.func @transform_5(%arg0: i32) -> (i32, i32) {
    %c0_i32 = arith.constant 0 : i32
    %c0_i32_0 = arith.constant 0 : i32
    return %arg0, %c0_i32 : i32, i32
  }
  func.func @transform_6(%arg0: i32) -> (i32, i32) {
    %c0_i32 = arith.constant 0 : i32
    %c0_i32_0 = arith.constant 0 : i32
    return %arg0, %c0_i32 : i32, i32
  }
}

</mosaic_0001>

<sc_bundles>
// kernel: kernel.6.cloned.1.call-start
scs
__scs_entry_jumppad:
0x0: {  	(pc) =	sbr.rel $0x88, $3  }
0x1: {  	(tag) =	ssettag $0x0;
	lr =	simm.s32 $0x1  }
0x2: {  	[smem:$0x3F99] =	sst lr;
	_ =	strace $0xD0000000  }
0x3: {  	_ = 	snop  }
0x4: {  	_ = 	snop  }
0x5: {  	_ = 	snop  }
0x6: {  	_ = 	snop  }
0x7: {  	_ = 	snop  }
__scs_overlays_trampoline_lowered:
0x8: {  	[smem:$0x3FA8] =	sst s0  }
0x9: {  	[smem:$0x3FA9] =	sst s1  }
0xa: {  	[smem:$0x3FAA] =	sst s2  }
0xb: {  	[smem:$0x3FAB] =	sst s3  }
0xc: {  	[smem:$0x3FAC] =	sst s4  }
0xd: {  	[smem:$0x3FAD] =	sst s5  }
0xe: {  	[smem:$0x3FAE] =	sst s6  }
0xf: {  	[smem:$0x3FAF] =	sst s7  }
0x10: {  	[smem:$0x3FB0] =	sst s8  }
0x11: {  	[smem:$0x3FB1] =	sst s9;
	s0 =	simm.s32 @!p0 $0x0  }
0x12: {  	s1 =	sld [smem:$0x3F97];
	s0 =	simm.s32 @p0 $0x1  }
0x13: {  	[smem:$0x3FB2] =	sst s0;
	s0 =	simm.s32 @!p1 $0x0  }
0x14: {  	s2 =	sld [smem:$0x3F96];
	s0 =	simm.s32 @p1 $0x1  }
0x15: {  	[smem:$0x3FB3] =	sst s0;
	s0 =	simm.s32 @!p2 $0x0  }
0x16: {  	s3 =	sld [smem:$0x3FDB];
	s0 =	simm.s32 @p2 $0x1  }
0x17: {  	s4 =	simm.s32 $0x1BF5;
	[smem:$0x3FB5] =	sst s0  }
0x18: {  	s0 =	sld [smem:$0x3F98];
	_ =	swait.ge [sflag:s4], $0x0  }
0x19: {  	s7 =	sld [smem:$0x3F99]  }
0x1a: {  	s8 =	sadd.s32 $0xFFFFE003, lr  }
0x1b: {  	s9 =	sadd.s32 $0xFFFFFEF7, lr;
	s5 =	simm.s32 $0xFFFFFFFF;
	p2 =	slt.u32 s8, $0xFFFFF086  }
0x1c: {  	p1 =	slt.u32 s9, $0xF7A;
	s5 =	simm.s32 @!p2 $0x0  }
0x1d: {  	s5 =	simm.s32 @p1 $0x1;
	p0 =	seq.s32 s7, s2  }
0x1e: {  	s7 =	smul.u32 @!p0 $0xF7A, s2;
	p2 =	seq.s32 @!p0 s5, $0x0  }
0x1f: {  	s9 =	smul.u32 $0xF7A, s1;
	s8 =	simm.s32 @!p0 $0x1BF5;
	p2 =	por !p2, p0  }
0x20: {  	[sflag:s8] =	ssyncset.s32 @!p0 $0xFFFFF086;
	s6 =	sadd.s32 @!p0 s3, s7;
	s7 =	simm.s32 @!p0 $0x108  }
0x21: {  	s3 =	sadd.s32 s3, s9;
	s6 =	sadd.s32 @!p0 $0x88, s6;
	s7 =	simm.s32 @p2 $0x1082  }
0x22: {  	[simem:s7], [sflag:s8] =	dma.local @!p0 [hbm:s6], $0xF7A  }
0x23: {  	s9 =	sor.u32 $0xD0000000, s2;
	s6 =	simm.s32 $0x108;
	_ =	swait.ge @!p0 [sflag:s8], $0x0  }
0x24: {  	s3 =	sadd.s32 $0x88, s3;
	s6 =	simm.s32 @!p1 $0x1082;
	[sflag:s4] =	ssyncset.s32 $0xFFFFF086  }
0x25: {  	[simem:s6], [sflag:s4] =	dma.local [hbm:s3], $0xF7A  }
0x26: {  	[smem:$0x3F99] =	sst s1;
	(tag) =	ssettag s2;
	_ =	strace s9  }
0x27: {  	s1 =	sld [smem:$0x3FA9]  }
0x28: {  	s2 =	sld [smem:$0x3FAA]  }
0x29: {  	s4 =	sld [smem:$0x3FAC]  }
0x2a: {  	p0 =	seq.s32 s5, $0x0;
	s5 =	sld [smem:$0x3FAD]  }
0x2b: {  	s6 =	sld [smem:$0x3FAE]  }
0x2c: {  	s7 =	sld [smem:$0x3FAF]  }
0x2d: {  	s3 =	simm.s32 $0x108;
	s8 =	sld [smem:$0x3FB0]  }
0x2e: {  	s3 =	simm.s32 @!p0 $0x1082;
	s9 =	sld [smem:$0x3FB1]  }
0x2f: {  	lr =	sadd.s32 s0, s3;
	s0 =	sld [smem:$0x3FA8]  }
0x30: {  	s3 =	sld [smem:$0x3FAB]  }
0x31: {  	[smem:$0x3FB4] =	sst s10  }
0x32: {  	s10 =	sld [smem:$0x3FB2];
	_ =	sdelay $0x3  }
0x33: {  	p0 =	seq.s32 s10, $0x1;
	s10 =	sld [smem:$0x3FB4];
	_ =	sdelay $0x3  }
0x34: {  	[smem:$0x3FB4] =	sst s10  }
0x35: {  	s10 =	sld [smem:$0x3FB3];
	_ =	sdelay $0x3  }
0x36: {  	p1 =	seq.s32 s10, $0x1;
	s10 =	sld [smem:$0x3FB4];
	_ =	sdelay $0x3  }
0x37: {  	[smem:$0x3FB4] =	sst s10  }
0x38: {  	s10 =	sld [smem:$0x3FB5]  }
0x39: {  	_ = 	snop;
	(pc) =	sbr.ind lr, $3  }
0x3a: {  	_ = 	snop  }
0x3b: {  	_ = 	snop  }
0x3c: {  	p2 =	seq.s32 s10, $0x1;
	s10 =	sld [smem:$0x3FB4]  }
0x3d: {  	_ =	shalt  }
0x3e: {  	_ =	shalt  }
0x3f: {  	_ =	shalt  }
0x40: {  	_ =	shalt  }
0x41: {  	_ =	shalt  }
0x42: {  	_ =	shalt  }
0x43: {  	_ =	shalt  }
0x44: {  	_ =	shalt  }
0x45: {  	_ =	shalt  }
0x46: {  	_ =	shalt  }
0x47: {  	_ =	shalt  }
0x48: {  	_ =	shalt  }
0x49: {  	_ =	shalt  }
0x4a: {  	_ =	shalt  }
0x4b: {  	_ =	shalt  }
0x4c: {  	_ =	shalt  }
0x4d: {  	_ =	shalt  }
0x4e: {  	_ =	shalt  }
0x4f: {  	_ =	shalt  }
0x50: {  	_ =	shalt  }
0x51: {  	_ =	shalt  }
0x52: {  	_ =	shalt  }
0x53: {  	_ =	shalt  }
0x54: {  	_ =	shalt  }
0x55: {  	_ =	shalt  }
0x56: {  	_ =	shalt  }
0x57: {  	_ =	shalt  }
0x58: {  	_ =	shalt  }
0x59: {  	_ =	shalt  }
0x5a: {  	_ =	shalt  }
0x5b: {  	_ =	shalt  }
0x5c: {  	_ =	shalt  }
0x5d: {  	_ =	shalt  }
0x5e: {  	_ =	shalt  }
0x5f: {  	_ =	shalt  }
0x60: {  	_ =	shalt  }
0x61: {  	_ =	shalt  }
0x62: {  	_ =	shalt  }
0x63: {  	_ =	shalt  }
0x64: {  	_ =	shalt  }
0x65: {  	_ =	shalt  }
0x66: {  	_ =	shalt  }
0x67: {  	_ =	shalt  }
0x68: {  	_ =	shalt  }
0x69: {  	_ =	shalt  }
0x6a: {  	_ =	shalt  }
0x6b: {  	_ =	shalt  }
0x6c: {  	_ =	shalt  }
0x6d: {  	_ =	shalt  }
0x6e: {  	_ =	shalt  }
0x6f: {  	_ =	shalt  }
0x70: {  	_ =	shalt  }
0x71: {  	_ =	shalt  }
0x72: {  	_ =	shalt  }
0x73: {  	_ =	shalt  }
0x74: {  	_ =	shalt  }
0x75: {  	_ =	shalt  }
0x76: {  	_ =	shalt  }
0x77: {  	_ =	shalt  }
0x78: {  	_ =	shalt  }
0x79: {  	_ =	shalt  }
0x7a: {  	_ =	shalt  }
0x7b: {  	_ =	shalt  }
0x7c: {  	_ =	shalt  }
0x7d: {  	_ =	shalt  }
0x7e: {  	_ =	shalt  }
0x7f: {  	_ =	shalt  }
0x80: {  	_ =	shalt  }
0x81: {  	_ =	shalt  }
0x82: {  	_ =	shalt  }
0x83: {  	_ =	shalt  }
0x84: {  	_ =	shalt  }
0x85: {  	_ =	shalt  }
0x86: {  	_ =	shalt  }
0x87: {  	_ =	shalt  }
.Lfunc_end0:
.L_simem_size_0:
called_computation_lowered:
.L_overlay_start_0:
0x88: {  	s2 =	sld [smem:$0x3FD9]  }
0x89: {  	s3 =	sld [smem:$0x3FFE];
	_ =	sdelay $0x1  }
0x8a: {  	s1 =	srdreg.scid  }
0x8b: {  	s0 =	sand.u32 $0x1, s1  }
0x8c: {  	s17 =	sshll.u32 s0, $0xA;
	s2 =	sadd.s32 s3, s2  }
0x8d: {  	s2 =	sadd.s32 s2, s17  }
0x8e: {  	[smem:$0x3FC0] =	sst s2  }
0x8f: {  	_ = 	snop  }
0x90: {  	s2 =	sld [smem:$0x3FC9]  }
0x91: {  	s18 =	sld [smem:$0x3FD0];
	(tm) =	ssettm $0x1  }
0x92: {  	s4 =	sld [smem:$0x3FFB];
	_ =	sdelay $0x3  }
0x93: {  	_ =	strace s4  }
0x94: {  	s4 =	sld [smem:$0x3FFC];
	_ =	sdelay $0x3  }
0x95: {  	_ =	strace s4  }
0x96: {  	s4 =	sld [smem:$0x3FFD];
	_ =	sdelay $0x3  }
0x97: {  	_ =	strace s4  }
0x98: {  	_ =	strace $0x8FFFFFFF  }
0x99: {  	s19 =	sld [smem:$0x3FDB];
	_ =	sdelay $0x1  }
0x9a: {  	s5 =	simm.s32 $_scs_section_size  }
0x9b: {  	s6 =	simm.s32 $_size__tile_overlayer_lowered;
	s7 =	simm.s32 $_tile_overlayer_lowered  }
0x9c: {  	s22 =	simm.s32 $0x1BFF;
	s21 =	sshll.u32 s7, $0x1;
	s4 =	sadd.s32 s5, s19  }
0x9d: {  	s8 =	simm.s32 $0x0;
	s20 =	sshll.u32 s6, $0x1;
	s6 =	sadd.s32 s21, s4  }
0x9e: {  	[timem:s8], [sflag:s22] =	dma.local [hbm:s6], s20  }
0x9f: {  	_ =	swait.ge [sflag:s22], s20  }
0xa0: {  	s5 =	ssub.s32 $0x0, s20;
	[sflag:s22] =	ssyncset.done $0x0  }
0xa1: {  	[sflag:s22] =	ssyncadd.s32 s5;
	_ =	sdelay $0x1  }
0xa2: {  	s23 =	simm.s32 $0x1B8B  }
0xa3: {  	_ =	swait.ge [sflag:s23], $0x1  }
0xa4: {  	[sflag:s23] =	ssyncset.done $0x0  }
0xa5: {  	s25 =	simm.s32 $0x1B8E;
	s24 =	sld [smem:$0x3FFE];
	[sflag:s23] =	ssyncadd.s32 $0xFFFFFFFF  }
0xa6: {  	s26 =	simm.s32 $execute0_lowered;
	[smem:$0x3FD2] =	sst s25  }
0xa7: {  	s6 =	sshll.u32 s26, $0x1;
	_ =	strace $0x80000046;
	[dreg:$0x1] =	wrdreg $0xFFFFFFFF  }
0xa8: {  	s28 =	simm.s32 $_size_execute0_lowered;
	s4 =	sadd.s32 s4, s6;
	[dreg:$0x0] =	wrdreg $0x0  }
0xa9: {  	s6 =	sshll.u32 s28, $0x1;
	[dreg:$0x2] =	wrdreg s4  }
0xaa: {  	[dreg:$0x3] =	wrdreg s6  }
0xab: {  	[dreg:$0x4] =	wrdreg $0xC0  }
0xac: {  	_ =	task [dreg:s8], $0x5FFFF  }
0xad: {  	[dreg:$0x1] =	wrdreg $0xFFFFFFFF  }
0xae: {  	[dreg:$0x0] =	wrdreg $0x60  }
0xaf: {  	[dreg:$0x2] =	wrdreg s2  }
0xb0: {  	[dreg:$0x3] =	wrdreg s24  }
0xb1: {  	[dreg:$0x4] =	wrdreg s18  }
0xb2: {  	[dreg:$0x5] =	wrdreg $0x94000  }
0xb3: {  	[dreg:$0x6] =	wrdreg $0x9  }
0xb4: {  	_ =	task.clear_ibuf [dreg:s8], $0x7FFFF;
	_ =	strace $0x90000046  }
0xb5: {  	s29 =	simm.s32 $0x9;
	_ =	strace $0x80000048  }
0xb6: {  	_ =	swait.ge [sflag:s29], $0x1  }
0xb7: {  	[sflag:s29] =	ssyncadd.s32 $0xFFFFFFFF  }
0xb8: {  	_ =	strace $0x90000048  }
0xb9: {  	_ =	sfence  }
0xba: {  	s30 =	sld [smem:$0x0];
	_ =	sdelay $0x2  }
0xbb: {  	s31 =	sshll.u32 s1, $0xD;
	s1 =	sshrl.u32 s1, $0x2  }
0xbc: {  	s3 =	sand.u32 $0x4000, s31;
	s1 =	sadd.s32 s1, s30  }
0xbd: {  	s0 =	sor.u32 s3, s0;
	s1 =	sshll.u32 s1, $0x11  }
0xbe: {  	s0 =	sor.u32 s1, s0  }
0xbf: {  	s0 =	sadd.s32 $0x8F2B, s0  }
0xc0: {  	[sflag:s0] =	ssyncadd.remote.s32 $0x1  }
0xc1: {  	_ =	sfence.sel $0xFFFF  }
0xc2: {  	[dreg:$0x0] =	wrdreg $0xFFFFFFFF;
	(pc) =	sbr.abs _section_cstart, $3  }
0xc3: {  	[dreg:$0x1] =	wrdreg $0xFFFFFFFF  }
0xc4: {  	_ =	task.clear_ibuf [dreg:s8], $0x2FFFF;
	_ =	strace $0x9FFFFFFF  }
0xc5: {  	(tm) =	ssettm $0x7FFFFFFF  }
tec
execute0_lowered:
.L_overlay_start_1:
0x0: {  	(tag) =	ssettag $0x1  }
0x1: {  	s1 =	rddreg [dreg:$0x0]  }
0x2: {  	s5 =	rddreg [dreg:$0x1]  }
0x3: {  	s9 =	rddreg [dreg:$0x2]  }
0x4: {  	s3 =	rddreg [dreg:$0x3]  }
0x5: {  	s2 =	srdreg.scid;
	s4 =	simm.s32 $0x0;
	s17 =	simm.s32 $0x80  }
0x6: {  	s18 =	simm.s32 $0x1000;
	s19 =	simm.s32 $0x5000;
	s20 =	simm.s32 $0x2  }
0x7: {  	s21 =	simm.s32 $0x1D400;
	s22 =	simm.s32 $0x4;
	s6 =	sand.u32 $0x1, s2  }
0x8: {  	s23 =	simm.s32 $0x3;
	s2 =	stileid.u32;
	s7 =	smul.u32 $0x140000, s6  }
0x9: {  	[smem:$0x7FF] =	sst s4;
	s12 =	sadd.s32 $0x2800, s5;
	s10 =	smul.u32 $0x14000, s2  }
0xa: {  	s15 =	sadd.s32 $0xC800, s5;
	s8 =	sshll.u32 s6, $0x4;
	s24 =	smul.u32 $0x50000, s2  }
0xb: {  	_ =	strace $0x80000047;
	s25 =	ssub.s32 $0x2, s6;
	s6 =	smul.u32 $0xA0, s6  }
0xc: {  	s14 =	smul.u32 $0xA, s2;
	s8 =	sor.u32 s2, s8;
	s13 =	sshrl.u32 s25, $0x1  }
0xd: {  	s11 =	smul.u32 $0x500, s8;
	s7 =	sadd.s32 s10, s7;
	s10 =	ssub.s32 s25, s13  }
0xe: {  	s26 =	sshrl.u32 s24, $0x2;
	s28 =	sadd.s32 s14, s6;
	s14 =	simm.s32 $0x9000  }
0xf: {  	s24 =	simm.s32 $0x5;
	s25 =	simm.s32 $0x7;
	s7 =	sshrl.u32 s7, $0x3  }
0x10: {  	s29 =	sshll.u32 s28, $0x7;
	s10 =	smax.u32 s10, $0x1;
	s16 =	sadd.s32 s7, s5  }
0x11: {  	s5 =	sadd.s32 s12, s11;
	s6 =	sadd.s32 s15, s11;
	s7 =	sadd.s32 s26, s3  }
0x12: {  	s9 =	sadd.s32 s9, s11;
	s30 =	sadd.s32 s29, s12;
	s31 =	sadd.s32 s29, s15  }
0x13: {  	s15 =	simm.s32 $0x6;
	s26 =	simm.s32 $0x0;
	s8 =	sadd.s32 $0x16800, s16  }
0x14: {  	v0 =	vimm.f32 $0.0e+00;
	v1 =	vimm.f32 $1.000000000e+00;
	s11 =	sadd.s32 $0x80, s30;
	s12 =	sadd.s32 $0x80, s31;
	s16 =	simm.s32 $0x1  }
.LBB2_1:
0x15: {  	[tilespmem:s4], [sflag:$0x1] =	stream.linear.gather [hbm4b:s5+s4], $0x400, $0x38;
	[tilespmem:$0x1FC00] =	vst v63  }
0x16: {  	s0 =	simm.s32 $0x800  }
0x17: {  	[tilespmem:s0], [sflag:$0x1] =	stream.linear.gather [hbm4b:s6+s4], $0x400, $0x38;
	[tilespmem:$0x1FC00] =	vst v63  }
0x18: {  	[tilespmem:$0x9000] =	vst v0  }
0x19: {  	[tilespmem:$0x9010] =	vst v0  }
0x1a: {  	[tilespmem:$0x9020] =	vst v0  }
0x1b: {  	[tilespmem:$0x9030] =	vst v0  }
0x1c: {  	[tilespmem:$0x9040] =	vst v0  }
0x1d: {  	[tilespmem:$0x9050] =	vst v0  }
0x1e: {  	[tilespmem:$0x9060] =	vst v0  }
0x1f: {  	[tilespmem:$0x9070] =	vst v0  }
0x20: {  	[tilespmem:$0x9080] =	vst v0  }
0x21: {  	[tilespmem:$0x9090] =	vst v0  }
0x22: {  	[tilespmem:$0x90A0] =	vst v0  }
0x23: {  	[tilespmem:$0x90B0] =	vst v0  }
0x24: {  	[tilespmem:$0x90C0] =	vst v0  }
0x25: {  	[tilespmem:$0x90D0] =	vst v0  }
0x26: {  	[tilespmem:$0x90E0] =	vst v0  }
0x27: {  	[tilespmem:$0x90F0] =	vst v0  }
0x28: {  	[tilespmem:$0x9100] =	vst v0  }
0x29: {  	[tilespmem:$0x9110] =	vst v0  }
0x2a: {  	[tilespmem:$0x9120] =	vst v0  }
0x2b: {  	[tilespmem:$0x9130] =	vst v0  }
0x2c: {  	[tilespmem:$0x9140] =	vst v0  }
0x2d: {  	[tilespmem:$0x9150] =	vst v0  }
0x2e: {  	[tilespmem:$0x9160] =	vst v0  }
0x2f: {  	[tilespmem:$0x9170] =	vst v0  }
0x30: {  	[tilespmem:$0x9180] =	vst v0  }
0x31: {  	[tilespmem:$0x9190] =	vst v0  }
0x32: {  	[tilespmem:$0x91A0] =	vst v0  }
0x33: {  	[tilespmem:$0x91B0] =	vst v0  }
0x34: {  	[tilespmem:$0x91C0] =	vst v0  }
0x35: {  	[tilespmem:$0x91D0] =	vst v0  }
0x36: {  	[tilespmem:$0x91E0] =	vst v0  }
0x37: {  	[tilespmem:$0x91F0] =	vst v0  }
0x38: {  	[tilespmem:$0x9200] =	vst v0  }
0x39: {  	[tilespmem:$0x9210] =	vst v0  }
0x3a: {  	[tilespmem:$0x9220] =	vst v0  }
0x3b: {  	[tilespmem:$0x9230] =	vst v0  }
0x3c: {  	[tilespmem:$0x9240] =	vst v0  }
0x3d: {  	[tilespmem:$0x9250] =	vst v0  }
0x3e: {  	[tilespmem:$0x9260] =	vst v0  }
0x3f: {  	[tilespmem:$0x9270] =	vst v0  }
0x40: {  	[tilespmem:$0x9280] =	vst v0  }
0x41: {  	[tilespmem:$0x9290] =	vst v0  }
0x42: {  	[tilespmem:$0x92A0] =	vst v0  }
0x43: {  	[tilespmem:$0x92B0] =	vst v0  }
0x44: {  	[tilespmem:$0x92C0] =	vst v0  }
0x45: {  	[tilespmem:$0x92D0] =	vst v0  }
0x46: {  	[tilespmem:$0x92E0] =	vst v0  }
0x47: {  	[tilespmem:$0x92F0] =	vst v0  }
0x48: {  	[tilespmem:$0x9300] =	vst v0  }
0x49: {  	[tilespmem:$0x9310] =	vst v0  }
0x4a: {  	[tilespmem:$0x9320] =	vst v0  }
0x4b: {  	[tilespmem:$0x9330] =	vst v0  }
0x4c: {  	[tilespmem:$0x9340] =	vst v0  }
0x4d: {  	[tilespmem:$0x9350] =	vst v0  }
0x4e: {  	[tilespmem:$0x9360] =	vst v0  }
0x4f: {  	[tilespmem:$0x9370] =	vst v0  }
0x50: {  	[tilespmem:$0x9380] =	vst v0  }
0x51: {  	[tilespmem:$0x9390] =	vst v0  }
0x52: {  	[tilespmem:$0x93A0] =	vst v0  }
0x53: {  	[tilespmem:$0x93B0] =	vst v0  }
0x54: {  	[tilespmem:$0x93C0] =	vst v0  }
0x55: {  	[tilespmem:$0x93D0] =	vst v0  }
0x56: {  	[tilespmem:$0x93E0] =	vst v0  }
0x57: {  	s28 =	simm.s32 $0x0;
	[tilespmem:$0x93F0] =	vst v0  }
.LBB2_2:
0x58: {  	p0 =	sne.s32 s28, $0x4F000  }
.Ltmp0:
0x59: {  	_ = 	snop;
	(pc) =	sbr.rel @p0 .LBB2_2-.Ltmp0, $4  }
0x5a: {  	_ = 	snop  }
0x5b: {  	s29 =	sshra.s32 s28, $0x2  }
0x5c: {  	s28 =	sadd.s32 $0x1000, s28;
	s29 =	sadd.s32 s29, s7  }
0x5d: {  	[spmem:s29] =	stream.linear.scatter [tilespmem:s14], [sflag:$0x6], $0x400, $0x38;
	[tilespmem:$0x1FC00] =	vst v63  }
0x5e: {  	s28 =	simm.s32 $0x50  }
.LBB2_4:
0x5f: {  	p0 =	sne.s32 s28, $0x1  }
.Ltmp1:
0x60: {  	_ = 	snop;
	(pc) =	sbr.rel @p0 .LBB2_4-.Ltmp1, $4  }
0x61: {  	_ = 	snop  }
0x62: {  	_ =	swait.ge [sflag:s15], $0x400  }
0x63: {  	[sflag:s15] =	ssyncset.done $0x0  }
0x64: {  	s28 =	sadd.s32 $0xFFFFFFFF, s28;
	[sflag:s15] =	ssyncadd.s32 $0xFFFFFC00  }
0x65: {  	s28 =	simm.s32 $0x40;
	s29 =	simm.s32 $0x0  }
.LBB2_6:
0x66: {  	p0 =	sne.s32 s28, $0x9FC0;
	[tilespmem:s29+$0x1D400] =	vst v0;
	s29 =	smov.u32 s28;
	s28 =	sadd.s32 $0x40, s28  }
.Ltmp2:
0x67: {  	(pc) =	sbr.rel @p0 .LBB2_6-.Ltmp2, $2  }
0x68: {  	_ =	sdelay $0x2  }
0x69: {  	s29 =	sshra.s32 s29, $0x2  }
0x6a: {  	[tilespmem:s29+$0x1D400] =	vst v0;
	s28 =	simm.s32 $0x0  }
0x6b: {  	s29 =	smov.u32 s12;
	s30 =	smov.u32 s11;
	[bflag:$0x0] =	sbarrier.arrive $0xFFFF  }
.LBB2_8:
0x6c: {  	_ =	swait.ge [sflag:s16], $0x400  }
0x6d: {  	[sflag:s16] =	ssyncset.done $0x0  }
0x6e: {  	[sflag:s16] =	ssyncadd.s32 $0xFFFFFC00  }
0x6f: {  	p0 =	seq.s32 s28, $0x2400;
	_ =	swait.ge [sflag:s16], $0x400  }
0x70: {  	s31 =	sand.u32 @!p0 $0x400, s28;
	[sflag:s16] =	ssyncset.done $0x0  }
0x71: {  	s13 =	simm.s32 @!p0 $0x0;
	s0 =	sxor.u32 @!p0 $0x400, s31;
	[sflag:s16] =	ssyncadd.s32 $0xFFFFFC00  }
0x72: {  	[tilespmem:s0], [sflag:$0x1] =	stream.linear.gather @!p0 [hbm4b:s30+s13], $0x400, $0x38;
	[tilespmem:$0x1FC00] =	vst v63  }
0x73: {  	s0 =	sor.u32 @!p0 $0x800, s0  }
0x74: {  	[tilespmem:s0], [sflag:$0x1] =	stream.linear.gather @!p0 [hbm4b:s29+s13], $0x400, $0x38;
	[tilespmem:$0x1FC00] =	vst v63  }
0x75: {  	s31 =	simm.s32 @p0 $0x400  }
0x76: {  	[tilespmem:s18], [sflag:$0x2] =	stream.indirect.gather [hbm4b:s1+s17], $0x80, s31, s17, $0xb8;
	[tilespmem:$0x1FC00] =	vst v63  }
0x77: {  	s13 =	sor.u32 $0x80, s31  }
0x78: {  	[tilespmem:s19], [sflag:$0x3] =	stream.indirect.gather [hbm4b:s1+s17], $0x80, s13, s17, $0xb8;
	[tilespmem:$0x1FC00] =	vst v63  }
0x79: {  	_ =	swait.ge [sflag:s20], $0x4000  }
0x7a: {  	[sflag:s20] =	ssyncset.done $0x0  }
0x7b: {  	s13 =	sor.u32 $0x800, s31;
	[sflag:s20] =	ssyncadd.s32 $0xFFFFC000  }
0x7c: {  	[spmem:s3] =	stream.indirect.scatter.add.f32 [tilespmem:s18], [sflag:$0x4], $0x80, s13, s17, $0xb8;
	[tilespmem:$0x1FC00] =	vst v63  }
0x7d: {  	v2 =	vld [tilespmem:s31+$0x800];
	_ =	sdelay $0x7  }
0x7e: {  	[tilespmem:v2+s21+$0x0] =	vst.idx.add.f32.msk $0xffff, v1  }
0x7f: {  	v2 =	vld [tilespmem:s31+$0x810];
	_ =	sdelay $0x7  }
0x80: {  	[tilespmem:v2+s21+$0x0] =	vst.idx.add.f32.msk $0xffff, v1  }
0x81: {  	v2 =	vld [tilespmem:s31+$0x820];
	_ =	sdelay $0x7  }
0x82: {  	[tilespmem:v2+s21+$0x0] =	vst.idx.add.f32.msk $0xffff, v1  }
0x83: {  	v2 =	vld [tilespmem:s31+$0x830];
	_ =	sdelay $0x7  }
0x84: {  	[tilespmem:v2+s21+$0x0] =	vst.idx.add.f32.msk $0xffff, v1  }
0x85: {  	v2 =	vld [tilespmem:s31+$0x840];
	_ =	sdelay $0x7  }
0x86: {  	[tilespmem:v2+s21+$0x0] =	vst.idx.add.f32.msk $0xffff, v1  }
0x87: {  	v2 =	vld [tilespmem:s31+$0x850];
	_ =	sdelay $0x7  }
0x88: {  	[tilespmem:v2+s21+$0x0] =	vst.idx.add.f32.msk $0xffff, v1  }
0x89: {  	v2 =	vld [tilespmem:s31+$0x860];
	_ =	sdelay $0x7  }
0x8a: {  	[tilespmem:v2+s21+$0x0] =	vst.idx.add.f32.msk $0xffff, v1  }
0x8b: {  	v2 =	vld [tilespmem:s31+$0x870];
	_ =	sdelay $0x7  }
0x8c: {  	[tilespmem:v2+s21+$0x0] =	vst.idx.add.f32.msk $0xffff, v1  }
0x8d: {  	_ =	swait.ge [sflag:s22], $0x4000  }
0x8e: {  	[sflag:s22] =	ssyncset.done $0x0  }
0x8f: {  	s13 =	sor.u32 $0x100, s31;
	[sflag:s22] =	ssyncadd.s32 $0xFFFFC000  }
0x90: {  	[tilespmem:s18], [sflag:$0x2] =	stream.indirect.gather [hbm4b:s1+s17], $0x80, s13, s17, $0xb8;
	[tilespmem:$0x1FC00] =	vst v63  }
0x91: {  	_ =	swait.ge [sflag:s23], $0x4000  }
0x92: {  	[sflag:s23] =	ssyncset.done $0x0  }
0x93: {  	s13 =	sor.u32 $0x880, s31;
	[sflag:s23] =	ssyncadd.s32 $0xFFFFC000  }
0x94: {  	[spmem:s3] =	stream.indirect.scatter.add.f32 [tilespmem:s19], [sflag:$0x5], $0x80, s13, s17, $0xb8;
	[tilespmem:$0x1FC00] =	vst v63  }
0x95: {  	v2 =	vld [tilespmem:s13+$0x0];
	_ =	sdelay $0x7  }
0x96: {  	[tilespmem:v2+s21+$0x0] =	vst.idx.add.f32.msk $0xffff, v1  }
0x97: {  	v2 =	vld [tilespmem:s31+$0x890];
	_ =	sdelay $0x7  }
0x98: {  	[tilespmem:v2+s21+$0x0] =	vst.idx.add.f32.msk $0xffff, v1  }
0x99: {  	v2 =	vld [tilespmem:s31+$0x8A0];
	_ =	sdelay $0x7  }
0x9a: {  	[tilespmem:v2+s21+$0x0] =	vst.idx.add.f32.msk $0xffff, v1  }
0x9b: {  	v2 =	vld [tilespmem:s31+$0x8B0];
	_ =	sdelay $0x7  }
0x9c: {  	[tilespmem:v2+s21+$0x0] =	vst.idx.add.f32.msk $0xffff, v1  }
0x9d: {  	v2 =	vld [tilespmem:s31+$0x8C0];
	_ =	sdelay $0x7  }
0x9e: {  	[tilespmem:v2+s21+$0x0] =	vst.idx.add.f32.msk $0xffff, v1  }
0x9f: {  	v2 =	vld [tilespmem:s31+$0x8D0];
	_ =	sdelay $0x7  }
0xa0: {  	[tilespmem:v2+s21+$0x0] =	vst.idx.add.f32.msk $0xffff, v1  }
0xa1: {  	v2 =	vld [tilespmem:s31+$0x8E0];
	_ =	sdelay $0x7  }
0xa2: {  	[tilespmem:v2+s21+$0x0] =	vst.idx.add.f32.msk $0xffff, v1  }
0xa3: {  	v2 =	vld [tilespmem:s31+$0x8F0];
	_ =	sdelay $0x7  }
0xa4: {  	[tilespmem:v2+s21+$0x0] =	vst.idx.add.f32.msk $0xffff, v1  }
0xa5: {  	_ =	swait.ge [sflag:s24], $0x4000  }
0xa6: {  	[sflag:s24] =	ssyncset.done $0x0  }
0xa7: {  	s13 =	sor.u32 $0x180, s31;
	[sflag:s24] =	ssyncadd.s32 $0xFFFFC000  }
0xa8: {  	[tilespmem:s19], [sflag:$0x3] =	stream.indirect.gather [hbm4b:s1+s17], $0x80, s13, s17, $0xb8;
	[tilespmem:$0x1FC00] =	vst v63  }
0xa9: {  	_ =	swait.ge [sflag:s20], $0x4000  }
0xaa: {  	[sflag:s20] =	ssyncset.done $0x0  }
0xab: {  	s13 =	sor.u32 $0x900, s31;
	[sflag:s20] =	ssyncadd.s32 $0xFFFFC000  }
0xac: {  	[spmem:s3] =	stream.indirect.scatter.add.f32 [tilespmem:s18], [sflag:$0x4], $0x80, s13, s17, $0xb8;
	[tilespmem:$0x1FC00] =	vst v63  }
0xad: {  	v2 =	vld [tilespmem:s13+$0x0];
	_ =	sdelay $0x7  }
0xae: {  	[tilespmem:v2+s21+$0x0] =	vst.idx.add.f32.msk $0xffff, v1  }
0xaf: {  	v2 =	vld [tilespmem:s31+$0x910];
	_ =	sdelay $0x7  }
0xb0: {  	[tilespmem:v2+s21+$0x0] =	vst.idx.add.f32.msk $0xffff, v1  }
0xb1: {  	v2 =	vld [tilespmem:s31+$0x920];
	_ =	sdelay $0x7  }
0xb2: {  	[tilespmem:v2+s21+$0x0] =	vst.idx.add.f32.msk $0xffff, v1  }
0xb3: {  	v2 =	vld [tilespmem:s31+$0x930];
	_ =	sdelay $0x7  }
0xb4: {  	[tilespmem:v2+s21+$0x0] =	vst.idx.add.f32.msk $0xffff, v1  }
0xb5: {  	v2 =	vld [tilespmem:s31+$0x940];
	_ =	sdelay $0x7  }
0xb6: {  	[tilespmem:v2+s21+$0x0] =	vst.idx.add.f32.msk $0xffff, v1  }
0xb7: {  	v2 =	vld [tilespmem:s31+$0x950];
	_ =	sdelay $0x7  }
0xb8: {  	[tilespmem:v2+s21+$0x0] =	vst.idx.add.f32.msk $0xffff, v1  }
0xb9: {  	v2 =	vld [tilespmem:s31+$0x960];
	_ =	sdelay $0x7  }
0xba: {  	[tilespmem:v2+s21+$0x0] =	vst.idx.add.f32.msk $0xffff, v1  }
0xbb: {  	v2 =	vld [tilespmem:s31+$0x970];
	_ =	sdelay $0x7  }
0xbc: {  	[tilespmem:v2+s21+$0x0] =	vst.idx.add.f32.msk $0xffff, v1  }
0xbd: {  	_ =	swait.ge [sflag:s22], $0x4000  }
0xbe: {  	[sflag:s22] =	ssyncset.done $0x0  }
0xbf: {  	s13 =	sor.u32 $0x200, s31;
	[sflag:s22] =	ssyncadd.s32 $0xFFFFC000  }
0xc0: {  	[tilespmem:s18], [sflag:$0x2] =	stream.indirect.gather [hbm4b:s1+s17], $0x80, s13, s17, $0xb8;
	[tilespmem:$0x1FC00] =	vst v63  }
0xc1: {  	_ =	swait.ge [sflag:s23], $0x4000  }
0xc2: {  	[sflag:s23] =	ssyncset.done $0x0  }
0xc3: {  	s13 =	sor.u32 $0x980, s31;
	[sflag:s23] =	ssyncadd.s32 $0xFFFFC000  }
0xc4: {  	[spmem:s3] =	stream.indirect.scatter.add.f32 [tilespmem:s19], [sflag:$0x5], $0x80, s13, s17, $0xb8;
	[tilespmem:$0x1FC00] =	vst v63  }
0xc5: {  	v2 =	vld [tilespmem:s13+$0x0];
	_ =	sdelay $0x7  }
0xc6: {  	[tilespmem:v2+s21+$0x0] =	vst.idx.add.f32.msk $0xffff, v1  }
0xc7: {  	v2 =	vld [tilespmem:s31+$0x990];
	_ =	sdelay $0x7  }
0xc8: {  	[tilespmem:v2+s21+$0x0] =	vst.idx.add.f32.msk $0xffff, v1  }
0xc9: {  	v2 =	vld [tilespmem:s31+$0x9A0];
	_ =	sdelay $0x7  }
0xca: {  	[tilespmem:v2+s21+$0x0] =	vst.idx.add.f32.msk $0xffff, v1  }
0xcb: {  	v2 =	vld [tilespmem:s31+$0x9B0];
	_ =	sdelay $0x7  }
0xcc: {  	[tilespmem:v2+s21+$0x0] =	vst.idx.add.f32.msk $0xffff, v1  }
0xcd: {  	v2 =	vld [tilespmem:s31+$0x9C0];
	_ =	sdelay $0x7  }
0xce: {  	[tilespmem:v2+s21+$0x0] =	vst.idx.add.f32.msk $0xffff, v1  }
0xcf: {  	v2 =	vld [tilespmem:s31+$0x9D0];
	_ =	sdelay $0x7  }
0xd0: {  	[tilespmem:v2+s21+$0x0] =	vst.idx.add.f32.msk $0xffff, v1  }
0xd1: {  	v2 =	vld [tilespmem:s31+$0x9E0];
	_ =	sdelay $0x7  }
0xd2: {  	[tilespmem:v2+s21+$0x0] =	vst.idx.add.f32.msk $0xffff, v1  }
0xd3: {  	v2 =	vld [tilespmem:s31+$0x9F0];
	_ =	sdelay $0x7  }
0xd4: {  	[tilespmem:v2+s21+$0x0] =	vst.idx.add.f32.msk $0xffff, v1  }
0xd5: {  	_ =	swait.ge [sflag:s24], $0x4000  }
0xd6: {  	[sflag:s24] =	ssyncset.done $0x0  }
0xd7: {  	s13 =	sor.u32 $0x280, s31;
	[sflag:s24] =	ssyncadd.s32 $0xFFFFC000  }
0xd8: {  	[tilespmem:s19], [sflag:$0x3] =	stream.indirect.gather [hbm4b:s1+s17], $0x80, s13, s17, $0xb8;
	[tilespmem:$0x1FC00] =	vst v63  }
0xd9: {  	_ =	swait.ge [sflag:s20], $0x4000  }
0xda: {  	[sflag:s20] =	ssyncset.done $0x0  }
0xdb: {  	s13 =	sor.u32 $0xA00, s31;
	[sflag:s20] =	ssyncadd.s32 $0xFFFFC000  }
0xdc: {  	[spmem:s3] =	stream.indirect.scatter.add.f32 [tilespmem:s18], [sflag:$0x4], $0x80, s13, s17, $0xb8;
	[tilespmem:$0x1FC00] =	vst v63  }
0xdd: {  	v2 =	vld [tilespmem:s13+$0x0];
	_ =	sdelay $0x7  }
0xde: {  	[tilespmem:v2+s21+$0x0] =	vst.idx.add.f32.msk $0xffff, v1  }
0xdf: {  	v2 =	vld [tilespmem:s31+$0xA10];
	_ =	sdelay $0x7  }
0xe0: {  	[tilespmem:v2+s21+$0x0] =	vst.idx.add.f32.msk $0xffff, v1  }
0xe1: {  	v2 =	vld [tilespmem:s31+$0xA20];
	_ =	sdelay $0x7  }
0xe2: {  	[tilespmem:v2+s21+$0x0] =	vst.idx.add.f32.msk $0xffff, v1  }
0xe3: {  	v2 =	vld [tilespmem:s31+$0xA30];
	_ =	sdelay $0x7  }
0xe4: {  	[tilespmem:v2+s21+$0x0] =	vst.idx.add.f32.msk $0xffff, v1  }
0xe5: {  	v2 =	vld [tilespmem:s31+$0xA40];
	_ =	sdelay $0x7  }
0xe6: {  	[tilespmem:v2+s21+$0x0] =	vst.idx.add.f32.msk $0xffff, v1  }
0xe7: {  	v2 =	vld [tilespmem:s31+$0xA50];
	_ =	sdelay $0x7  }
0xe8: {  	[tilespmem:v2+s21+$0x0] =	vst.idx.add.f32.msk $0xffff, v1  }
0xe9: {  	v2 =	vld [tilespmem:s31+$0xA60];
	_ =	sdelay $0x7  }
0xea: {  	[tilespmem:v2+s21+$0x0] =	vst.idx.add.f32.msk $0xffff, v1  }
0xeb: {  	v2 =	vld [tilespmem:s31+$0xA70];
	_ =	sdelay $0x7  }
0xec: {  	[tilespmem:v2+s21+$0x0] =	vst.idx.add.f32.msk $0xffff, v1  }
0xed: {  	_ =	swait.ge [sflag:s22], $0x4000  }
0xee: {  	[sflag:s22] =	ssyncset.done $0x0  }
0xef: {  	s13 =	sor.u32 $0x300, s31;
	[sflag:s22] =	ssyncadd.s32 $0xFFFFC000  }
0xf0: {  	[tilespmem:s18], [sflag:$0x2] =	stream.indirect.gather [hbm4b:s1+s17], $0x80, s13, s17, $0xb8;
	[tilespmem:$0x1FC00] =	vst v63  }
0xf1: {  	_ =	swait.ge [sflag:s23], $0x4000  }
0xf2: {  	[sflag:s23] =	ssyncset.done $0x0  }
0xf3: {  	s13 =	sor.u32 $0xA80, s31;
	[sflag:s23] =	ssyncadd.s32 $0xFFFFC000  }
0xf4: {  	[spmem:s3] =	stream.indirect.scatter.add.f32 [tilespmem:s19], [sflag:$0x5], $0x80, s13, s17, $0xb8;
	[tilespmem:$0x1FC00] =	vst v63  }
0xf5: {  	v2 =	vld [tilespmem:s13+$0x0];
	_ =	sdelay $0x7  }
0xf6: {  	[tilespmem:v2+s21+$0x0] =	vst.idx.add.f32.msk $0xffff, v1  }
0xf7: {  	v2 =	vld [tilespmem:s31+$0xA90];
	_ =	sdelay $0x7  }
0xf8: {  	[tilespmem:v2+s21+$0x0] =	vst.idx.add.f32.msk $0xffff, v1  }
0xf9: {  	v2 =	vld [tilespmem:s31+$0xAA0];
	_ =	sdelay $0x7  }
0xfa: {  	[tilespmem:v2+s21+$0x0] =	vst.idx.add.f32.msk $0xffff, v1  }
0xfb: {  	v2 =	vld [tilespmem:s31+$0xAB0];
	_ =	sdelay $0x7  }
0xfc: {  	[tilespmem:v2+s21+$0x0] =	vst.idx.add.f32.msk $0xffff, v1  }
0xfd: {  	v2 =	vld [tilespmem:s31+$0xAC0];
	_ =	sdelay $0x7  }
0xfe: {  	[tilespmem:v2+s21+$0x0] =	vst.idx.add.f32.msk $0xffff, v1  }
0xff: {  	v2 =	vld [tilespmem:s31+$0xAD0];
	_ =	sdelay $0x7  }
0x100: {  	[tilespmem:v2+s21+$0x0] =	vst.idx.add.f32.msk $0xffff, v1  }
0x101: {  	v2 =	vld [tilespmem:s31+$0xAE0];
	_ =	sdelay $0x7  }
0x102: {  	[tilespmem:v2+s21+$0x0] =	vst.idx.add.f32.msk $0xffff, v1  }
0x103: {  	v2 =	vld [tilespmem:s31+$0xAF0];
	_ =	sdelay $0x7  }
0x104: {  	[tilespmem:v2+s21+$0x0] =	vst.idx.add.f32.msk $0xffff, v1  }
0x105: {  	_ =	swait.ge [sflag:s24], $0x4000  }
0x106: {  	[sflag:s24] =	ssyncset.done $0x0  }
0x107: {  	s13 =	sor.u32 $0x380, s31;
	[sflag:s24] =	ssyncadd.s32 $0xFFFFC000  }
0x108: {  	[tilespmem:s19], [sflag:$0x3] =	stream.indirect.gather [hbm4b:s1+s17], $0x80, s13, s17, $0xb8;
	[tilespmem:$0x1FC00] =	vst v63  }
0x109: {  	_ =	swait.ge [sflag:s20], $0x4000  }
0x10a: {  	[sflag:s20] =	ssyncset.done $0x0  }
0x10b: {  	s13 =	sor.u32 $0xB00, s31;
	[sflag:s20] =	ssyncadd.s32 $0xFFFFC000  }
0x10c: {  	[spmem:s3] =	stream.indirect.scatter.add.f32 [tilespmem:s18], [sflag:$0x4], $0x80, s13, s17, $0xb8;
	[tilespmem:$0x1FC00] =	vst v63  }
0x10d: {  	v2 =	vld [tilespmem:s13+$0x0];
	_ =	sdelay $0x7  }
0x10e: {  	[tilespmem:v2+s21+$0x0] =	vst.idx.add.f32.msk $0xffff, v1  }
0x10f: {  	v2 =	vld [tilespmem:s31+$0xB10];
	_ =	sdelay $0x7  }
0x110: {  	[tilespmem:v2+s21+$0x0] =	vst.idx.add.f32.msk $0xffff, v1  }
0x111: {  	v2 =	vld [tilespmem:s31+$0xB20];
	_ =	sdelay $0x7  }
0x112: {  	[tilespmem:v2+s21+$0x0] =	vst.idx.add.f32.msk $0xffff, v1  }
0x113: {  	v2 =	vld [tilespmem:s31+$0xB30];
	_ =	sdelay $0x7  }
0x114: {  	[tilespmem:v2+s21+$0x0] =	vst.idx.add.f32.msk $0xffff, v1  }
0x115: {  	v2 =	vld [tilespmem:s31+$0xB40];
	_ =	sdelay $0x7  }
0x116: {  	[tilespmem:v2+s21+$0x0] =	vst.idx.add.f32.msk $0xffff, v1  }
0x117: {  	v2 =	vld [tilespmem:s31+$0xB50];
	_ =	sdelay $0x7  }
0x118: {  	[tilespmem:v2+s21+$0x0] =	vst.idx.add.f32.msk $0xffff, v1  }
0x119: {  	v2 =	vld [tilespmem:s31+$0xB60];
	_ =	sdelay $0x7  }
0x11a: {  	[tilespmem:v2+s21+$0x0] =	vst.idx.add.f32.msk $0xffff, v1  }
0x11b: {  	v2 =	vld [tilespmem:s31+$0xB70];
	_ =	sdelay $0x7  }
0x11c: {  	[tilespmem:v2+s21+$0x0] =	vst.idx.add.f32.msk $0xffff, v1  }
0x11d: {  	_ =	swait.ge [sflag:s23], $0x4000  }
0x11e: {  	[sflag:s23] =	ssyncset.done $0x0  }
0x11f: {  	s13 =	sor.u32 $0xB80, s31;
	[sflag:s23] =	ssyncadd.s32 $0xFFFFC000  }
0x120: {  	[spmem:s3] =	stream.indirect.scatter.add.f32 [tilespmem:s19], [sflag:$0x5], $0x80, s13, s17, $0xb8;
	[tilespmem:$0x1FC00] =	vst v63  }
0x121: {  	v2 =	vld [tilespmem:s13+$0x0];
	_ =	sdelay $0x7  }
0x122: {  	[tilespmem:v2+s21+$0x0] =	vst.idx.add.f32.msk $0xffff, v1  }
0x123: {  	v2 =	vld [tilespmem:s31+$0xB90];
	_ =	sdelay $0x7  }
0x124: {  	[tilespmem:v2+s21+$0x0] =	vst.idx.add.f32.msk $0xffff, v1  }
0x125: {  	v2 =	vld [tilespmem:s31+$0xBA0];
	_ =	sdelay $0x7  }
0x126: {  	[tilespmem:v2+s21+$0x0] =	vst.idx.add.f32.msk $0xffff, v1  }
0x127: {  	v2 =	vld [tilespmem:s31+$0xBB0];
	_ =	sdelay $0x7  }
0x128: {  	[tilespmem:v2+s21+$0x0] =	vst.idx.add.f32.msk $0xffff, v1  }
0x129: {  	v2 =	vld [tilespmem:s31+$0xBC0];
	_ =	sdelay $0x7  }
0x12a: {  	[tilespmem:v2+s21+$0x0] =	vst.idx.add.f32.msk $0xffff, v1  }
0x12b: {  	v2 =	vld [tilespmem:s31+$0xBD0];
	_ =	sdelay $0x7  }
0x12c: {  	[tilespmem:v2+s21+$0x0] =	vst.idx.add.f32.msk $0xffff, v1  }
0x12d: {  	v2 =	vld [tilespmem:s31+$0xBE0];
	_ =	sdelay $0x7  }
0x12e: {  	[tilespmem:v2+s21+$0x0] =	vst.idx.add.f32.msk $0xffff, v1  }
0x12f: {  	v2 =	vld [tilespmem:s31+$0xBF0];
	_ =	sdelay $0x7  }
0x130: {  	s28 =	sadd.s32 $0x400, s28;
	[tilespmem:v2+s21+$0x0] =	vst.idx.add.f32.msk $0xffff, v1  }
0x131: {  	p0 =	sne.s32 s28, $0x2800;
	_ =	swait.ge [sflag:s22], $0x4000  }
.Ltmp3:
0x132: {  	[sflag:s22] =	ssyncset.done $0x0;
	(pc) =	sbr.rel @p0 .LBB2_8-.Ltmp3, $4  }
0x133: {  	[sflag:s22] =	ssyncadd.s32 $0xFFFFC000  }
0x134: {  	_ =	swait.ge [sflag:s24], $0x4000  }
0x135: {  	[sflag:s24] =	ssyncset.done $0x0  }
0x136: {  	s30 =	sadd.s32 $0x80, s30;
	s29 =	sadd.s32 $0x80, s29;
	[sflag:s24] =	ssyncadd.s32 $0xFFFFC000  }
0x137: {  	s0 =	sshll.u32 s2, $0x6  }
0x138: {  	[bflag:$0x0] =	sbarrier.arrive $0xFFFF;
	s13 =	sshrl.u32 s7, $0x3;
	s0 =	sor.u32 $0x1C07, s0  }
0x139: {  	[hbm:s8], [sflag:s0] =	dma.local [spmem:s13], $0x2800  }
0x13a: {  	s26 =	sadd.s32 $0x1, s26;
	_ =	swait.ge [sflag:s25], $0x2800  }
0x13b: {  	p0 =	sne.s32 s26, s10;
	[sflag:s25] =	ssyncset.done $0x0  }
.Ltmp4:
0x13c: {  	[sflag:s25] =	ssyncadd.s32 $0xFFFFD800;
	(pc) =	sbr.rel @p0 .LBB2_1-.Ltmp4, $4  }
0x13d: {  	[hbm4b:s9+s4] =	stream.linear.scatter [tilespmem:s21], [sflag:$0x7], $0x2800, $0x38;
	[tilespmem:$0x1FC00] =	vst v63  }
0x13e: {  	_ =	swait.ge [sflag:s25], $0x2800  }
0x13f: {  	[sflag:s25] =	ssyncset.done $0x0  }
0x140: {  	[sflag:s25] =	ssyncadd.s32 $0xFFFFD800  }
0x141: {  	_ =	sfence.sel $0x180000  }
0x142: {  	[bflag:$0x0] =	sbarrier.arrive $0xFFFF  }
0x143: {  	_ =	strace $0x90000047  }
0x144: {  	[bflag:$0x2] =	sbarrier.arrive $0xFFFF  }
0x145: {  	p0 =	sne.s32 s2, $0x0;
	s0 =	rddreg [dreg:$0x4]  }
0x146: {  	s0 =	sadd.s32 @!p0 $0x100000, s0  }
0x147: {  	[sflag:s0] =	ssyncadd.tile.s32 @!p0 $0x1;
	_ =	shalt  }
.Lfunc_end2:
_tile_overlayer_lowered:
.L_overlay_start_2:
0x148: {  	(tag) =	ssettag $0x2  }
0x149: {  	s0 =	rddreg [dreg:$0x0];
	s2 =	stileid.u32  }
0x14a: {  	s1 =	rddreg [dreg:$0x1];
	p0 =	sne.s32 s2, $0x0  }
0x14b: {  	s3 =	rddreg [dreg:$0x2];
	[bflag:$0x3] =	sbarrier.arrive $0xFFFF;
	s2 =	simm.s32 @!p0 $0x1C07  }
0x14c: {  	[timem:s3], [sflag:s2] =	dma.local @!p0 [hbm:s0], s1  }
0x14d: {  	s0 =	simm.s32 @!p0 $0x7  }
0x14e: {  	_ =	swait.ge @!p0 [sflag:s0], s1  }
0x14f: {  	s1 =	ssub.s32 @!p0 $0x0, s1;
	[sflag:s0] =	ssyncset.done @!p0 $0x0  }
0x150: {  	[sflag:s0] =	ssyncadd.s32 @!p0 s1  }
0x151: {  	[bflag:$0x3] =	sbarrier.arrive $0xFFFF  }
0x152: {  	_ =	shalt  }

// kernel: kernel.9.cloned.1.call-start
scs
__scs_entry_jumppad:
0x0: {  	(pc) =	sbr.rel $0x88, $3  }
0x1: {  	(tag) =	ssettag $0x0;
	lr =	simm.s32 $0x1  }
0x2: {  	[smem:$0x3F99] =	sst lr;
	_ =	strace $0xD0000000  }
0x3: {  	_ = 	snop  }
0x4: {  	_ = 	snop  }
0x5: {  	_ = 	snop  }
0x6: {  	_ = 	snop  }
0x7: {  	_ = 	snop  }
__scs_overlays_trampoline_lowered:
0x8: {  	[smem:$0x3FA8] =	sst s0  }
0x9: {  	[smem:$0x3FA9] =	sst s1  }
0xa: {  	[smem:$0x3FAA] =	sst s2  }
0xb: {  	[smem:$0x3FAB] =	sst s3  }
0xc: {  	[smem:$0x3FAC] =	sst s4  }
0xd: {  	[smem:$0x3FAD] =	sst s5  }
0xe: {  	[smem:$0x3FAE] =	sst s6  }
0xf: {  	[smem:$0x3FAF] =	sst s7  }
0x10: {  	[smem:$0x3FB0] =	sst s8  }
0x11: {  	[smem:$0x3FB1] =	sst s9;
	s0 =	simm.s32 @!p0 $0x0  }
0x12: {  	s1 =	sld [smem:$0x3F97];
	s0 =	simm.s32 @p0 $0x1  }
0x13: {  	[smem:$0x3FB2] =	sst s0;
	s0 =	simm.s32 @!p1 $0x0  }
0x14: {  	s2 =	sld [smem:$0x3F96];
	s0 =	simm.s32 @p1 $0x1  }
0x15: {  	[smem:$0x3FB3] =	sst s0;
	s0 =	simm.s32 @!p2 $0x0  }
0x16: {  	s3 =	sld [smem:$0x3FDB];
	s0 =	simm.s32 @p2 $0x1  }
0x17: {  	s4 =	simm.s32 $0x1BF5;
	[smem:$0x3FB5] =	sst s0  }
0x18: {  	s0 =	sld [smem:$0x3F98];
	_ =	swait.ge [sflag:s4], $0x0  }
0x19: {  	s7 =	sld [smem:$0x3F99]  }
0x1a: {  	s8 =	sadd.s32 $0xFFFFE003, lr  }
0x1b: {  	s9 =	sadd.s32 $0xFFFFFEF7, lr;
	s5 =	simm.s32 $0xFFFFFFFF;
	p2 =	slt.u32 s8, $0xFFFFF086  }
0x1c: {  	p1 =	slt.u32 s9, $0xF7A;
	s5 =	simm.s32 @!p2 $0x0  }
0x1d: {  	s5 =	simm.s32 @p1 $0x1;
	p0 =	seq.s32 s7, s2  }
0x1e: {  	s7 =	smul.u32 @!p0 $0xF7A, s2;
	p2 =	seq.s32 @!p0 s5, $0x0  }
0x1f: {  	s9 =	smul.u32 $0xF7A, s1;
	s8 =	simm.s32 @!p0 $0x1BF5;
	p2 =	por !p2, p0  }
0x20: {  	[sflag:s8] =	ssyncset.s32 @!p0 $0xFFFFF086;
	s6 =	sadd.s32 @!p0 s3, s7;
	s7 =	simm.s32 @!p0 $0x108  }
0x21: {  	s3 =	sadd.s32 s3, s9;
	s6 =	sadd.s32 @!p0 $0x88, s6;
	s7 =	simm.s32 @p2 $0x1082  }
0x22: {  	[simem:s7], [sflag:s8] =	dma.local @!p0 [hbm:s6], $0xF7A  }
0x23: {  	s9 =	sor.u32 $0xD0000000, s2;
	s6 =	simm.s32 $0x108;
	_ =	swait.ge @!p0 [sflag:s8], $0x0  }
0x24: {  	s3 =	sadd.s32 $0x88, s3;
	s6 =	simm.s32 @!p1 $0x1082;
	[sflag:s4] =	ssyncset.s32 $0xFFFFF086  }
0x25: {  	[simem:s6], [sflag:s4] =	dma.local [hbm:s3], $0xF7A  }
0x26: {  	[smem:$0x3F99] =	sst s1;
	(tag) =	ssettag s2;
	_ =	strace s9  }
0x27: {  	s1 =	sld [smem:$0x3FA9]  }
0x28: {  	s2 =	sld [smem:$0x3FAA]  }
0x29: {  	s4 =	sld [smem:$0x3FAC]  }
0x2a: {  	p0 =	seq.s32 s5, $0x0;
	s5 =	sld [smem:$0x3FAD]  }
0x2b: {  	s6 =	sld [smem:$0x3FAE]  }
0x2c: {  	s7 =	sld [smem:$0x3FAF]  }
0x2d: {  	s3 =	simm.s32 $0x108;
	s8 =	sld [smem:$0x3FB0]  }
0x2e: {  	s3 =	simm.s32 @!p0 $0x1082;
	s9 =	sld [smem:$0x3FB1]  }
0x2f: {  	lr =	sadd.s32 s0, s3;
	s0 =	sld [smem:$0x3FA8]  }
0x30: {  	s3 =	sld [smem:$0x3FAB]  }
0x31: {  	[smem:$0x3FB4] =	sst s10  }
0x32: {  	s10 =	sld [smem:$0x3FB2];
	_ =	sdelay $0x3  }
0x33: {  	p0 =	seq.s32 s10, $0x1;
	s10 =	sld [smem:$0x3FB4];
	_ =	sdelay $0x3  }
0x34: {  	[smem:$0x3FB4] =	sst s10  }
0x35: {  	s10 =	sld [smem:$0x3FB3];
	_ =	sdelay $0x3  }
0x36: {  	p1 =	seq.s32 s10, $0x1;
	s10 =	sld [smem:$0x3FB4];
	_ =	sdelay $0x3  }
0x37: {  	[smem:$0x3FB4] =	sst s10  }
0x38: {  	s10 =	sld [smem:$0x3FB5]  }
0x39: {  	_ = 	snop;
	(pc) =	sbr.ind lr, $3  }
0x3a: {  	_ = 	snop  }
0x3b: {  	_ = 	snop  }
0x3c: {  	p2 =	seq.s32 s10, $0x1;
	s10 =	sld [smem:$0x3FB4]  }
0x3d: {  	_ =	shalt  }
0x3e: {  	_ =	shalt  }
0x3f: {  	_ =	shalt  }
0x40: {  	_ =	shalt  }
0x41: {  	_ =	shalt  }
0x42: {  	_ =	shalt  }
0x43: {  	_ =	shalt  }
0x44: {  	_ =	shalt  }
0x45: {  	_ =	shalt  }
0x46: {  	_ =	shalt  }
0x47: {  	_ =	shalt  }
0x48: {  	_ =	shalt  }
0x49: {  	_ =	shalt  }
0x4a: {  	_ =	shalt  }
0x4b: {  	_ =	shalt  }
0x4c: {  	_ =	shalt  }
0x4d: {  	_ =	shalt  }
0x4e: {  	_ =	shalt  }
0x4f: {  	_ =	shalt  }
0x50: {  	_ =	shalt  }
0x51: {  	_ =	shalt  }
0x52: {  	_ =	shalt  }
0x53: {  	_ =	shalt  }
0x54: {  	_ =	shalt  }
0x55: {  	_ =	shalt  }
0x56: {  	_ =	shalt  }
0x57: {  	_ =	shalt  }
0x58: {  	_ =	shalt  }
0x59: {  	_ =	shalt  }
0x5a: {  	_ =	shalt  }
0x5b: {  	_ =	shalt  }
0x5c: {  	_ =	shalt  }
0x5d: {  	_ =	shalt  }
0x5e: {  	_ =	shalt  }
0x5f: {  	_ =	shalt  }
0x60: {  	_ =	shalt  }
0x61: {  	_ =	shalt  }
0x62: {  	_ =	shalt  }
0x63: {  	_ =	shalt  }
0x64: {  	_ =	shalt  }
0x65: {  	_ =	shalt  }
0x66: {  	_ =	shalt  }
0x67: {  	_ =	shalt  }
0x68: {  	_ =	shalt  }
0x69: {  	_ =	shalt  }
0x6a: {  	_ =	shalt  }
0x6b: {  	_ =	shalt  }
0x6c: {  	_ =	shalt  }
0x6d: {  	_ =	shalt  }
0x6e: {  	_ =	shalt  }
0x6f: {  	_ =	shalt  }
0x70: {  	_ =	shalt  }
0x71: {  	_ =	shalt  }
0x72: {  	_ =	shalt  }
0x73: {  	_ =	shalt  }
0x74: {  	_ =	shalt  }
0x75: {  	_ =	shalt  }
0x76: {  	_ =	shalt  }
0x77: {  	_ =	shalt  }
0x78: {  	_ =	shalt  }
0x79: {  	_ =	shalt  }
0x7a: {  	_ =	shalt  }
0x7b: {  	_ =	shalt  }
0x7c: {  	_ =	shalt  }
0x7d: {  	_ =	shalt  }
0x7e: {  	_ =	shalt  }
0x7f: {  	_ =	shalt  }
0x80: {  	_ =	shalt  }
0x81: {  	_ =	shalt  }
0x82: {  	_ =	shalt  }
0x83: {  	_ =	shalt  }
0x84: {  	_ =	shalt  }
0x85: {  	_ =	shalt  }
0x86: {  	_ =	shalt  }
0x87: {  	_ =	shalt  }
.Lfunc_end0:
.L_simem_size_0:
called_computation.1_lowered:
.L_overlay_start_0:
0x88: {  	s2 =	sld [smem:$0x3FD9]  }
0x89: {  	s3 =	sld [smem:$0x3FFE];
	_ =	sdelay $0x1  }
0x8a: {  	s1 =	srdreg.scid  }
0x8b: {  	s0 =	sand.u32 $0x1, s1  }
0x8c: {  	s17 =	sshll.u32 s0, $0xA;
	s2 =	sadd.s32 s3, s2  }
0x8d: {  	s2 =	sadd.s32 s2, s17  }
0x8e: {  	[smem:$0x3FC0] =	sst s2  }
0x8f: {  	_ = 	snop  }
0x90: {  	s2 =	sld [smem:$0x3FD0];
	(tm) =	ssettm $0x1  }
0x91: {  	s18 =	sld [smem:$0x3FFB];
	_ =	sdelay $0x3  }
0x92: {  	_ =	strace s18  }
0x93: {  	s3 =	sld [smem:$0x3FFC];
	_ =	sdelay $0x3  }
0x94: {  	_ =	strace s3  }
0x95: {  	s3 =	sld [smem:$0x3FFD];
	_ =	sdelay $0x3  }
0x96: {  	_ =	strace s3  }
0x97: {  	_ =	strace $0x8FFFFFFF  }
0x98: {  	s19 =	sld [smem:$0x3FDB];
	_ =	sdelay $0x1  }
0x99: {  	s4 =	simm.s32 $_scs_section_size  }
0x9a: {  	s5 =	simm.s32 $_size__tile_overlayer_lowered;
	s6 =	simm.s32 $_tile_overlayer_lowered  }
0x9b: {  	s22 =	simm.s32 $0x1BFF;
	s21 =	sshll.u32 s6, $0x1;
	s3 =	sadd.s32 s4, s19  }
0x9c: {  	s7 =	simm.s32 $0x0;
	s20 =	sshll.u32 s5, $0x1;
	s5 =	sadd.s32 s21, s3  }
0x9d: {  	[timem:s7], [sflag:s22] =	dma.local [hbm:s5], s20  }
0x9e: {  	_ =	swait.ge [sflag:s22], s20  }
0x9f: {  	s4 =	ssub.s32 $0x0, s20;
	[sflag:s22] =	ssyncset.done $0x0  }
0xa0: {  	[sflag:s22] =	ssyncadd.s32 s4;
	_ =	sdelay $0x1  }
0xa1: {  	s23 =	simm.s32 $0x1B8B  }
0xa2: {  	_ =	swait.ge [sflag:s23], $0x1  }
0xa3: {  	[sflag:s23] =	ssyncset.done $0x0  }
0xa4: {  	s25 =	simm.s32 $0x1B8E;
	s24 =	sld [smem:$0x3FFE];
	[sflag:s23] =	ssyncadd.s32 $0xFFFFFFFF  }
0xa5: {  	s26 =	simm.s32 $execute0_lowered;
	[smem:$0x3FD2] =	sst s25  }
0xa6: {  	s5 =	sshll.u32 s26, $0x1;
	_ =	strace $0x80000049;
	[dreg:$0x1] =	wrdreg $0xFFFFFFFF  }
0xa7: {  	s28 =	simm.s32 $_size_execute0_lowered;
	s3 =	sadd.s32 s3, s5;
	[dreg:$0x0] =	wrdreg $0x0  }
0xa8: {  	s5 =	sshll.u32 s28, $0x1;
	[dreg:$0x2] =	wrdreg s3  }
0xa9: {  	[dreg:$0x3] =	wrdreg s5  }
0xaa: {  	[dreg:$0x4] =	wrdreg $0xC0  }
0xab: {  	_ =	task [dreg:s7], $0x5FFFF  }
0xac: {  	[dreg:$0x1] =	wrdreg $0xFFFFFFFF  }
0xad: {  	[dreg:$0x0] =	wrdreg $0x60  }
0xae: {  	[dreg:$0x2] =	wrdreg s2  }
0xaf: {  	[dreg:$0x3] =	wrdreg s24  }
0xb0: {  	[dreg:$0x4] =	wrdreg $0x94000  }
0xb1: {  	[dreg:$0x5] =	wrdreg $0x9  }
0xb2: {  	_ =	task.clear_ibuf [dreg:s7], $0x6FFFF;
	_ =	strace $0x90000049  }
0xb3: {  	s29 =	simm.s32 $0x9;
	_ =	strace $0x8000004B  }
0xb4: {  	_ =	swait.ge [sflag:s29], $0x1  }
0xb5: {  	[sflag:s29] =	ssyncadd.s32 $0xFFFFFFFF  }
0xb6: {  	_ =	strace $0x9000004B  }
0xb7: {  	_ =	sfence  }
0xb8: {  	s30 =	sld [smem:$0x0];
	_ =	sdelay $0x2  }
0xb9: {  	s31 =	sshll.u32 s1, $0xD;
	s1 =	sshrl.u32 s1, $0x2  }
0xba: {  	s3 =	sand.u32 $0x4000, s31;
	s1 =	sadd.s32 s1, s30  }
0xbb: {  	s0 =	sor.u32 s3, s0;
	s1 =	sshll.u32 s1, $0x11  }
0xbc: {  	s0 =	sor.u32 s1, s0  }
0xbd: {  	s0 =	sadd.s32 $0x8F2B, s0  }
0xbe: {  	[sflag:s0] =	ssyncadd.remote.s32 $0x1  }
0xbf: {  	_ =	sfence.sel $0xFFFF  }
0xc0: {  	[dreg:$0x0] =	wrdreg $0xFFFFFFFF;
	(pc) =	sbr.abs _section_cstart, $3  }
0xc1: {  	[dreg:$0x1] =	wrdreg $0xFFFFFFFF  }
0xc2: {  	_ =	task.clear_ibuf [dreg:s7], $0x2FFFF;
	_ =	strace $0x9FFFFFFF  }
0xc3: {  	(tm) =	ssettm $0x7FFFFFFF  }
tec
execute0_lowered:
.L_overlay_start_1:
0x0: {  	(tag) =	ssettag $0x1  }
0x1: {  	s1 =	rddreg [dreg:$0x0]  }
0x2: {  	s5 =	rddreg [dreg:$0x1]  }
0x3: {  	s2 =	rddreg [dreg:$0x2]  }
0x4: {  	s3 =	srdreg.scid;
	s0 =	rddreg [dreg:$0x3];
	s4 =	simm.s32 $0x0  }
0x5: {  	s16 =	simm.s32 $0x80;
	s17 =	simm.s32 $0x1000;
	s18 =	simm.s32 $0x5000  }
0x6: {  	s19 =	simm.s32 $0x2;
	s20 =	simm.s32 $0x4;
	s21 =	simm.s32 $0x3  }
0x7: {  	s22 =	simm.s32 $0x5;
	s23 =	simm.s32 $0x7;
	s6 =	sand.u32 $0x1, s3  }
0x8: {  	s24 =	simm.s32 $0x0;
	s3 =	stileid.u32;
	s7 =	smul.u32 $0x140000, s6  }
0x9: {  	[smem:$0x7FF] =	sst s4;
	s10 =	sadd.s32 $0x2800, s5;
	s9 =	smul.u32 $0x14000, s3  }
0xa: {  	s11 =	sadd.s32 $0xC800, s5;
	s8 =	sshll.u32 s6, $0x4;
	s12 =	smul.u32 $0x50000, s3  }
0xb: {  	_ =	strace $0x8000004A;
	s26 =	ssub.s32 $0x2, s6;
	s13 =	smul.u32 $0xA0, s6  }
0xc: {  	s14 =	smul.u32 $0xA, s3;
	s8 =	sor.u32 s3, s8;
	s29 =	sshrl.u32 s26, $0x1  }
0xd: {  	s8 =	smul.u32 $0x500, s8;
	s7 =	sadd.s32 s9, s7;
	s9 =	ssub.s32 s26, s29  }
0xe: {  	s30 =	sshrl.u32 s12, $0x2;
	s31 =	sadd.s32 s14, s13;
	s13 =	simm.s32 $0x9000  }
0xf: {  	s14 =	simm.s32 $0x6;
	s28 =	sshrl.u32 s7, $0x3;
	s7 =	sadd.s32 s30, s2  }
0x10: {  	s12 =	sshll.u32 s31, $0x7;
	s9 =	smax.u32 s9, $0x1;
	s15 =	sadd.s32 s28, s5  }
0x11: {  	s5 =	sadd.s32 s10, s8;
	s6 =	sadd.s32 s11, s8;
	s10 =	sadd.s32 s12, s10  }
0x12: {  	s11 =	sadd.s32 s12, s11;
	s12 =	simm.s32 $0x800;
	s8 =	sadd.s32 $0x16800, s15  }
0x13: {  	v0 =	vimm.f32 $0.0e+00;
	s10 =	sadd.s32 $0x80, s10;
	s11 =	sadd.s32 $0x80, s11;
	s15 =	simm.s32 $0x1  }
.LBB2_1:
0x14: {  	[tilespmem:s4], [sflag:$0x1] =	stream.linear.gather [hbm4b:s5+s4], $0x400, $0x38;
	[tilespmem:$0x1D400] =	vst v63  }
0x15: {  	_ = 	snop  }
0x16: {  	[tilespmem:s12], [sflag:$0x1] =	stream.linear.gather [hbm4b:s6+s4], $0x400, $0x38;
	[tilespmem:$0x1D400] =	vst v63  }
0x17: {  	[tilespmem:$0x9000] =	vst v0  }
0x18: {  	[tilespmem:$0x9010] =	vst v0  }
0x19: {  	[tilespmem:$0x9020] =	vst v0  }
0x1a: {  	[tilespmem:$0x9030] =	vst v0  }
0x1b: {  	[tilespmem:$0x9040] =	vst v0  }
0x1c: {  	[tilespmem:$0x9050] =	vst v0  }
0x1d: {  	[tilespmem:$0x9060] =	vst v0  }
0x1e: {  	[tilespmem:$0x9070] =	vst v0  }
0x1f: {  	[tilespmem:$0x9080] =	vst v0  }
0x20: {  	[tilespmem:$0x9090] =	vst v0  }
0x21: {  	[tilespmem:$0x90A0] =	vst v0  }
0x22: {  	[tilespmem:$0x90B0] =	vst v0  }
0x23: {  	[tilespmem:$0x90C0] =	vst v0  }
0x24: {  	[tilespmem:$0x90D0] =	vst v0  }
0x25: {  	[tilespmem:$0x90E0] =	vst v0  }
0x26: {  	[tilespmem:$0x90F0] =	vst v0  }
0x27: {  	[tilespmem:$0x9100] =	vst v0  }
0x28: {  	[tilespmem:$0x9110] =	vst v0  }
0x29: {  	[tilespmem:$0x9120] =	vst v0  }
0x2a: {  	[tilespmem:$0x9130] =	vst v0  }
0x2b: {  	[tilespmem:$0x9140] =	vst v0  }
0x2c: {  	[tilespmem:$0x9150] =	vst v0  }
0x2d: {  	[tilespmem:$0x9160] =	vst v0  }
0x2e: {  	[tilespmem:$0x9170] =	vst v0  }
0x2f: {  	[tilespmem:$0x9180] =	vst v0  }
0x30: {  	[tilespmem:$0x9190] =	vst v0  }
0x31: {  	[tilespmem:$0x91A0] =	vst v0  }
0x32: {  	[tilespmem:$0x91B0] =	vst v0  }
0x33: {  	[tilespmem:$0x91C0] =	vst v0  }
0x34: {  	[tilespmem:$0x91D0] =	vst v0  }
0x35: {  	[tilespmem:$0x91E0] =	vst v0  }
0x36: {  	[tilespmem:$0x91F0] =	vst v0  }
0x37: {  	[tilespmem:$0x9200] =	vst v0  }
0x38: {  	[tilespmem:$0x9210] =	vst v0  }
0x39: {  	[tilespmem:$0x9220] =	vst v0  }
0x3a: {  	[tilespmem:$0x9230] =	vst v0  }
0x3b: {  	[tilespmem:$0x9240] =	vst v0  }
0x3c: {  	[tilespmem:$0x9250] =	vst v0  }
0x3d: {  	[tilespmem:$0x9260] =	vst v0  }
0x3e: {  	[tilespmem:$0x9270] =	vst v0  }
0x3f: {  	[tilespmem:$0x9280] =	vst v0  }
0x40: {  	[tilespmem:$0x9290] =	vst v0  }
0x41: {  	[tilespmem:$0x92A0] =	vst v0  }
0x42: {  	[tilespmem:$0x92B0] =	vst v0  }
0x43: {  	[tilespmem:$0x92C0] =	vst v0  }
0x44: {  	[tilespmem:$0x92D0] =	vst v0  }
0x45: {  	[tilespmem:$0x92E0] =	vst v0  }
0x46: {  	[tilespmem:$0x92F0] =	vst v0  }
0x47: {  	[tilespmem:$0x9300] =	vst v0  }
0x48: {  	[tilespmem:$0x9310] =	vst v0  }
0x49: {  	[tilespmem:$0x9320] =	vst v0  }
0x4a: {  	[tilespmem:$0x9330] =	vst v0  }
0x4b: {  	[tilespmem:$0x9340] =	vst v0  }
0x4c: {  	[tilespmem:$0x9350] =	vst v0  }
0x4d: {  	[tilespmem:$0x9360] =	vst v0  }
0x4e: {  	[tilespmem:$0x9370] =	vst v0  }
0x4f: {  	[tilespmem:$0x9380] =	vst v0  }
0x50: {  	[tilespmem:$0x9390] =	vst v0  }
0x51: {  	[tilespmem:$0x93A0] =	vst v0  }
0x52: {  	[tilespmem:$0x93B0] =	vst v0  }
0x53: {  	[tilespmem:$0x93C0] =	vst v0  }
0x54: {  	[tilespmem:$0x93D0] =	vst v0  }
0x55: {  	[tilespmem:$0x93E0] =	vst v0  }
0x56: {  	s25 =	simm.s32 $0x0;
	[tilespmem:$0x93F0] =	vst v0  }
.LBB2_2:
0x57: {  	p0 =	sne.s32 s25, $0x4F000  }
.Ltmp0:
0x58: {  	_ = 	snop;
	(pc) =	sbr.rel @p0 .LBB2_2-.Ltmp0, $4  }
0x59: {  	_ = 	snop  }
0x5a: {  	s26 =	sshra.s32 s25, $0x2  }
0x5b: {  	s25 =	sadd.s32 $0x1000, s25;
	s26 =	sadd.s32 s26, s7  }
0x5c: {  	[spmem:s26] =	stream.linear.scatter [tilespmem:s13], [sflag:$0x6], $0x400, $0x38;
	[tilespmem:$0x1D400] =	vst v63  }
0x5d: {  	_ =	swait.ge [sflag:s14], $0x400  }
0x5e: {  	s25 =	simm.s32 $0x4F;
	[sflag:s14] =	ssyncset.done $0x0  }
.LBB2_4:
0x5f: {  	p0 =	sne.s32 s25, $0x1;
	s25 =	sadd.s32 $0xFFFFFFFF, s25;
	[sflag:s14] =	ssyncadd.s32 $0xFFFFFC00  }
.Ltmp1:
0x60: {  	(pc) =	sbr.rel @p0 .LBB2_4-.Ltmp1, $3  }
0x61: {  	_ =	sdelay $0x1  }
0x62: {  	_ =	swait.ge [sflag:s14], $0x400  }
0x63: {  	[sflag:s14] =	ssyncset.done $0x0  }
0x64: {  	[sflag:s14] =	ssyncadd.s32 $0xFFFFFC00  }
0x65: {  	[bflag:$0x0] =	sbarrier.arrive $0xFFFF  }
0x66: {  	_ =	swait.ge [sflag:s15], $0x400  }
0x67: {  	[sflag:s15] =	ssyncset.done $0x0  }
0x68: {  	[sflag:s15] =	ssyncadd.s32 $0xFFFFFC00  }
0x69: {  	s25 =	simm.s32 $0x0;
	p0 =	por $0x0, $0x0;
	_ =	swait.ge [sflag:s15], $0x400  }
0x6a: {  	s25 =	sand.u32 @!p0 $0x400, s25;
	[sflag:s15] =	ssyncset.done $0x0  }
0x6b: {  	s28 =	simm.s32 @!p0 $0x0;
	s26 =	sxor.u32 @!p0 $0x400, s25;
	[sflag:s15] =	ssyncadd.s32 $0xFFFFFC00  }
0x6c: {  	[tilespmem:s26], [sflag:$0x1] =	stream.linear.gather @!p0 [hbm4b:s10+s28], $0x400, $0x38;
	[tilespmem:$0x1D400] =	vst v63  }
0x6d: {  	s26 =	sor.u32 @!p0 $0x800, s26  }
0x6e: {  	[tilespmem:s26], [sflag:$0x1] =	stream.linear.gather @!p0 [hbm4b:s11+s28], $0x400, $0x38;
	[tilespmem:$0x1D400] =	vst v63  }
0x6f: {  	s25 =	simm.s32 @p0 $0x400  }
0x70: {  	[tilespmem:s17], [sflag:$0x2] =	stream.indirect.gather [hbm4b:s1+s16], $0x80, s25, s16, $0xb8;
	[tilespmem:$0x1D400] =	vst v63  }
0x71: {  	s30 =	sor.u32 $0x80, s25  }
0x72: {  	[tilespmem:s18], [sflag:$0x3] =	stream.indirect.gather [hbm4b:s1+s16], $0x80, s30, s16, $0xb8;
	[tilespmem:$0x1D400] =	vst v63  }
0x73: {  	_ =	swait.ge [sflag:s19], $0x4000  }
0x74: {  	[sflag:s19] =	ssyncset.done $0x0  }
0x75: {  	s31 =	sor.u32 $0x800, s25;
	[sflag:s19] =	ssyncadd.s32 $0xFFFFC000  }
0x76: {  	[spmem:s2] =	stream.indirect.scatter.add.f32 [tilespmem:s17], [sflag:$0x4], $0x80, s31, s16, $0xb8;
	[tilespmem:$0x1D400] =	vst v63  }
0x77: {  	_ =	swait.ge [sflag:s20], $0x4000  }
0x78: {  	[sflag:s20] =	ssyncset.done $0x0  }
0x79: {  	s29 =	sor.u32 $0x100, s25;
	[sflag:s20] =	ssyncadd.s32 $0xFFFFC000  }
0x7a: {  	[tilespmem:s17], [sflag:$0x2] =	stream.indirect.gather [hbm4b:s1+s16], $0x80, s29, s16, $0xb8;
	[tilespmem:$0x1D400] =	vst v63  }
0x7b: {  	_ =	swait.ge [sflag:s21], $0x4000  }
0x7c: {  	[sflag:s21] =	ssyncset.done $0x0  }
0x7d: {  	s30 =	sor.u32 $0x880, s25;
	[sflag:s21] =	ssyncadd.s32 $0xFFFFC000  }
0x7e: {  	[spmem:s2] =	stream.indirect.scatter.add.f32 [tilespmem:s18], [sflag:$0x5], $0x80, s30, s16, $0xb8;
	[tilespmem:$0x1D400] =	vst v63  }
0x7f: {  	_ =	swait.ge [sflag:s22], $0x4000  }
0x80: {  	[sflag:s22] =	ssyncset.done $0x0  }
0x81: {  	s31 =	sor.u32 $0x180, s25;
	[sflag:s22] =	ssyncadd.s32 $0xFFFFC000  }
0x82: {  	[tilespmem:s18], [sflag:$0x3] =	stream.indirect.gather [hbm4b:s1+s16], $0x80, s31, s16, $0xb8;
	[tilespmem:$0x1D400] =	vst v63  }
0x83: {  	_ =	swait.ge [sflag:s19], $0x4000  }
0x84: {  	[sflag:s19] =	ssyncset.done $0x0  }
0x85: {  	s29 =	sor.u32 $0x900, s25;
	[sflag:s19] =	ssyncadd.s32 $0xFFFFC000  }
0x86: {  	[spmem:s2] =	stream.indirect.scatter.add.f32 [tilespmem:s17], [sflag:$0x4], $0x80, s29, s16, $0xb8;
	[tilespmem:$0x1D400] =	vst v63  }
0x87: {  	_ =	swait.ge [sflag:s20], $0x4000  }
0x88: {  	[sflag:s20] =	ssyncset.done $0x0  }
0x89: {  	s30 =	sor.u32 $0x200, s25;
	[sflag:s20] =	ssyncadd.s32 $0xFFFFC000  }
0x8a: {  	[tilespmem:s17], [sflag:$0x2] =	stream.indirect.gather [hbm4b:s1+s16], $0x80, s30, s16, $0xb8;
	[tilespmem:$0x1D400] =	vst v63  }
0x8b: {  	_ =	swait.ge [sflag:s21], $0x4000  }
0x8c: {  	[sflag:s21] =	ssyncset.done $0x0  }
0x8d: {  	s31 =	sor.u32 $0x980, s25;
	[sflag:s21] =	ssyncadd.s32 $0xFFFFC000  }
0x8e: {  	[spmem:s2] =	stream.indirect.scatter.add.f32 [tilespmem:s18], [sflag:$0x5], $0x80, s31, s16, $0xb8;
	[tilespmem:$0x1D400] =	vst v63  }
0x8f: {  	_ =	swait.ge [sflag:s22], $0x4000  }
0x90: {  	[sflag:s22] =	ssyncset.done $0x0  }
0x91: {  	s29 =	sor.u32 $0x280, s25;
	[sflag:s22] =	ssyncadd.s32 $0xFFFFC000  }
0x92: {  	[tilespmem:s18], [sflag:$0x3] =	stream.indirect.gather [hbm4b:s1+s16], $0x80, s29, s16, $0xb8;
	[tilespmem:$0x1D400] =	vst v63  }
0x93: {  	_ =	swait.ge [sflag:s19], $0x4000  }
0x94: {  	[sflag:s19] =	ssyncset.done $0x0  }
0x95: {  	s30 =	sor.u32 $0xA00, s25;
	[sflag:s19] =	ssyncadd.s32 $0xFFFFC000  }
0x96: {  	[spmem:s2] =	stream.indirect.scatter.add.f32 [tilespmem:s17], [sflag:$0x4], $0x80, s30, s16, $0xb8;
	[tilespmem:$0x1D400] =	vst v63  }
0x97: {  	_ =	swait.ge [sflag:s20], $0x4000  }
0x98: {  	[sflag:s20] =	ssyncset.done $0x0  }
0x99: {  	s31 =	sor.u32 $0x300, s25;
	[sflag:s20] =	ssyncadd.s32 $0xFFFFC000  }
0x9a: {  	[tilespmem:s17], [sflag:$0x2] =	stream.indirect.gather [hbm4b:s1+s16], $0x80, s31, s16, $0xb8;
	[tilespmem:$0x1D400] =	vst v63  }
0x9b: {  	_ =	swait.ge [sflag:s21], $0x4000  }
0x9c: {  	[sflag:s21] =	ssyncset.done $0x0  }
0x9d: {  	s29 =	sor.u32 $0xA80, s25;
	[sflag:s21] =	ssyncadd.s32 $0xFFFFC000  }
0x9e: {  	[spmem:s2] =	stream.indirect.scatter.add.f32 [tilespmem:s18], [sflag:$0x5], $0x80, s29, s16, $0xb8;
	[tilespmem:$0x1D400] =	vst v63  }
0x9f: {  	_ =	swait.ge [sflag:s22], $0x4000  }
0xa0: {  	[sflag:s22] =	ssyncset.done $0x0  }
0xa1: {  	s30 =	sor.u32 $0x380, s25;
	[sflag:s22] =	ssyncadd.s32 $0xFFFFC000  }
0xa2: {  	[tilespmem:s18], [sflag:$0x3] =	stream.indirect.gather [hbm4b:s1+s16], $0x80, s30, s16, $0xb8;
	[tilespmem:$0x1D400] =	vst v63  }
0xa3: {  	_ =	swait.ge [sflag:s19], $0x4000  }
0xa4: {  	[sflag:s19] =	ssyncset.done $0x0  }
0xa5: {  	s31 =	sor.u32 $0xB00, s25;
	[sflag:s19] =	ssyncadd.s32 $0xFFFFC000  }
0xa6: {  	[spmem:s2] =	stream.indirect.scatter.add.f32 [tilespmem:s17], [sflag:$0x4], $0x80, s31, s16, $0xb8;
	[tilespmem:$0x1D400] =	vst v63  }
0xa7: {  	_ =	swait.ge [sflag:s21], $0x4000  }
0xa8: {  	[sflag:s21] =	ssyncset.done $0x0  }
0xa9: {  	s25 =	sor.u32 $0xB80, s25;
	[sflag:s21] =	ssyncadd.s32 $0xFFFFC000  }
0xaa: {  	[spmem:s2] =	stream.indirect.scatter.add.f32 [tilespmem:s18], [sflag:$0x5], $0x80, s25, s16, $0xb8;
	[tilespmem:$0x1D400] =	vst v63  }
0xab: {  	_ =	swait.ge [sflag:s20], $0x4000  }
0xac: {  	[sflag:s20] =	ssyncset.done $0x0  }
0xad: {  	[sflag:s20] =	ssyncadd.s32 $0xFFFFC000  }
0xae: {  	s26 =	sadd.s32 $0x80, s11;
	_ =	swait.ge [sflag:s22], $0x4000  }
0xaf: {  	s28 =	smov.u32 s10;
	s25 =	simm.s32 $0x400;
	[sflag:s22] =	ssyncset.done $0x0  }
.LBB2_6:
0xb0: {  	[sflag:s22] =	ssyncadd.s32 $0xFFFFC000  }
0xb1: {  	s28 =	sadd.s32 $0x80, s28;
	s29 =	smov.u32 s25;
	s25 =	sadd.s32 $0x400, s25  }
0xb2: {  	_ =	swait.ge [sflag:s15], $0x400;
	p0 =	sne.s32 s25, $0x2800  }
0xb3: {  	[sflag:s15] =	ssyncset.done $0x0  }
0xb4: {  	[sflag:s15] =	ssyncadd.s32 $0xFFFFFC00  }
0xb5: {  	p1 =	seq.s32 s29, $0x2400;
	_ =	swait.ge [sflag:s15], $0x400  }
0xb6: {  	s29 =	sand.u32 @!p1 $0x400, s29;
	[sflag:s15] =	ssyncset.done $0x0  }
0xb7: {  	s31 =	simm.s32 @!p1 $0x0;
	s30 =	sxor.u32 @!p1 $0x400, s29;
	[sflag:s15] =	ssyncadd.s32 $0xFFFFFC00  }
0xb8: {  	[tilespmem:s30], [sflag:$0x1] =	stream.linear.gather @!p1 [hbm4b:s28+s31], $0x400, $0x38;
	[tilespmem:$0x1D400] =	vst v63  }
0xb9: {  	s30 =	sor.u32 @!p1 $0x800, s30  }
0xba: {  	[tilespmem:s30], [sflag:$0x1] =	stream.linear.gather @!p1 [hbm4b:s26+s31], $0x400, $0x38;
	[tilespmem:$0x1D400] =	vst v63  }
0xbb: {  	s29 =	simm.s32 @p1 $0x400  }
0xbc: {  	[tilespmem:s17], [sflag:$0x2] =	stream.indirect.gather [hbm4b:s1+s16], $0x80, s29, s16, $0xb8;
	[tilespmem:$0x1D400] =	vst v63  }
0xbd: {  	s30 =	sor.u32 $0x80, s29  }
0xbe: {  	[tilespmem:s18], [sflag:$0x3] =	stream.indirect.gather [hbm4b:s1+s16], $0x80, s30, s16, $0xb8;
	[tilespmem:$0x1D400] =	vst v63  }
0xbf: {  	_ =	swait.ge [sflag:s19], $0x4000  }
0xc0: {  	[sflag:s19] =	ssyncset.done $0x0  }
0xc1: {  	s30 =	sor.u32 $0x800, s29;
	[sflag:s19] =	ssyncadd.s32 $0xFFFFC000  }
0xc2: {  	[spmem:s2] =	stream.indirect.scatter.add.f32 [tilespmem:s17], [sflag:$0x4], $0x80, s30, s16, $0xb8;
	[tilespmem:$0x1D400] =	vst v63  }
0xc3: {  	_ =	swait.ge [sflag:s20], $0x4000  }
0xc4: {  	[sflag:s20] =	ssyncset.done $0x0  }
0xc5: {  	s30 =	sor.u32 $0x100, s29;
	[sflag:s20] =	ssyncadd.s32 $0xFFFFC000  }
0xc6: {  	[tilespmem:s17], [sflag:$0x2] =	stream.indirect.gather [hbm4b:s1+s16], $0x80, s30, s16, $0xb8;
	[tilespmem:$0x1D400] =	vst v63  }
0xc7: {  	_ =	swait.ge [sflag:s21], $0x4000  }
0xc8: {  	[sflag:s21] =	ssyncset.done $0x0  }
0xc9: {  	s30 =	sor.u32 $0x880, s29;
	[sflag:s21] =	ssyncadd.s32 $0xFFFFC000  }
0xca: {  	[spmem:s2] =	stream.indirect.scatter.add.f32 [tilespmem:s18], [sflag:$0x5], $0x80, s30, s16, $0xb8;
	[tilespmem:$0x1D400] =	vst v63  }
0xcb: {  	_ =	swait.ge [sflag:s22], $0x4000  }
0xcc: {  	[sflag:s22] =	ssyncset.done $0x0  }
0xcd: {  	s30 =	sor.u32 $0x180, s29;
	[sflag:s22] =	ssyncadd.s32 $0xFFFFC000  }
0xce: {  	[tilespmem:s18], [sflag:$0x3] =	stream.indirect.gather [hbm4b:s1+s16], $0x80, s30, s16, $0xb8;
	[tilespmem:$0x1D400] =	vst v63  }
0xcf: {  	_ =	swait.ge [sflag:s19], $0x4000  }
0xd0: {  	[sflag:s19] =	ssyncset.done $0x0  }
0xd1: {  	s30 =	sor.u32 $0x900, s29;
	[sflag:s19] =	ssyncadd.s32 $0xFFFFC000  }
0xd2: {  	[spmem:s2] =	stream.indirect.scatter.add.f32 [tilespmem:s17], [sflag:$0x4], $0x80, s30, s16, $0xb8;
	[tilespmem:$0x1D400] =	vst v63  }
0xd3: {  	_ =	swait.ge [sflag:s20], $0x4000  }
0xd4: {  	[sflag:s20] =	ssyncset.done $0x0  }
0xd5: {  	s30 =	sor.u32 $0x200, s29;
	[sflag:s20] =	ssyncadd.s32 $0xFFFFC000  }
0xd6: {  	[tilespmem:s17], [sflag:$0x2] =	stream.indirect.gather [hbm4b:s1+s16], $0x80, s30, s16, $0xb8;
	[tilespmem:$0x1D400] =	vst v63  }
0xd7: {  	_ =	swait.ge [sflag:s21], $0x4000  }
0xd8: {  	[sflag:s21] =	ssyncset.done $0x0  }
0xd9: {  	s30 =	sor.u32 $0x980, s29;
	[sflag:s21] =	ssyncadd.s32 $0xFFFFC000  }
0xda: {  	[spmem:s2] =	stream.indirect.scatter.add.f32 [tilespmem:s18], [sflag:$0x5], $0x80, s30, s16, $0xb8;
	[tilespmem:$0x1D400] =	vst v63  }
0xdb: {  	_ =	swait.ge [sflag:s22], $0x4000  }
0xdc: {  	[sflag:s22] =	ssyncset.done $0x0  }
0xdd: {  	s30 =	sor.u32 $0x280, s29;
	[sflag:s22] =	ssyncadd.s32 $0xFFFFC000  }
0xde: {  	[tilespmem:s18], [sflag:$0x3] =	stream.indirect.gather [hbm4b:s1+s16], $0x80, s30, s16, $0xb8;
	[tilespmem:$0x1D400] =	vst v63  }
0xdf: {  	_ =	swait.ge [sflag:s19], $0x4000  }
0xe0: {  	[sflag:s19] =	ssyncset.done $0x0  }
0xe1: {  	s30 =	sor.u32 $0xA00, s29;
	[sflag:s19] =	ssyncadd.s32 $0xFFFFC000  }
0xe2: {  	[spmem:s2] =	stream.indirect.scatter.add.f32 [tilespmem:s17], [sflag:$0x4], $0x80, s30, s16, $0xb8;
	[tilespmem:$0x1D400] =	vst v63  }
0xe3: {  	_ =	swait.ge [sflag:s20], $0x4000  }
0xe4: {  	[sflag:s20] =	ssyncset.done $0x0  }
0xe5: {  	s30 =	sor.u32 $0x300, s29;
	[sflag:s20] =	ssyncadd.s32 $0xFFFFC000  }
0xe6: {  	[tilespmem:s17], [sflag:$0x2] =	stream.indirect.gather [hbm4b:s1+s16], $0x80, s30, s16, $0xb8;
	[tilespmem:$0x1D400] =	vst v63  }
0xe7: {  	_ =	swait.ge [sflag:s21], $0x4000  }
0xe8: {  	[sflag:s21] =	ssyncset.done $0x0  }
0xe9: {  	s30 =	sor.u32 $0xA80, s29;
	[sflag:s21] =	ssyncadd.s32 $0xFFFFC000  }
0xea: {  	[spmem:s2] =	stream.indirect.scatter.add.f32 [tilespmem:s18], [sflag:$0x5], $0x80, s30, s16, $0xb8;
	[tilespmem:$0x1D400] =	vst v63  }
0xeb: {  	_ =	swait.ge [sflag:s22], $0x4000  }
0xec: {  	[sflag:s22] =	ssyncset.done $0x0  }
0xed: {  	s30 =	sor.u32 $0x380, s29;
	[sflag:s22] =	ssyncadd.s32 $0xFFFFC000  }
0xee: {  	[tilespmem:s18], [sflag:$0x3] =	stream.indirect.gather [hbm4b:s1+s16], $0x80, s30, s16, $0xb8;
	[tilespmem:$0x1D400] =	vst v63  }
0xef: {  	_ =	swait.ge [sflag:s19], $0x4000  }
0xf0: {  	[sflag:s19] =	ssyncset.done $0x0  }
0xf1: {  	s30 =	sor.u32 $0xB00, s29;
	[sflag:s19] =	ssyncadd.s32 $0xFFFFC000  }
0xf2: {  	[spmem:s2] =	stream.indirect.scatter.add.f32 [tilespmem:s17], [sflag:$0x4], $0x80, s30, s16, $0xb8;
	[tilespmem:$0x1D400] =	vst v63  }
0xf3: {  	_ =	swait.ge [sflag:s21], $0x4000  }
0xf4: {  	[sflag:s21] =	ssyncset.done $0x0  }
0xf5: {  	s29 =	sor.u32 $0xB80, s29;
	[sflag:s21] =	ssyncadd.s32 $0xFFFFC000  }
0xf6: {  	[spmem:s2] =	stream.indirect.scatter.add.f32 [tilespmem:s18], [sflag:$0x5], $0x80, s29, s16, $0xb8;
	[tilespmem:$0x1D400] =	vst v63  }
.Ltmp2:
0xf7: {  	_ =	swait.ge [sflag:s20], $0x4000;
	(pc) =	sbr.rel @p0 .LBB2_6-.Ltmp2, $4  }
0xf8: {  	[sflag:s20] =	ssyncset.done $0x0  }
0xf9: {  	[sflag:s20] =	ssyncadd.s32 $0xFFFFC000  }
0xfa: {  	_ =	swait.ge [sflag:s22], $0x4000  }
0xfb: {  	s26 =	sadd.s32 $0x80, s26;
	[sflag:s22] =	ssyncset.done $0x0  }
0xfc: {  	[sflag:s22] =	ssyncadd.s32 $0xFFFFC000;
	s24 =	sadd.s32 $0x1, s24  }
0xfd: {  	s25 =	sshll.u32 s3, $0x6;
	s26 =	sshrl.u32 s7, $0x3;
	p0 =	sne.s32 s24, s9  }
.Ltmp3:
0xfe: {  	[bflag:$0x0] =	sbarrier.arrive $0xFFFF;
	s25 =	sor.u32 $0x1C07, s25;
	(pc) =	sbr.rel @p0 .LBB2_1-.Ltmp3, $4  }
0xff: {  	[hbm:s8], [sflag:s25] =	dma.local [spmem:s26], $0x2800  }
0x100: {  	_ =	swait.ge [sflag:s23], $0x2800  }
0x101: {  	[sflag:s23] =	ssyncset.done $0x0  }
0x102: {  	[sflag:s23] =	ssyncadd.s32 $0xFFFFD800  }
0x103: {  	_ =	sfence.sel $0x180000  }
0x104: {  	[bflag:$0x0] =	sbarrier.arrive $0xFFFF  }
0x105: {  	p0 =	sne.s32 s3, $0x0;
	_ =	strace $0x9000004A  }
0x106: {  	s0 =	sadd.s32 @!p0 $0x100000, s0;
	[bflag:$0x2] =	sbarrier.arrive $0xFFFF  }
0x107: {  	[sflag:s0] =	ssyncadd.tile.s32 @!p0 $0x1;
	_ =	shalt  }
.Lfunc_end2:
_tile_overlayer_lowered:
.L_overlay_start_2:
0x108: {  	(tag) =	ssettag $0x2  }
0x109: {  	s0 =	rddreg [dreg:$0x0];
	s2 =	stileid.u32  }
0x10a: {  	s1 =	rddreg [dreg:$0x1];
	p0 =	sne.s32 s2, $0x0  }
0x10b: {  	s3 =	rddreg [dreg:$0x2];
	[bflag:$0x3] =	sbarrier.arrive $0xFFFF;
	s2 =	simm.s32 @!p0 $0x1C07  }
0x10c: {  	[timem:s3], [sflag:s2] =	dma.local @!p0 [hbm:s0], s1  }
0x10d: {  	s0 =	simm.s32 @!p0 $0x7  }
0x10e: {  	_ =	swait.ge @!p0 [sflag:s0], s1  }
0x10f: {  	s1 =	ssub.s32 @!p0 $0x0, s1;
	[sflag:s0] =	ssyncset.done @!p0 $0x0  }
0x110: {  	[sflag:s0] =	ssyncadd.s32 @!p0 s1  }
0x111: {  	[bflag:$0x3] =	sbarrier.arrive $0xFFFF  }
0x112: {  	_ =	shalt  }

</sc_bundles>
